<compile_context>
chip_gen: v7x
topology: tpu7x:2x2x1
jax: 0.10.2.dev20260603
libtpu: 0.0.44.dev20260713+nightly
codegen_flags: <defaults>
</compile_context>

<pallas_src>
import functools

import jax
import jax.numpy as jnp
from jax import lax
from jax.experimental import pallas as pl
from jax.experimental.pallas import tpu as pltpu
from jax.experimental.pallas import tpu_sc as plsc

NC = 2
NS = 16
NW = NC * NS
LANES = 16
CHUNK = 128


def _matmul(x, W):
    n, d_in = x.shape
    d_out = W.shape[1]
    blk = 2000
    assert n % blk == 0

    def body(x_ref, w_ref, o_ref):
        o_ref[...] = jnp.dot(x_ref[...], w_ref[...],
                             preferred_element_type=jnp.float32)

    return pl.pallas_call(
        body,
        grid=(n // blk,),
        in_specs=[pl.BlockSpec((blk, d_in), lambda i: (i, 0)),
                  pl.BlockSpec((d_in, d_out), lambda i: (0, 0))],
        out_specs=pl.BlockSpec((blk, d_out), lambda i: (i, 0)),
        out_shape=jax.ShapeDtypeStruct((n, d_out), jnp.float32),
    )(x, W)


def _combine(parts, b, n):
    d = parts.shape[2]
    blk = 2000
    assert n % blk == 0

    def body(p_ref, b_ref, o_ref):
        s = p_ref[0] + p_ref[1] + b_ref[...]
        o_ref[...] = jnp.maximum(s, 0.0)

    return pl.pallas_call(
        body,
        grid=(n // blk,),
        in_specs=[pl.BlockSpec((2, blk, d), lambda i: (0, i, 0)),
                  pl.BlockSpec((1, d), lambda i: (0, 0))],
        out_specs=pl.BlockSpec((blk, d), lambda i: (i, 0)),
        out_shape=jax.ShapeDtypeStruct((n, d), jnp.float32),
    )(parts, b.reshape(1, d))


def _sc_scatter(h, srcm, dstm, adjm, npad, cpw):
    d = h.shape[1]
    rows_per_tile = npad // NS
    zcopies = rows_per_tile // CHUNK
    S = 8
    assert cpw % S == 0
    nsup = cpw // S
    mesh = plsc.VectorSubcoreMesh(core_axis_name="c", subcore_axis_name="s")

    @functools.partial(
        pl.kernel,
        mesh=mesh,
        compiler_params=pltpu.CompilerParams(needs_layout_passes=False),
        out_type=jax.ShapeDtypeStruct((NC, npad, d), jnp.float32),
        scratch_types=[
            pltpu.VMEM((2, S, CHUNK), jnp.int32),
            pltpu.VMEM((2, S, CHUNK), jnp.int32),
            pltpu.VMEM((2, S, CHUNK), jnp.float32),
            pltpu.VMEM((2, CHUNK, d), jnp.float32),
            pltpu.VMEM_SHARED((npad, d), jnp.float32),
            pltpu.SemaphoreType.DMA,
            pltpu.SemaphoreType.DMA,
        ],
    )
    def body(h_hbm, src_hbm, dst_hbm, adj_hbm, out_hbm,
             src_b, dst_b, adj_b, rows_a, acc_sh,
             sem_a, sem_e):
        cid = lax.axis_index("c")
        sid = lax.axis_index("s")
        cbase = (cid * NS + sid) * cpw

        def edge_load(s, slot):
            cb = cbase + s * S
            pltpu.async_copy(src_hbm.at[pl.ds(cb, S)], src_b.at[slot], sem_e)
            pltpu.async_copy(dst_hbm.at[pl.ds(cb, S)], dst_b.at[slot], sem_e)
            pltpu.async_copy(adj_hbm.at[pl.ds(cb, S)], adj_b.at[slot], sem_e)

        def edge_wait(slot):
            pltpu.make_async_copy(src_hbm.at[pl.ds(cbase, S)], src_b.at[slot], sem_e).wait()
            pltpu.make_async_copy(dst_hbm.at[pl.ds(cbase, S)], dst_b.at[slot], sem_e).wait()
            pltpu.make_async_copy(adj_hbm.at[pl.ds(cbase, S)], adj_b.at[slot], sem_e).wait()

        edge_load(0, 0)

        row0 = sid * rows_per_tile
        zvec = jnp.zeros((LANES,), jnp.float32)

        def zrow(r, carry):
            for j in range(d // LANES):
                rows_a[0, r, pl.ds(j * LANES, LANES)] = zvec
            return carry
        lax.fori_loop(0, CHUNK, zrow, 0)

        def zcp(k, carry):
            pltpu.sync_copy(rows_a.at[0],
                            acc_sh.at[pl.ds(row0 + k * CHUNK, CHUNK)])
            return carry
        lax.fori_loop(0, zcopies, zcp, 0)

        edge_wait(0)
        plsc.subcore_barrier()

        def scale_chunk(gb, slot, i):
            def scale_grp(g, c2):
                av = adj_b[slot, i, pl.ds(g * LANES, LANES)]
                for l in range(LANES):
                    ei = g * LANES + l
                    s = av[l]
                    for j in range(d // LANES):
                        v = rows_a[gb, ei, pl.ds(j * LANES, LANES)]
                        rows_a[gb, ei, pl.ds(j * LANES, LANES)] = v * s
                return c2
            lax.fori_loop(0, CHUNK // LANES, scale_grp, 0)

        def sup_body(s, carry):
            slot = lax.rem(s, 2)

            @pl.when(s + 1 < nsup)
            def _prefetch_edges():
                edge_load(s + 1, 1 - slot)

            pltpu.async_copy(h_hbm.at[src_b.at[slot, 0]], rows_a.at[0],
                             sem_a)

            def chunk_body(i, c2):
                gb = lax.rem(i, 2)
                pltpu.make_async_copy(h_hbm.at[src_b.at[slot, i]],
                                      rows_a.at[gb], sem_a).wait()

                @pl.when(i + 1 < S)
                def _prefetch_rows():
                    pltpu.async_copy(h_hbm.at[src_b.at[slot, i + 1]],
                                     rows_a.at[1 - gb], sem_a)
                scale_chunk(gb, slot, i)
                pltpu.sync_copy(rows_a.at[gb], acc_sh.at[dst_b.at[slot, i]],
                                add=True)
                return c2
            lax.fori_loop(0, S, chunk_body, 0)

            @pl.when(s + 1 < nsup)
            def _wait_edges():
                edge_wait(1 - slot)
            return carry
        lax.fori_loop(0, nsup, sup_body, 0)

        plsc.subcore_barrier()

        pltpu.sync_copy(acc_sh.at[pl.ds(row0, rows_per_tile)],
                        out_hbm.at[cid, pl.ds(row0, rows_per_tile)])

    return body(h, srcm, dstm, adjm)


def kernel(x, edge_index, adj_vals, W, b):
    n, d_in = x.shape
    d = W.shape[1]
    e = adj_vals.shape[0]

    h = _matmul(x, W)

    npad = ((n + NS * CHUNK - 1) // (NS * CHUNK)) * (NS * CHUNK)

    S = 8
    cpw = (e + NW * CHUNK - 1) // (NW * CHUNK)
    cpw = ((cpw + S - 1) // S) * S
    epad = NW * cpw * CHUNK
    dst = edge_index[0]
    src = edge_index[1]
    pad = epad - e
    srcm = jnp.concatenate([src, jnp.zeros((pad,), jnp.int32)]).reshape(-1, CHUNK)
    dstm = jnp.concatenate([dst, jnp.zeros((pad,), jnp.int32)]).reshape(-1, CHUNK)
    adjm = jnp.concatenate([adj_vals, jnp.zeros((pad,), jnp.float32)]).reshape(-1, CHUNK)

    parts = _sc_scatter(h, srcm, dstm, adjm, npad, cpw)

    return _combine(parts, b, n)

# --- scband reference (transcript-rebuilt; emitter-appended) ---
"""Pipeline reference for scband-graph-convolution-11235634446664 (READ-ONLY COPY).

The authoritative reference and input builder live on the scoring server;
editing this copy changes nothing except your own understanding.
"""

import jax, jax.numpy as jnp
import numpy as np

N = 10000
E = 320000
D_IN = 128
D_OUT = 128


def setup_inputs(seed: int = 0) -> dict:
    key = jax.random.key(seed)
    k1, k2, k3, k4, k5 = jax.random.split(key, 5)
    x = jax.random.normal(k1, (N, D_IN), dtype=jnp.float32)
    edge_index = jax.random.randint(k2, (2, E), 0, N, dtype=jnp.int32)
    adj_vals = jax.random.uniform(k3, (E,), dtype=jnp.float32)
    stdv = 1.0 / np.sqrt(D_OUT)
    W = jax.random.uniform(k4, (D_IN, D_OUT), minval=-stdv, maxval=stdv, dtype=jnp.float32)
    b = jax.random.uniform(k5, (D_OUT,), minval=-stdv, maxval=stdv, dtype=jnp.float32)
    return {"x": x, "edge_index": edge_index, "adj_vals": adj_vals, "W": W, "b": b}


def reference(x, edge_index, adj_vals, W, b):
    # x = torch.mm(x, self.w)
    h = jnp.dot(x, W)
    # output = torch.sparse.mm(adj, x): out[dst] = sum_e adj_vals[e] * h[src[e]]
    dst = edge_index[0]
    src = edge_index[1]
    msg = jnp.take(h, src, axis=0) * adj_vals[:, None]
    out = jax.ops.segment_sum(msg, dst, num_segments=N)
    # bias + relu
    out = out + b
    return jax.nn.relu(out)

if __name__ == "__main__":
    import jax
    _d = setup_inputs()
    print(jax.jit(kernel)(*tuple(_d.values())))

</pallas_src>

<mosaic_0001>
#map = affine_map<(d0, d1) -> (0, 0)>
#map1 = affine_map<(d0, d1) -> (0, 0, 0)>
module attributes {stable_mosaic.version = 14 : i64} {
  func.func @body(%arg0: i32, %arg1: i32, %arg2: memref<10000x128xf32, #tpu.memory_space<hbm>>, %arg3: memref<2560x128xi32, #tpu.memory_space<hbm>>, %arg4: memref<2560x128xi32, #tpu.memory_space<hbm>>, %arg5: memref<2560x128xf32, #tpu.memory_space<hbm>>, %arg6: memref<2x10240x128xf32, #tpu.memory_space<hbm>>, %arg7: memref<2x8x128xi32, #tpu.memory_space<vmem>>, %arg8: memref<2x8x128xi32, #tpu.memory_space<vmem>>, %arg9: memref<2x8x128xf32, #tpu.memory_space<vmem>>, %arg10: memref<2x128x128xf32, #tpu.memory_space<vmem>>, %arg11: memref<10240x128xf32, #tpu.memory_space<vmem_shared>>, %arg12: memref<!tpu.dma_semaphore, #tpu.memory_space<semaphore_mem>>, %arg13: memref<!tpu.dma_semaphore, #tpu.memory_space<semaphore_mem>>) attributes {dimension_semantics = [#tpu.dimension_semantics<core_parallel>, #tpu.dimension_semantics<subcore_parallel>], iteration_bounds = array<i64: 2, 16>, scalar_prefetch = 0 : i64, scratch_operands = 7 : i64, tpu.core_type = #tpu.core_type<sc_vector_subcore>, window_params = [{transform_indices = #map}, {transform_indices = #map}, {transform_indices = #map}, {transform_indices = #map}, {transform_indices = #map1}]} {
    %mul3A = arith.constant 16 : i32
    %mul3A_0 = arith.muli %arg0, %mul3A : i32
    %add3A = arith.addi %mul3A_0, %arg1 : i32
    %mul3A_1 = arith.constant 80 : i32
    %mul3A_2 = arith.muli %add3A, %mul3A_1 : i32
    %add3A_3 = arith.constant 0 : i32
    %add3A_4 = arith.addi %mul3A_2, %add3A_3 : i32
    %dma_start3A = arith.constant 0 : i32
    %dma_start3A_5 = arith.constant 0 : i32
    %dma_start3A_6 = arith.constant 0 : i32
    %dma_start3A_7 = tpu.memref_slice %arg7[%dma_start3A, %dma_start3A_5, %dma_start3A_6] : memref<2x8x128xi32, #tpu.memory_space<vmem>> -> memref<1x8x128xi32, #tpu.memory_space<vmem>>
    %dma_start3A_8 = tpu.memref_squeeze %dma_start3A_7 : memref<1x8x128xi32, #tpu.memory_space<vmem>> -> memref<8x128xi32, #tpu.memory_space<vmem>>
    %dma_start3A_9 = arith.constant 0 : i32
    %dma_start3A_10 = tpu.memref_slice %arg3[%add3A_4, %dma_start3A_9] : memref<2560x128xi32, #tpu.memory_space<hbm>> -> memref<8x128xi32, #tpu.memory_space<hbm>>
    %dma_start3A_11 = arith.constant 0 : i32
    %dma_start3A_12 = arith.constant 0 : i32
    %dma_start3A_13 = tpu.memref_slice %arg7[%dma_start3A, %dma_start3A_11, %dma_start3A_12] : memref<2x8x128xi32, #tpu.memory_space<vmem>> -> memref<1x8x128xi32, #tpu.memory_space<vmem>>
    %dma_start3A_14 = tpu.memref_squeeze %dma_start3A_13 : memref<1x8x128xi32, #tpu.memory_space<vmem>> -> memref<8x128xi32, #tpu.memory_space<vmem>>
    %dma_start3A_15 = arith.constant 0 : i32
    %dma_start3A_16 = tpu.memref_slice %arg3[%add3A_4, %dma_start3A_15] : memref<2560x128xi32, #tpu.memory_space<hbm>> -> memref<8x128xi32, #tpu.memory_space<hbm>>
    tpu.enqueue_dma source(%dma_start3A_16 : memref<8x128xi32, #tpu.memory_space<hbm>>) target(%dma_start3A_14 : memref<8x128xi32, #tpu.memory_space<vmem>>) target_semaphore(%arg13 : memref<!tpu.dma_semaphore, #tpu.memory_space<semaphore_mem>>)
    %dma_start3A_17 = arith.constant 0 : i32
    %dma_start3A_18 = arith.constant 0 : i32
    %dma_start3A_19 = arith.constant 0 : i32
    %dma_start3A_20 = tpu.memref_slice %arg8[%dma_start3A_17, %dma_start3A_18, %dma_start3A_19] : memref<2x8x128xi32, #tpu.memory_space<vmem>> -> memref<1x8x128xi32, #tpu.memory_space<vmem>>
    %dma_start3A_21 = tpu.memref_squeeze %dma_start3A_20 : memref<1x8x128xi32, #tpu.memory_space<vmem>> -> memref<8x128xi32, #tpu.memory_space<vmem>>
    %dma_start3A_22 = arith.constant 0 : i32
    %dma_start3A_23 = tpu.memref_slice %arg4[%add3A_4, %dma_start3A_22] : memref<2560x128xi32, #tpu.memory_space<hbm>> -> memref<8x128xi32, #tpu.memory_space<hbm>>
    %dma_start3A_24 = arith.constant 0 : i32
    %dma_start3A_25 = arith.constant 0 : i32
    %dma_start3A_26 = tpu.memref_slice %arg8[%dma_start3A_17, %dma_start3A_24, %dma_start3A_25] : memref<2x8x128xi32, #tpu.memory_space<vmem>> -> memref<1x8x128xi32, #tpu.memory_space<vmem>>
    %dma_start3A_27 = tpu.memref_squeeze %dma_start3A_26 : memref<1x8x128xi32, #tpu.memory_space<vmem>> -> memref<8x128xi32, #tpu.memory_space<vmem>>
    %dma_start3A_28 = arith.constant 0 : i32
    %dma_start3A_29 = tpu.memref_slice %arg4[%add3A_4, %dma_start3A_28] : memref<2560x128xi32, #tpu.memory_space<hbm>> -> memref<8x128xi32, #tpu.memory_space<hbm>>
    tpu.enqueue_dma source(%dma_start3A_29 : memref<8x128xi32, #tpu.memory_space<hbm>>) target(%dma_start3A_27 : memref<8x128xi32, #tpu.memory_space<vmem>>) target_semaphore(%arg13 : memref<!tpu.dma_semaphore, #tpu.memory_space<semaphore_mem>>)
    %dma_start3A_30 = arith.constant 0 : i32
    %dma_start3A_31 = arith.constant 0 : i32
    %dma_start3A_32 = arith.constant 0 : i32
    %dma_start3A_33 = tpu.memref_slice %arg9[%dma_start3A_30, %dma_start3A_31, %dma_start3A_32] : memref<2x8x128xf32, #tpu.memory_space<vmem>> -> memref<1x8x128xf32, #tpu.memory_space<vmem>>
    %dma_start3A_34 = tpu.memref_squeeze %dma_start3A_33 : memref<1x8x128xf32, #tpu.memory_space<vmem>> -> memref<8x128xf32, #tpu.memory_space<vmem>>
    %dma_start3A_35 = arith.constant 0 : i32
    %dma_start3A_36 = tpu.memref_slice %arg5[%add3A_4, %dma_start3A_35] : memref<2560x128xf32, #tpu.memory_space<hbm>> -> memref<8x128xf32, #tpu.memory_space<hbm>>
    %dma_start3A_37 = arith.constant 0 : i32
    %dma_start3A_38 = arith.constant 0 : i32
    %dma_start3A_39 = tpu.memref_slice %arg9[%dma_start3A_30, %dma_start3A_37, %dma_start3A_38] : memref<2x8x128xf32, #tpu.memory_space<vmem>> -> memref<1x8x128xf32, #tpu.memory_space<vmem>>
    %dma_start3A_40 = tpu.memref_squeeze %dma_start3A_39 : memref<1x8x128xf32, #tpu.memory_space<vmem>> -> memref<8x128xf32, #tpu.memory_space<vmem>>
    %dma_start3A_41 = arith.constant 0 : i32
    %dma_start3A_42 = tpu.memref_slice %arg5[%add3A_4, %dma_start3A_41] : memref<2560x128xf32, #tpu.memory_space<hbm>> -> memref<8x128xf32, #tpu.memory_space<hbm>>
    tpu.enqueue_dma source(%dma_start3A_42 : memref<8x128xf32, #tpu.memory_space<hbm>>) target(%dma_start3A_40 : memref<8x128xf32, #tpu.memory_space<vmem>>) target_semaphore(%arg13 : memref<!tpu.dma_semaphore, #tpu.memory_space<semaphore_mem>>)
    %mul3A_43 = arith.constant 640 : i32
    %mul3A_44 = arith.muli %arg1, %mul3A_43 : i32
    %broadcast_in_dim3A = arith.constant 0.000000e+00 : f32
    %broadcast_in_dim3A_45 = vector.broadcast %broadcast_in_dim3A : f32 to vector<16xf32>
    %scan3A = arith.constant 0 : i32
    %scan3A_46 = arith.constant 0 : i32
    %scan3A_47 = arith.constant 128 : i32
    %scan3A_48 = arith.addi %scan3A_46, %scan3A_47 : i32
    %scan3A_49 = arith.constant 1 : i32
    scf.for %scan3A_102 = %scan3A_46 to %scan3A_48 step %scan3A_49  : i32 {
      %swap3A = arith.constant 0 : i32
      %swap3A_103 = arith.index_cast %swap3A : i32 to index
      %swap3A_104 = arith.index_cast %scan3A_102 : i32 to index
      %swap3A_105 = arith.constant 0 : index
      %swap3A_106 = tpu.vector_load %arg10[%swap3A_103, %swap3A_104, %swap3A_105] {strides = array<i32>} : memref<2x128x128xf32, #tpu.memory_space<vmem>>, vector<16xf32>,
      tpu.vector_store %arg10[%swap3A_103, %swap3A_104, %swap3A_105], %broadcast_in_dim3A_45 {strides = array<i32>} : memref<2x128x128xf32, #tpu.memory_space<vmem>>, vector<16xf32>,
      %swap3A_107 = arith.constant 0 : i32
      %swap3A_108 = arith.index_cast %swap3A_107 : i32 to index
      %swap3A_109 = arith.index_cast %scan3A_102 : i32 to index
      %swap3A_110 = arith.constant 16 : index
      %swap3A_111 = tpu.vector_load %arg10[%swap3A_108, %swap3A_109, %swap3A_110] {strides = array<i32>} : memref<2x128x128xf32, #tpu.memory_space<vmem>>, vector<16xf32>,
      tpu.vector_store %arg10[%swap3A_108, %swap3A_109, %swap3A_110], %broadcast_in_dim3A_45 {strides = array<i32>} : memref<2x128x128xf32, #tpu.memory_space<vmem>>, vector<16xf32>,
      %swap3A_112 = arith.constant 0 : i32
      %swap3A_113 = arith.index_cast %swap3A_112 : i32 to index
      %swap3A_114 = arith.index_cast %scan3A_102 : i32 to index
      %swap3A_115 = arith.constant 32 : index
      %swap3A_116 = tpu.vector_load %arg10[%swap3A_113, %swap3A_114, %swap3A_115] {strides = array<i32>} : memref<2x128x128xf32, #tpu.memory_space<vmem>>, vector<16xf32>,
      tpu.vector_store %arg10[%swap3A_113, %swap3A_114, %swap3A_115], %broadcast_in_dim3A_45 {strides = array<i32>} : memref<2x128x128xf32, #tpu.memory_space<vmem>>, vector<16xf32>,
      %swap3A_117 = arith.constant 0 : i32
      %swap3A_118 = arith.index_cast %swap3A_117 : i32 to index
      %swap3A_119 = arith.index_cast %scan3A_102 : i32 to index
      %swap3A_120 = arith.constant 48 : index
      %swap3A_121 = tpu.vector_load %arg10[%swap3A_118, %swap3A_119, %swap3A_120] {strides = array<i32>} : memref<2x128x128xf32, #tpu.memory_space<vmem>>, vector<16xf32>,
      tpu.vector_store %arg10[%swap3A_118, %swap3A_119, %swap3A_120], %broadcast_in_dim3A_45 {strides = array<i32>} : memref<2x128x128xf32, #tpu.memory_space<vmem>>, vector<16xf32>,
      %swap3A_122 = arith.constant 0 : i32
      %swap3A_123 = arith.index_cast %swap3A_122 : i32 to index
      %swap3A_124 = arith.index_cast %scan3A_102 : i32 to index
      %swap3A_125 = arith.constant 64 : index
      %swap3A_126 = tpu.vector_load %arg10[%swap3A_123, %swap3A_124, %swap3A_125] {strides = array<i32>} : memref<2x128x128xf32, #tpu.memory_space<vmem>>, vector<16xf32>,
      tpu.vector_store %arg10[%swap3A_123, %swap3A_124, %swap3A_125], %broadcast_in_dim3A_45 {strides = array<i32>} : memref<2x128x128xf32, #tpu.memory_space<vmem>>, vector<16xf32>,
      %swap3A_127 = arith.constant 0 : i32
      %swap3A_128 = arith.index_cast %swap3A_127 : i32 to index
      %swap3A_129 = arith.index_cast %scan3A_102 : i32 to index
      %swap3A_130 = arith.constant 80 : index
      %swap3A_131 = tpu.vector_load %arg10[%swap3A_128, %swap3A_129, %swap3A_130] {strides = array<i32>} : memref<2x128x128xf32, #tpu.memory_space<vmem>>, vector<16xf32>,
      tpu.vector_store %arg10[%swap3A_128, %swap3A_129, %swap3A_130], %broadcast_in_dim3A_45 {strides = array<i32>} : memref<2x128x128xf32, #tpu.memory_space<vmem>>, vector<16xf32>,
      %swap3A_132 = arith.constant 0 : i32
      %swap3A_133 = arith.index_cast %swap3A_132 : i32 to index
      %swap3A_134 = arith.index_cast %scan3A_102 : i32 to index
      %swap3A_135 = arith.constant 96 : index
      %swap3A_136 = tpu.vector_load %arg10[%swap3A_133, %swap3A_134, %swap3A_135] {strides = array<i32>} : memref<2x128x128xf32, #tpu.memory_space<vmem>>, vector<16xf32>,
      tpu.vector_store %arg10[%swap3A_133, %swap3A_134, %swap3A_135], %broadcast_in_dim3A_45 {strides = array<i32>} : memref<2x128x128xf32, #tpu.memory_space<vmem>>, vector<16xf32>,
      %swap3A_137 = arith.constant 0 : i32
      %swap3A_138 = arith.index_cast %swap3A_137 : i32 to index
      %swap3A_139 = arith.index_cast %scan3A_102 : i32 to index
      %swap3A_140 = arith.constant 112 : index
      %swap3A_141 = tpu.vector_load %arg10[%swap3A_138, %swap3A_139, %swap3A_140] {strides = array<i32>} : memref<2x128x128xf32, #tpu.memory_space<vmem>>, vector<16xf32>,
      tpu.vector_store %arg10[%swap3A_138, %swap3A_139, %swap3A_140], %broadcast_in_dim3A_45 {strides = array<i32>} : memref<2x128x128xf32, #tpu.memory_space<vmem>>, vector<16xf32>,
    }
    %scan3A_50 = arith.constant 128 : i32
    %scan3A_51 = arith.constant 0 : i32
    %scan3A_52 = arith.constant 0 : i32
    %scan3A_53 = arith.constant 5 : i32
    %scan3A_54 = arith.addi %scan3A_52, %scan3A_53 : i32
    %scan3A_55 = arith.constant 1 : i32
    scf.for %scan3A_102 = %scan3A_52 to %scan3A_54 step %scan3A_55  : i32 {
      %mul3A_103 = arith.constant 128 : i32
      %mul3A_104 = arith.muli %scan3A_102, %mul3A_103 : i32
      %add3A_105 = arith.addi %mul3A_44, %mul3A_104 : i32
      %run_scoped3A = arith.constant 0 : i32
      "tpu.region"() ({
        %run_scoped3A_106 = tpu.sem_alloc : memref<!tpu.dma_semaphore, #tpu.memory_space<semaphore_mem>>
        %dma_start3A_107 = arith.constant 0 : i32
        %dma_start3A_108 = arith.constant 0 : i32
        %dma_start3A_109 = tpu.memref_slice %arg10[%run_scoped3A, %dma_start3A_107, %dma_start3A_108] : memref<2x128x128xf32, #tpu.memory_space<vmem>> -> memref<1x128x128xf32, #tpu.memory_space<vmem>>
        %dma_start3A_110 = tpu.memref_squeeze %dma_start3A_109 : memref<1x128x128xf32, #tpu.memory_space<vmem>> -> memref<128x128xf32, #tpu.memory_space<vmem>>
        %dma_start3A_111 = arith.constant 0 : i32
        %dma_start3A_112 = tpu.memref_slice %arg11[%add3A_105, %dma_start3A_111] : memref<10240x128xf32, #tpu.memory_space<vmem_shared>> -> memref<128x128xf32, #tpu.memory_space<vmem_shared>>
        %dma_start3A_113 = arith.constant 0 : i32
        %dma_start3A_114 = tpu.memref_slice %arg11[%add3A_105, %dma_start3A_113] : memref<10240x128xf32, #tpu.memory_space<vmem_shared>> -> memref<128x128xf32, #tpu.memory_space<vmem_shared>>
        %dma_start3A_115 = arith.constant 0 : i32
        %dma_start3A_116 = arith.constant 0 : i32
        %dma_start3A_117 = tpu.memref_slice %arg10[%run_scoped3A, %dma_start3A_115, %dma_start3A_116] : memref<2x128x128xf32, #tpu.memory_space<vmem>> -> memref<1x128x128xf32, #tpu.memory_space<vmem>>
        %dma_start3A_118 = tpu.memref_squeeze %dma_start3A_117 : memref<1x128x128xf32, #tpu.memory_space<vmem>> -> memref<128x128xf32, #tpu.memory_space<vmem>>
        tpu.enqueue_dma source(%dma_start3A_118 : memref<128x128xf32, #tpu.memory_space<vmem>>) target(%dma_start3A_114 : memref<128x128xf32, #tpu.memory_space<vmem_shared>>) target_semaphore(%run_scoped3A_106 : memref<!tpu.dma_semaphore, #tpu.memory_space<semaphore_mem>>)
        %dma_wait3A_119 = arith.constant 0 : i32
        %dma_wait3A_120 = arith.constant 0 : i32
        %dma_wait3A_121 = tpu.memref_slice %arg10[%run_scoped3A, %dma_wait3A_119, %dma_wait3A_120] : memref<2x128x128xf32, #tpu.memory_space<vmem>> -> memref<1x128x128xf32, #tpu.memory_space<vmem>>
        %dma_wait3A_122 = tpu.memref_squeeze %dma_wait3A_121 : memref<1x128x128xf32, #tpu.memory_space<vmem>> -> memref<128x128xf32, #tpu.memory_space<vmem>>
        %dma_wait3A_123 = arith.constant 0 : i32
        %dma_wait3A_124 = tpu.memref_slice %arg11[%add3A_105, %dma_wait3A_123] : memref<10240x128xf32, #tpu.memory_space<vmem_shared>> -> memref<128x128xf32, #tpu.memory_space<vmem_shared>>
        %dma_wait3A_125 = arith.constant 0 : i32
        %dma_wait3A_126 = tpu.memref_slice %arg11[%add3A_105, %dma_wait3A_125] : memref<10240x128xf32, #tpu.memory_space<vmem_shared>> -> memref<128x128xf32, #tpu.memory_space<vmem_shared>>
        %dma_wait3A_127 = arith.constant 0 : i32
        %dma_wait3A_128 = arith.constant 0 : i32
        %dma_wait3A_129 = tpu.memref_slice %arg10[%run_scoped3A, %dma_wait3A_127, %dma_wait3A_128] : memref<2x128x128xf32, #tpu.memory_space<vmem>> -> memref<1x128x128xf32, #tpu.memory_space<vmem>>
        %dma_wait3A_130 = tpu.memref_squeeze %dma_wait3A_129 : memref<1x128x128xf32, #tpu.memory_space<vmem>> -> memref<128x128xf32, #tpu.memory_space<vmem>>
        tpu.wait_dma2 semaphore(%run_scoped3A_106 : memref<!tpu.dma_semaphore, #tpu.memory_space<semaphore_mem>>) src(%dma_wait3A_130 : memref<128x128xf32, #tpu.memory_space<vmem>>) dst(%dma_wait3A_126 : memref<128x128xf32, #tpu.memory_space<vmem_shared>>)
        tpu.yield
      }) : () -> ()
    }
    %scan3A_56 = arith.constant 5 : i32
    %dma_wait3A = arith.constant 0 : i32
    %dma_wait3A_57 = arith.constant 0 : i32
    %dma_wait3A_58 = arith.constant 0 : i32
    %dma_wait3A_59 = tpu.memref_slice %arg7[%dma_wait3A, %dma_wait3A_57, %dma_wait3A_58] : memref<2x8x128xi32, #tpu.memory_space<vmem>> -> memref<1x8x128xi32, #tpu.memory_space<vmem>>
    %dma_wait3A_60 = tpu.memref_squeeze %dma_wait3A_59 : memref<1x8x128xi32, #tpu.memory_space<vmem>> -> memref<8x128xi32, #tpu.memory_space<vmem>>
    %dma_wait3A_61 = arith.constant 0 : i32
    %dma_wait3A_62 = tpu.memref_slice %arg3[%mul3A_2, %dma_wait3A_61] : memref<2560x128xi32, #tpu.memory_space<hbm>> -> memref<8x128xi32, #tpu.memory_space<hbm>>
    %dma_wait3A_63 = arith.constant 0 : i32
    %dma_wait3A_64 = arith.constant 0 : i32
    %dma_wait3A_65 = tpu.memref_slice %arg7[%dma_wait3A, %dma_wait3A_63, %dma_wait3A_64] : memref<2x8x128xi32, #tpu.memory_space<vmem>> -> memref<1x8x128xi32, #tpu.memory_space<vmem>>
    %dma_wait3A_66 = tpu.memref_squeeze %dma_wait3A_65 : memref<1x8x128xi32, #tpu.memory_space<vmem>> -> memref<8x128xi32, #tpu.memory_space<vmem>>
    %dma_wait3A_67 = arith.constant 0 : i32
    %dma_wait3A_68 = tpu.memref_slice %arg3[%mul3A_2, %dma_wait3A_67] : memref<2560x128xi32, #tpu.memory_space<hbm>> -> memref<8x128xi32, #tpu.memory_space<hbm>>
    tpu.wait_dma2 semaphore(%arg13 : memref<!tpu.dma_semaphore, #tpu.memory_space<semaphore_mem>>) src(%dma_wait3A_68 : memref<8x128xi32, #tpu.memory_space<hbm>>) dst(%dma_wait3A_66 : memref<8x128xi32, #tpu.memory_space<vmem>>)
    %dma_wait3A_69 = arith.constant 0 : i32
    %dma_wait3A_70 = arith.constant 0 : i32
    %dma_wait3A_71 = arith.constant 0 : i32
    %dma_wait3A_72 = tpu.memref_slice %arg8[%dma_wait3A_69, %dma_wait3A_70, %dma_wait3A_71] : memref<2x8x128xi32, #tpu.memory_space<vmem>> -> memref<1x8x128xi32, #tpu.memory_space<vmem>>
    %dma_wait3A_73 = tpu.memref_squeeze %dma_wait3A_72 : memref<1x8x128xi32, #tpu.memory_space<vmem>> -> memref<8x128xi32, #tpu.memory_space<vmem>>
    %dma_wait3A_74 = arith.constant 0 : i32
    %dma_wait3A_75 = tpu.memref_slice %arg4[%mul3A_2, %dma_wait3A_74] : memref<2560x128xi32, #tpu.memory_space<hbm>> -> memref<8x128xi32, #tpu.memory_space<hbm>>
    %dma_wait3A_76 = arith.constant 0 : i32
    %dma_wait3A_77 = arith.constant 0 : i32
    %dma_wait3A_78 = tpu.memref_slice %arg8[%dma_wait3A_69, %dma_wait3A_76, %dma_wait3A_77] : memref<2x8x128xi32, #tpu.memory_space<vmem>> -> memref<1x8x128xi32, #tpu.memory_space<vmem>>
    %dma_wait3A_79 = tpu.memref_squeeze %dma_wait3A_78 : memref<1x8x128xi32, #tpu.memory_space<vmem>> -> memref<8x128xi32, #tpu.memory_space<vmem>>
    %dma_wait3A_80 = arith.constant 0 : i32
    %dma_wait3A_81 = tpu.memref_slice %arg4[%mul3A_2, %dma_wait3A_80] : memref<2560x128xi32, #tpu.memory_space<hbm>> -> memref<8x128xi32, #tpu.memory_space<hbm>>
    tpu.wait_dma2 semaphore(%arg13 : memref<!tpu.dma_semaphore, #tpu.memory_space<semaphore_mem>>) src(%dma_wait3A_81 : memref<8x128xi32, #tpu.memory_space<hbm>>) dst(%dma_wait3A_79 : memref<8x128xi32, #tpu.memory_space<vmem>>)
    %dma_wait3A_82 = arith.constant 0 : i32
    %dma_wait3A_83 = arith.constant 0 : i32
    %dma_wait3A_84 = arith.constant 0 : i32
    %dma_wait3A_85 = tpu.memref_slice %arg9[%dma_wait3A_82, %dma_wait3A_83, %dma_wait3A_84] : memref<2x8x128xf32, #tpu.memory_space<vmem>> -> memref<1x8x128xf32, #tpu.memory_space<vmem>>
    %dma_wait3A_86 = tpu.memref_squeeze %dma_wait3A_85 : memref<1x8x128xf32, #tpu.memory_space<vmem>> -> memref<8x128xf32, #tpu.memory_space<vmem>>
    %dma_wait3A_87 = arith.constant 0 : i32
    %dma_wait3A_88 = tpu.memref_slice %arg5[%mul3A_2, %dma_wait3A_87] : memref<2560x128xf32, #tpu.memory_space<hbm>> -> memref<8x128xf32, #tpu.memory_space<hbm>>
    %dma_wait3A_89 = arith.constant 0 : i32
    %dma_wait3A_90 = arith.constant 0 : i32
    %dma_wait3A_91 = tpu.memref_slice %arg9[%dma_wait3A_82, %dma_wait3A_89, %dma_wait3A_90] : memref<2x8x128xf32, #tpu.memory_space<vmem>> -> memref<1x8x128xf32, #tpu.memory_space<vmem>>
    %dma_wait3A_92 = tpu.memref_squeeze %dma_wait3A_91 : memref<1x8x128xf32, #tpu.memory_space<vmem>> -> memref<8x128xf32, #tpu.memory_space<vmem>>
    %dma_wait3A_93 = arith.constant 0 : i32
    %dma_wait3A_94 = tpu.memref_slice %arg5[%mul3A_2, %dma_wait3A_93] : memref<2560x128xf32, #tpu.memory_space<hbm>> -> memref<8x128xf32, #tpu.memory_space<hbm>>
    tpu.wait_dma2 semaphore(%arg13 : memref<!tpu.dma_semaphore, #tpu.memory_space<semaphore_mem>>) src(%dma_wait3A_94 : memref<8x128xf32, #tpu.memory_space<hbm>>) dst(%dma_wait3A_92 : memref<8x128xf32, #tpu.memory_space<vmem>>)
    %barrier3A = arith.constant 0 : index
    tpu.barrier barrier_id(%barrier3A)
    %scan3A_95 = arith.constant 0 : i32
    %scan3A_96 = arith.constant 0 : i32
    %scan3A_97 = arith.constant 10 : i32
    %scan3A_98 = arith.addi %scan3A_96, %scan3A_97 : i32
    %scan3A_99 = arith.constant 1 : i32
    scf.for %scan3A_102 = %scan3A_96 to %scan3A_98 step %scan3A_99  : i32 {
      %rem3A = arith.constant 2 : i32
      %rem3A_103 = arith.remsi %scan3A_102, %rem3A : i32
      %add3A_104 = arith.constant 1 : i32
      %add3A_105 = arith.addi %scan3A_102, %add3A_104 : i32
      %lt3A = arith.constant 10 : i32
      %lt3A_106 = arith.cmpi slt, %add3A_105, %lt3A : i32
      %convert_element_type3A = arith.extui %lt3A_106 : i1 to i32
      %cond3A = arith.constant 0 : i32
      %cond3A_107 = arith.cmpi ne, %convert_element_type3A, %cond3A : i32
      scf.if %cond3A_107 {
        %add3A_133 = arith.constant 1 : i32
        %add3A_134 = arith.addi %scan3A_102, %add3A_133 : i32
        %sub3A = arith.constant 1 : i32
        %sub3A_135 = arith.subi %sub3A, %rem3A_103 : i32
        %mul3A_136 = arith.constant 8 : i32
        %mul3A_137 = arith.muli %add3A_134, %mul3A_136 : i32
        %add3A_138 = arith.addi %mul3A_2, %mul3A_137 : i32
        %dma_start3A_139 = arith.constant 0 : i32
        %dma_start3A_140 = arith.constant 0 : i32
        %dma_start3A_141 = tpu.memref_slice %arg7[%sub3A_135, %dma_start3A_139, %dma_start3A_140] : memref<2x8x128xi32, #tpu.memory_space<vmem>> -> memref<1x8x128xi32, #tpu.memory_space<vmem>>
        %dma_start3A_142 = tpu.memref_squeeze %dma_start3A_141 : memref<1x8x128xi32, #tpu.memory_space<vmem>> -> memref<8x128xi32, #tpu.memory_space<vmem>>
        %dma_start3A_143 = arith.constant 0 : i32
        %dma_start3A_144 = tpu.memref_slice %arg3[%add3A_138, %dma_start3A_143] : memref<2560x128xi32, #tpu.memory_space<hbm>> -> memref<8x128xi32, #tpu.memory_space<hbm>>
        %dma_start3A_145 = arith.constant 0 : i32
        %dma_start3A_146 = arith.constant 0 : i32
        %dma_start3A_147 = tpu.memref_slice %arg7[%sub3A_135, %dma_start3A_145, %dma_start3A_146] : memref<2x8x128xi32, #tpu.memory_space<vmem>> -> memref<1x8x128xi32, #tpu.memory_space<vmem>>
        %dma_start3A_148 = tpu.memref_squeeze %dma_start3A_147 : memref<1x8x128xi32, #tpu.memory_space<vmem>> -> memref<8x128xi32, #tpu.memory_space<vmem>>
        %dma_start3A_149 = arith.constant 0 : i32
        %dma_start3A_150 = tpu.memref_slice %arg3[%add3A_138, %dma_start3A_149] : memref<2560x128xi32, #tpu.memory_space<hbm>> -> memref<8x128xi32, #tpu.memory_space<hbm>>
        tpu.enqueue_dma source(%dma_start3A_150 : memref<8x128xi32, #tpu.memory_space<hbm>>) target(%dma_start3A_148 : memref<8x128xi32, #tpu.memory_space<vmem>>) target_semaphore(%arg13 : memref<!tpu.dma_semaphore, #tpu.memory_space<semaphore_mem>>)
        %dma_start3A_151 = arith.constant 0 : i32
        %dma_start3A_152 = arith.constant 0 : i32
        %dma_start3A_153 = tpu.memref_slice %arg8[%sub3A_135, %dma_start3A_151, %dma_start3A_152] : memref<2x8x128xi32, #tpu.memory_space<vmem>> -> memref<1x8x128xi32, #tpu.memory_space<vmem>>
        %dma_start3A_154 = tpu.memref_squeeze %dma_start3A_153 : memref<1x8x128xi32, #tpu.memory_space<vmem>> -> memref<8x128xi32, #tpu.memory_space<vmem>>
        %dma_start3A_155 = arith.constant 0 : i32
        %dma_start3A_156 = tpu.memref_slice %arg4[%add3A_138, %dma_start3A_155] : memref<2560x128xi32, #tpu.memory_space<hbm>> -> memref<8x128xi32, #tpu.memory_space<hbm>>
        %dma_start3A_157 = arith.constant 0 : i32
        %dma_start3A_158 = arith.constant 0 : i32
        %dma_start3A_159 = tpu.memref_slice %arg8[%sub3A_135, %dma_start3A_157, %dma_start3A_158] : memref<2x8x128xi32, #tpu.memory_space<vmem>> -> memref<1x8x128xi32, #tpu.memory_space<vmem>>
        %dma_start3A_160 = tpu.memref_squeeze %dma_start3A_159 : memref<1x8x128xi32, #tpu.memory_space<vmem>> -> memref<8x128xi32, #tpu.memory_space<vmem>>
        %dma_start3A_161 = arith.constant 0 : i32
        %dma_start3A_162 = tpu.memref_slice %arg4[%add3A_138, %dma_start3A_161] : memref<2560x128xi32, #tpu.memory_space<hbm>> -> memref<8x128xi32, #tpu.memory_space<hbm>>
        tpu.enqueue_dma source(%dma_start3A_162 : memref<8x128xi32, #tpu.memory_space<hbm>>) target(%dma_start3A_160 : memref<8x128xi32, #tpu.memory_space<vmem>>) target_semaphore(%arg13 : memref<!tpu.dma_semaphore, #tpu.memory_space<semaphore_mem>>)
        %dma_start3A_163 = arith.constant 0 : i32
        %dma_start3A_164 = arith.constant 0 : i32
        %dma_start3A_165 = tpu.memref_slice %arg9[%sub3A_135, %dma_start3A_163, %dma_start3A_164] : memref<2x8x128xf32, #tpu.memory_space<vmem>> -> memref<1x8x128xf32, #tpu.memory_space<vmem>>
        %dma_start3A_166 = tpu.memref_squeeze %dma_start3A_165 : memref<1x8x128xf32, #tpu.memory_space<vmem>> -> memref<8x128xf32, #tpu.memory_space<vmem>>
        %dma_start3A_167 = arith.constant 0 : i32
        %dma_start3A_168 = tpu.memref_slice %arg5[%add3A_138, %dma_start3A_167] : memref<2560x128xf32, #tpu.memory_space<hbm>> -> memref<8x128xf32, #tpu.memory_space<hbm>>
        %dma_start3A_169 = arith.constant 0 : i32
        %dma_start3A_170 = arith.constant 0 : i32
        %dma_start3A_171 = tpu.memref_slice %arg9[%sub3A_135, %dma_start3A_169, %dma_start3A_170] : memref<2x8x128xf32, #tpu.memory_space<vmem>> -> memref<1x8x128xf32, #tpu.memory_space<vmem>>
        %dma_start3A_172 = tpu.memref_squeeze %dma_start3A_171 : memref<1x8x128xf32, #tpu.memory_space<vmem>> -> memref<8x128xf32, #tpu.memory_space<vmem>>
        %dma_start3A_173 = arith.constant 0 : i32
        %dma_start3A_174 = tpu.memref_slice %arg5[%add3A_138, %dma_start3A_173] : memref<2560x128xf32, #tpu.memory_space<hbm>> -> memref<8x128xf32, #tpu.memory_space<hbm>>
        tpu.enqueue_dma source(%dma_start3A_174 : memref<8x128xf32, #tpu.memory_space<hbm>>) target(%dma_start3A_172 : memref<8x128xf32, #tpu.memory_space<vmem>>) target_semaphore(%arg13 : memref<!tpu.dma_semaphore, #tpu.memory_space<semaphore_mem>>)
      } else {
      }
      %dma_start3A_108 = arith.constant 0 : i32
      %dma_start3A_109 = arith.constant 0 : i32
      %dma_start3A_110 = arith.constant 0 : i32
      %dma_start3A_111 = arith.constant 0 : i32
      %dma_start3A_112 = tpu.memref_slice %arg10[%dma_start3A_109, %dma_start3A_110, %dma_start3A_111] : memref<2x128x128xf32, #tpu.memory_space<vmem>> -> memref<1x128x128xf32, #tpu.memory_space<vmem>>
      %dma_start3A_113 = tpu.memref_squeeze %dma_start3A_112 : memref<1x128x128xf32, #tpu.memory_space<vmem>> -> memref<128x128xf32, #tpu.memory_space<vmem>>
      %dma_start3A_114 = arith.constant 0 : i32
      %dma_start3A_115 = tpu.memref_slice %arg7[%rem3A_103, %dma_start3A_108, %dma_start3A_114] : memref<2x8x128xi32, #tpu.memory_space<vmem>> -> memref<1x1x128xi32, #tpu.memory_space<vmem>>
      %dma_start3A_116 = tpu.memref_squeeze %dma_start3A_115 : memref<1x1x128xi32, #tpu.memory_space<vmem>> -> memref<128xi32, #tpu.memory_space<vmem>>
      %dma_start3A_117 = arith.constant 0 : i32
      %dma_start3A_118 = arith.constant 0 : i32
      %dma_start3A_119 = tpu.memref_slice %arg2[%dma_start3A_117, %dma_start3A_118] : memref<10000x128xf32, #tpu.memory_space<hbm>> -> memref<10000x128xf32, #tpu.memory_space<hbm>>
      tpu.enqueue_indirect_dma source(%dma_start3A_119 : memref<10000x128xf32, #tpu.memory_space<hbm>>) target(%dma_start3A_113 : memref<128x128xf32, #tpu.memory_space<vmem>>) offsets(%dma_start3A_116 : memref<128xi32, #tpu.memory_space<vmem>>) semaphore(%arg12 : memref<!tpu.dma_semaphore, #tpu.memory_space<semaphore_mem>>)
      %scan3A_120 = arith.constant 0 : i32
      %scan3A_121 = arith.constant 0 : i32
      %scan3A_122 = arith.constant 8 : i32
      %scan3A_123 = arith.addi %scan3A_121, %scan3A_122 : i32
      %scan3A_124 = arith.constant 1 : i32
      scf.for %scan3A_133 = %scan3A_121 to %scan3A_123 step %scan3A_124  : i32 {
        %rem3A_134 = arith.constant 2 : i32
        %rem3A_135 = arith.remsi %scan3A_133, %rem3A_134 : i32
        %dma_wait3A_136 = arith.constant 0 : i32
        %dma_wait3A_137 = arith.constant 0 : i32
        %dma_wait3A_138 = tpu.memref_slice %arg10[%rem3A_135, %dma_wait3A_136, %dma_wait3A_137] : memref<2x128x128xf32, #tpu.memory_space<vmem>> -> memref<1x128x128xf32, #tpu.memory_space<vmem>>
        %dma_wait3A_139 = tpu.memref_squeeze %dma_wait3A_138 : memref<1x128x128xf32, #tpu.memory_space<vmem>> -> memref<128x128xf32, #tpu.memory_space<vmem>>
        %dma_wait3A_140 = arith.constant 0 : i32
        %dma_wait3A_141 = tpu.memref_slice %arg7[%rem3A_103, %scan3A_133, %dma_wait3A_140] : memref<2x8x128xi32, #tpu.memory_space<vmem>> -> memref<1x1x128xi32, #tpu.memory_space<vmem>>
        %dma_wait3A_142 = tpu.memref_squeeze %dma_wait3A_141 : memref<1x1x128xi32, #tpu.memory_space<vmem>> -> memref<128xi32, #tpu.memory_space<vmem>>
        %dma_wait3A_143 = arith.constant 0 : i32
        %dma_wait3A_144 = arith.constant 0 : i32
        %dma_wait3A_145 = tpu.memref_slice %arg2[%dma_wait3A_143, %dma_wait3A_144] : memref<10000x128xf32, #tpu.memory_space<hbm>> -> memref<10000x128xf32, #tpu.memory_space<hbm>>
        tpu.wait_indirect_dma semaphore(%arg12 : memref<!tpu.dma_semaphore, #tpu.memory_space<semaphore_mem>>) src(%dma_wait3A_145 : memref<10000x128xf32, #tpu.memory_space<hbm>>) dst(%dma_wait3A_139 : memref<128x128xf32, #tpu.memory_space<vmem>>)
        %add3A_146 = arith.constant 1 : i32
        %add3A_147 = arith.addi %scan3A_133, %add3A_146 : i32
        %lt3A_148 = arith.constant 8 : i32
        %lt3A_149 = arith.cmpi slt, %add3A_147, %lt3A_148 : i32
        %convert_element_type3A_150 = arith.extui %lt3A_149 : i1 to i32
        %cond3A_151 = arith.constant 0 : i32
        %cond3A_152 = arith.cmpi ne, %convert_element_type3A_150, %cond3A_151 : i32
        scf.if %cond3A_152 {
          %add3A_159 = arith.constant 1 : i32
          %add3A_160 = arith.addi %scan3A_133, %add3A_159 : i32
          %sub3A = arith.constant 1 : i32
          %sub3A_161 = arith.subi %sub3A, %rem3A_135 : i32
          %dma_start3A_162 = arith.constant 0 : i32
          %dma_start3A_163 = arith.constant 0 : i32
          %dma_start3A_164 = tpu.memref_slice %arg10[%sub3A_161, %dma_start3A_162, %dma_start3A_163] : memref<2x128x128xf32, #tpu.memory_space<vmem>> -> memref<1x128x128xf32, #tpu.memory_space<vmem>>
          %dma_start3A_165 = tpu.memref_squeeze %dma_start3A_164 : memref<1x128x128xf32, #tpu.memory_space<vmem>> -> memref<128x128xf32, #tpu.memory_space<vmem>>
          %dma_start3A_166 = arith.constant 0 : i32
          %dma_start3A_167 = tpu.memref_slice %arg7[%rem3A_103, %add3A_160, %dma_start3A_166] : memref<2x8x128xi32, #tpu.memory_space<vmem>> -> memref<1x1x128xi32, #tpu.memory_space<vmem>>
          %dma_start3A_168 = tpu.memref_squeeze %dma_start3A_167 : memref<1x1x128xi32, #tpu.memory_space<vmem>> -> memref<128xi32, #tpu.memory_space<vmem>>
          %dma_start3A_169 = arith.constant 0 : i32
          %dma_start3A_170 = arith.constant 0 : i32
          %dma_start3A_171 = tpu.memref_slice %arg2[%dma_start3A_169, %dma_start3A_170] : memref<10000x128xf32, #tpu.memory_space<hbm>> -> memref<10000x128xf32, #tpu.memory_space<hbm>>
          tpu.enqueue_indirect_dma source(%dma_start3A_171 : memref<10000x128xf32, #tpu.memory_space<hbm>>) target(%dma_start3A_165 : memref<128x128xf32, #tpu.memory_space<vmem>>) offsets(%dma_start3A_168 : memref<128xi32, #tpu.memory_space<vmem>>) semaphore(%arg12 : memref<!tpu.dma_semaphore, #tpu.memory_space<semaphore_mem>>)
        } else {
        }
        %scan3A_153 = arith.constant 0 : i32
        %scan3A_154 = arith.constant 0 : i32
        %scan3A_155 = arith.constant 8 : i32
        %scan3A_156 = arith.addi %scan3A_154, %scan3A_155 : i32
        %scan3A_157 = arith.constant 1 : i32
        scf.for %scan3A_159 = %scan3A_154 to %scan3A_156 step %scan3A_157  : i32 {
          %mul3A_160 = arith.constant 16 : i32
          %mul3A_161 = arith.muli %scan3A_159, %mul3A_160 : i32
          %get3A = arith.index_cast %rem3A_103 : i32 to index
          %get3A_162 = arith.index_cast %scan3A_133 : i32 to index
          %get3A_163 = arith.index_cast %mul3A_161 : i32 to index
          %get3A_164 = tpu.vector_load %arg9[%get3A, %get3A_162, %get3A_163] {strides = array<i32>} : memref<2x8x128xf32, #tpu.memory_space<vmem>>, vector<16xf32>,
          %mul3A_165 = arith.constant 16 : i32
          %mul3A_166 = arith.muli %scan3A_159, %mul3A_165 : i32
          %add3A_167 = arith.constant 0 : i32
          %add3A_168 = arith.addi %mul3A_166, %add3A_167 : i32
          %slice3A = vector.extract_strided_slice %get3A_164 {offsets = [0], sizes = [1], strides = [1]} : vector<16xf32> to vector<1xf32>
          %squeeze3A = vector.extract %slice3A[0] : f32 from vector<1xf32>
          %get3A_169 = arith.index_cast %rem3A_135 : i32 to index
          %get3A_170 = arith.index_cast %add3A_168 : i32 to index
          %get3A_171 = arith.constant 0 : index
          %get3A_172 = tpu.vector_load %arg10[%get3A_169, %get3A_170, %get3A_171] {strides = array<i32>} : memref<2x128x128xf32, #tpu.memory_space<vmem>>, vector<16xf32>,
          %mul3A_173 = vector.broadcast %squeeze3A : f32 to vector<16xf32>
          %mul3A_174 = arith.mulf %get3A_172, %mul3A_173 : vector<16xf32>
          %swap3A = arith.index_cast %rem3A_135 : i32 to index
          %swap3A_175 = arith.index_cast %add3A_168 : i32 to index
          %swap3A_176 = arith.constant 0 : index
          %swap3A_177 = tpu.vector_load %arg10[%swap3A, %swap3A_175, %swap3A_176] {strides = array<i32>} : memref<2x128x128xf32, #tpu.memory_space<vmem>>, vector<16xf32>,
          tpu.vector_store %arg10[%swap3A, %swap3A_175, %swap3A_176], %mul3A_174 {strides = array<i32>} : memref<2x128x128xf32, #tpu.memory_space<vmem>>, vector<16xf32>,
          %get3A_178 = arith.index_cast %rem3A_135 : i32 to index
          %get3A_179 = arith.index_cast %add3A_168 : i32 to index
          %get3A_180 = arith.constant 16 : index
          %get3A_181 = tpu.vector_load %arg10[%get3A_178, %get3A_179, %get3A_180] {strides = array<i32>} : memref<2x128x128xf32, #tpu.memory_space<vmem>>, vector<16xf32>,
          %mul3A_182 = vector.broadcast %squeeze3A : f32 to vector<16xf32>
          %mul3A_183 = arith.mulf %get3A_181, %mul3A_182 : vector<16xf32>
          %swap3A_184 = arith.index_cast %rem3A_135 : i32 to index
          %swap3A_185 = arith.index_cast %add3A_168 : i32 to index
          %swap3A_186 = arith.constant 16 : index
          %swap3A_187 = tpu.vector_load %arg10[%swap3A_184, %swap3A_185, %swap3A_186] {strides = array<i32>} : memref<2x128x128xf32, #tpu.memory_space<vmem>>, vector<16xf32>,
          tpu.vector_store %arg10[%swap3A_184, %swap3A_185, %swap3A_186], %mul3A_183 {strides = array<i32>} : memref<2x128x128xf32, #tpu.memory_space<vmem>>, vector<16xf32>,
          %get3A_188 = arith.index_cast %rem3A_135 : i32 to index
          %get3A_189 = arith.index_cast %add3A_168 : i32 to index
          %get3A_190 = arith.constant 32 : index
          %get3A_191 = tpu.vector_load %arg10[%get3A_188, %get3A_189, %get3A_190] {strides = array<i32>} : memref<2x128x128xf32, #tpu.memory_space<vmem>>, vector<16xf32>,
          %mul3A_192 = vector.broadcast %squeeze3A : f32 to vector<16xf32>
          %mul3A_193 = arith.mulf %get3A_191, %mul3A_192 : vector<16xf32>
          %swap3A_194 = arith.index_cast %rem3A_135 : i32 to index
          %swap3A_195 = arith.index_cast %add3A_168 : i32 to index
          %swap3A_196 = arith.constant 32 : index
          %swap3A_197 = tpu.vector_load %arg10[%swap3A_194, %swap3A_195, %swap3A_196] {strides = array<i32>} : memref<2x128x128xf32, #tpu.memory_space<vmem>>, vector<16xf32>,
          tpu.vector_store %arg10[%swap3A_194, %swap3A_195, %swap3A_196], %mul3A_193 {strides = array<i32>} : memref<2x128x128xf32, #tpu.memory_space<vmem>>, vector<16xf32>,
          %get3A_198 = arith.index_cast %rem3A_135 : i32 to index
          %get3A_199 = arith.index_cast %add3A_168 : i32 to index
          %get3A_200 = arith.constant 48 : index
          %get3A_201 = tpu.vector_load %arg10[%get3A_198, %get3A_199, %get3A_200] {strides = array<i32>} : memref<2x128x128xf32, #tpu.memory_space<vmem>>, vector<16xf32>,
          %mul3A_202 = vector.broadcast %squeeze3A : f32 to vector<16xf32>
          %mul3A_203 = arith.mulf %get3A_201, %mul3A_202 : vector<16xf32>
          %swap3A_204 = arith.index_cast %rem3A_135 : i32 to index
          %swap3A_205 = arith.index_cast %add3A_168 : i32 to index
          %swap3A_206 = arith.constant 48 : index
          %swap3A_207 = tpu.vector_load %arg10[%swap3A_204, %swap3A_205, %swap3A_206] {strides = array<i32>} : memref<2x128x128xf32, #tpu.memory_space<vmem>>, vector<16xf32>,
          tpu.vector_store %arg10[%swap3A_204, %swap3A_205, %swap3A_206], %mul3A_203 {strides = array<i32>} : memref<2x128x128xf32, #tpu.memory_space<vmem>>, vector<16xf32>,
          %get3A_208 = arith.index_cast %rem3A_135 : i32 to index
          %get3A_209 = arith.index_cast %add3A_168 : i32 to index
          %get3A_210 = arith.constant 64 : index
          %get3A_211 = tpu.vector_load %arg10[%get3A_208, %get3A_209, %get3A_210] {strides = array<i32>} : memref<2x128x128xf32, #tpu.memory_space<vmem>>, vector<16xf32>,
          %mul3A_212 = vector.broadcast %squeeze3A : f32 to vector<16xf32>
          %mul3A_213 = arith.mulf %get3A_211, %mul3A_212 : vector<16xf32>
          %swap3A_214 = arith.index_cast %rem3A_135 : i32 to index
          %swap3A_215 = arith.index_cast %add3A_168 : i32 to index
          %swap3A_216 = arith.constant 64 : index
          %swap3A_217 = tpu.vector_load %arg10[%swap3A_214, %swap3A_215, %swap3A_216] {strides = array<i32>} : memref<2x128x128xf32, #tpu.memory_space<vmem>>, vector<16xf32>,
          tpu.vector_store %arg10[%swap3A_214, %swap3A_215, %swap3A_216], %mul3A_213 {strides = array<i32>} : memref<2x128x128xf32, #tpu.memory_space<vmem>>, vector<16xf32>,
          %get3A_218 = arith.index_cast %rem3A_135 : i32 to index
          %get3A_219 = arith.index_cast %add3A_168 : i32 to index
          %get3A_220 = arith.constant 80 : index
          %get3A_221 = tpu.vector_load %arg10[%get3A_218, %get3A_219, %get3A_220] {strides = array<i32>} : memref<2x128x128xf32, #tpu.memory_space<vmem>>, vector<16xf32>,
          %mul3A_222 = vector.broadcast %squeeze3A : f32 to vector<16xf32>
          %mul3A_223 = arith.mulf %get3A_221, %mul3A_222 : vector<16xf32>
          %swap3A_224 = arith.index_cast %rem3A_135 : i32 to index
          %swap3A_225 = arith.index_cast %add3A_168 : i32 to index
          %swap3A_226 = arith.constant 80 : index
          %swap3A_227 = tpu.vector_load %arg10[%swap3A_224, %swap3A_225, %swap3A_226] {strides = array<i32>} : memref<2x128x128xf32, #tpu.memory_space<vmem>>, vector<16xf32>,
          tpu.vector_store %arg10[%swap3A_224, %swap3A_225, %swap3A_226], %mul3A_223 {strides = array<i32>} : memref<2x128x128xf32, #tpu.memory_space<vmem>>, vector<16xf32>,
          %get3A_228 = arith.index_cast %rem3A_135 : i32 to index
          %get3A_229 = arith.index_cast %add3A_168 : i32 to index
          %get3A_230 = arith.constant 96 : index
          %get3A_231 = tpu.vector_load %arg10[%get3A_228, %get3A_229, %get3A_230] {strides = array<i32>} : memref<2x128x128xf32, #tpu.memory_space<vmem>>, vector<16xf32>,
          %mul3A_232 = vector.broadcast %squeeze3A : f32 to vector<16xf32>
          %mul3A_233 = arith.mulf %get3A_231, %mul3A_232 : vector<16xf32>
          %swap3A_234 = arith.index_cast %rem3A_135 : i32 to index
          %swap3A_235 = arith.index_cast %add3A_168 : i32 to index
          %swap3A_236 = arith.constant 96 : index
          %swap3A_237 = tpu.vector_load %arg10[%swap3A_234, %swap3A_235, %swap3A_236] {strides = array<i32>} : memref<2x128x128xf32, #tpu.memory_space<vmem>>, vector<16xf32>,
          tpu.vector_store %arg10[%swap3A_234, %swap3A_235, %swap3A_236], %mul3A_233 {strides = array<i32>} : memref<2x128x128xf32, #tpu.memory_space<vmem>>, vector<16xf32>,
          %get3A_238 = arith.index_cast %rem3A_135 : i32 to index
          %get3A_239 = arith.index_cast %add3A_168 : i32 to index
          %get3A_240 = arith.constant 112 : index
          %get3A_241 = tpu.vector_load %arg10[%get3A_238, %get3A_239, %get3A_240] {strides = array<i32>} : memref<2x128x128xf32, #tpu.memory_space<vmem>>, vector<16xf32>,
          %mul3A_242 = vector.broadcast %squeeze3A : f32 to vector<16xf32>
          %mul3A_243 = arith.mulf %get3A_241, %mul3A_242 : vector<16xf32>
          %swap3A_244 = arith.index_cast %rem3A_135 : i32 to index
          %swap3A_245 = arith.index_cast %add3A_168 : i32 to index
          %swap3A_246 = arith.constant 112 : index
          %swap3A_247 = tpu.vector_load %arg10[%swap3A_244, %swap3A_245, %swap3A_246] {strides = array<i32>} : memref<2x128x128xf32, #tpu.memory_space<vmem>>, vector<16xf32>,
          tpu.vector_store %arg10[%swap3A_244, %swap3A_245, %swap3A_246], %mul3A_243 {strides = array<i32>} : memref<2x128x128xf32, #tpu.memory_space<vmem>>, vector<16xf32>,
          %mul3A_248 = arith.constant 16 : i32
          %mul3A_249 = arith.muli %scan3A_159, %mul3A_248 : i32
          %add3A_250 = arith.constant 1 : i32
          %add3A_251 = arith.addi %mul3A_249, %add3A_250 : i32
          %slice3A_252 = vector.extract_strided_slice %get3A_164 {offsets = [1], sizes = [1], strides = [1]} : vector<16xf32> to vector<1xf32>
          %squeeze3A_253 = vector.extract %slice3A_252[0] : f32 from vector<1xf32>
          %get3A_254 = arith.index_cast %rem3A_135 : i32 to index
          %get3A_255 = arith.index_cast %add3A_251 : i32 to index
          %get3A_256 = arith.constant 0 : index
          %get3A_257 = tpu.vector_load %arg10[%get3A_254, %get3A_255, %get3A_256] {strides = array<i32>} : memref<2x128x128xf32, #tpu.memory_space<vmem>>, vector<16xf32>,
          %mul3A_258 = vector.broadcast %squeeze3A_253 : f32 to vector<16xf32>
          %mul3A_259 = arith.mulf %get3A_257, %mul3A_258 : vector<16xf32>
          %swap3A_260 = arith.index_cast %rem3A_135 : i32 to index
          %swap3A_261 = arith.index_cast %add3A_251 : i32 to index
          %swap3A_262 = arith.constant 0 : index
          %swap3A_263 = tpu.vector_load %arg10[%swap3A_260, %swap3A_261, %swap3A_262] {strides = array<i32>} : memref<2x128x128xf32, #tpu.memory_space<vmem>>, vector<16xf32>,
          tpu.vector_store %arg10[%swap3A_260, %swap3A_261, %swap3A_262], %mul3A_259 {strides = array<i32>} : memref<2x128x128xf32, #tpu.memory_space<vmem>>, vector<16xf32>,
          %get3A_264 = arith.index_cast %rem3A_135 : i32 to index
          %get3A_265 = arith.index_cast %add3A_251 : i32 to index
          %get3A_266 = arith.constant 16 : index
          %get3A_267 = tpu.vector_load %arg10[%get3A_264, %get3A_265, %get3A_266] {strides = array<i32>} : memref<2x128x128xf32, #tpu.memory_space<vmem>>, vector<16xf32>,
          %mul3A_268 = vector.broadcast %squeeze3A_253 : f32 to vector<16xf32>
          %mul3A_269 = arith.mulf %get3A_267, %mul3A_268 : vector<16xf32>
          %swap3A_270 = arith.index_cast %rem3A_135 : i32 to index
          %swap3A_271 = arith.index_cast %add3A_251 : i32 to index
          %swap3A_272 = arith.constant 16 : index
          %swap3A_273 = tpu.vector_load %arg10[%swap3A_270, %swap3A_271, %swap3A_272] {strides = array<i32>} : memref<2x128x128xf32, #tpu.memory_space<vmem>>, vector<16xf32>,
          tpu.vector_store %arg10[%swap3A_270, %swap3A_271, %swap3A_272], %mul3A_269 {strides = array<i32>} : memref<2x128x128xf32, #tpu.memory_space<vmem>>, vector<16xf32>,
          %get3A_274 = arith.index_cast %rem3A_135 : i32 to index
          %get3A_275 = arith.index_cast %add3A_251 : i32 to index
          %get3A_276 = arith.constant 32 : index
          %get3A_277 = tpu.vector_load %arg10[%get3A_274, %get3A_275, %get3A_276] {strides = array<i32>} : memref<2x128x128xf32, #tpu.memory_space<vmem>>, vector<16xf32>,
          %mul3A_278 = vector.broadcast %squeeze3A_253 : f32 to vector<16xf32>
          %mul3A_279 = arith.mulf %get3A_277, %mul3A_278 : vector<16xf32>
          %swap3A_280 = arith.index_cast %rem3A_135 : i32 to index
          %swap3A_281 = arith.index_cast %add3A_251 : i32 to index
          %swap3A_282 = arith.constant 32 : index
          %swap3A_283 = tpu.vector_load %arg10[%swap3A_280, %swap3A_281, %swap3A_282] {strides = array<i32>} : memref<2x128x128xf32, #tpu.memory_space<vmem>>, vector<16xf32>,
          tpu.vector_store %arg10[%swap3A_280, %swap3A_281, %swap3A_282], %mul3A_279 {strides = array<i32>} : memref<2x128x128xf32, #tpu.memory_space<vmem>>, vector<16xf32>,
          %get3A_284 = arith.index_cast %rem3A_135 : i32 to index
          %get3A_285 = arith.index_cast %add3A_251 : i32 to index
          %get3A_286 = arith.constant 48 : index
          %get3A_287 = tpu.vector_load %arg10[%get3A_284, %get3A_285, %get3A_286] {strides = array<i32>} : memref<2x128x128xf32, #tpu.memory_space<vmem>>, vector<16xf32>,
          %mul3A_288 = vector.broadcast %squeeze3A_253 : f32 to vector<16xf32>
          %mul3A_289 = arith.mulf %get3A_287, %mul3A_288 : vector<16xf32>
          %swap3A_290 = arith.index_cast %rem3A_135 : i32 to index
          %swap3A_291 = arith.index_cast %add3A_251 : i32 to index
          %swap3A_292 = arith.constant 48 : index
          %swap3A_293 = tpu.vector_load %arg10[%swap3A_290, %swap3A_291, %swap3A_292] {strides = array<i32>} : memref<2x128x128xf32, #tpu.memory_space<vmem>>, vector<16xf32>,
          tpu.vector_store %arg10[%swap3A_290, %swap3A_291, %swap3A_292], %mul3A_289 {strides = array<i32>} : memref<2x128x128xf32, #tpu.memory_space<vmem>>, vector<16xf32>,
          %get3A_294 = arith.index_cast %rem3A_135 : i32 to index
          %get3A_295 = arith.index_cast %add3A_251 : i32 to index
          %get3A_296 = arith.constant 64 : index
          %get3A_297 = tpu.vector_load %arg10[%get3A_294, %get3A_295, %get3A_296] {strides = array<i32>} : memref<2x128x128xf32, #tpu.memory_space<vmem>>, vector<16xf32>,
          %mul3A_298 = vector.broadcast %squeeze3A_253 : f32 to vector<16xf32>
          %mul3A_299 = arith.mulf %get3A_297, %mul3A_298 : vector<16xf32>
          %swap3A_300 = arith.index_cast %rem3A_135 : i32 to index
          %swap3A_301 = arith.index_cast %add3A_251 : i32 to index
          %swap3A_302 = arith.constant 64 : index
          %swap3A_303 = tpu.vector_load %arg10[%swap3A_300, %swap3A_301, %swap3A_302] {strides = array<i32>} : memref<2x128x128xf32, #tpu.memory_space<vmem>>, vector<16xf32>,
          tpu.vector_store %arg10[%swap3A_300, %swap3A_301, %swap3A_302], %mul3A_299 {strides = array<i32>} : memref<2x128x128xf32, #tpu.memory_space<vmem>>, vector<16xf32>,
          %get3A_304 = arith.index_cast %rem3A_135 : i32 to index
          %get3A_305 = arith.index_cast %add3A_251 : i32 to index
          %get3A_306 = arith.constant 80 : index
          %get3A_307 = tpu.vector_load %arg10[%get3A_304, %get3A_305, %get3A_306] {strides = array<i32>} : memref<2x128x128xf32, #tpu.memory_space<vmem>>, vector<16xf32>,
          %mul3A_308 = vector.broadcast %squeeze3A_253 : f32 to vector<16xf32>
          %mul3A_309 = arith.mulf %get3A_307, %mul3A_308 : vector<16xf32>
          %swap3A_310 = arith.index_cast %rem3A_135 : i32 to index
          %swap3A_311 = arith.index_cast %add3A_251 : i32 to index
          %swap3A_312 = arith.constant 80 : index
          %swap3A_313 = tpu.vector_load %arg10[%swap3A_310, %swap3A_311, %swap3A_312] {strides = array<i32>} : memref<2x128x128xf32, #tpu.memory_space<vmem>>, vector<16xf32>,
          tpu.vector_store %arg10[%swap3A_310, %swap3A_311, %swap3A_312], %mul3A_309 {strides = array<i32>} : memref<2x128x128xf32, #tpu.memory_space<vmem>>, vector<16xf32>,
          %get3A_314 = arith.index_cast %rem3A_135 : i32 to index
          %get3A_315 = arith.index_cast %add3A_251 : i32 to index
          %get3A_316 = arith.constant 96 : index
          %get3A_317 = tpu.vector_load %arg10[%get3A_314, %get3A_315, %get3A_316] {strides = array<i32>} : memref<2x128x128xf32, #tpu.memory_space<vmem>>, vector<16xf32>,
          %mul3A_318 = vector.broadcast %squeeze3A_253 : f32 to vector<16xf32>
          %mul3A_319 = arith.mulf %get3A_317, %mul3A_318 : vector<16xf32>
          %swap3A_320 = arith.index_cast %rem3A_135 : i32 to index
          %swap3A_321 = arith.index_cast %add3A_251 : i32 to index
          %swap3A_322 = arith.constant 96 : index
          %swap3A_323 = tpu.vector_load %arg10[%swap3A_320, %swap3A_321, %swap3A_322] {strides = array<i32>} : memref<2x128x128xf32, #tpu.memory_space<vmem>>, vector<16xf32>,
          tpu.vector_store %arg10[%swap3A_320, %swap3A_321, %swap3A_322], %mul3A_319 {strides = array<i32>} : memref<2x128x128xf32, #tpu.memory_space<vmem>>, vector<16xf32>,
          %get3A_324 = arith.index_cast %rem3A_135 : i32 to index
          %get3A_325 = arith.index_cast %add3A_251 : i32 to index
          %get3A_326 = arith.constant 112 : index
          %get3A_327 = tpu.vector_load %arg10[%get3A_324, %get3A_325, %get3A_326] {strides = array<i32>} : memref<2x128x128xf32, #tpu.memory_space<vmem>>, vector<16xf32>,
          %mul3A_328 = vector.broadcast %squeeze3A_253 : f32 to vector<16xf32>
          %mul3A_329 = arith.mulf %get3A_327, %mul3A_328 : vector<16xf32>
          %swap3A_330 = arith.index_cast %rem3A_135 : i32 to index
          %swap3A_331 = arith.index_cast %add3A_251 : i32 to index
          %swap3A_332 = arith.constant 112 : index
          %swap3A_333 = tpu.vector_load %arg10[%swap3A_330, %swap3A_331, %swap3A_332] {strides = array<i32>} : memref<2x128x128xf32, #tpu.memory_space<vmem>>, vector<16xf32>,
          tpu.vector_store %arg10[%swap3A_330, %swap3A_331, %swap3A_332], %mul3A_329 {strides = array<i32>} : memref<2x128x128xf32, #tpu.memory_space<vmem>>, vector<16xf32>,
          %mul3A_334 = arith.constant 16 : i32
          %mul3A_335 = arith.muli %scan3A_159, %mul3A_334 : i32
          %add3A_336 = arith.constant 2 : i32
          %add3A_337 = arith.addi %mul3A_335, %add3A_336 : i32
          %slice3A_338 = vector.extract_strided_slice %get3A_164 {offsets = [2], sizes = [1], strides = [1]} : vector<16xf32> to vector<1xf32>
          %squeeze3A_339 = vector.extract %slice3A_338[0] : f32 from vector<1xf32>
          %get3A_340 = arith.index_cast %rem3A_135 : i32 to index
          %get3A_341 = arith.index_cast %add3A_337 : i32 to index
          %get3A_342 = arith.constant 0 : index
          %get3A_343 = tpu.vector_load %arg10[%get3A_340, %get3A_341, %get3A_342] {strides = array<i32>} : memref<2x128x128xf32, #tpu.memory_space<vmem>>, vector<16xf32>,
          %mul3A_344 = vector.broadcast %squeeze3A_339 : f32 to vector<16xf32>
          %mul3A_345 = arith.mulf %get3A_343, %mul3A_344 : vector<16xf32>
          %swap3A_346 = arith.index_cast %rem3A_135 : i32 to index
          %swap3A_347 = arith.index_cast %add3A_337 : i32 to index
          %swap3A_348 = arith.constant 0 : index
          %swap3A_349 = tpu.vector_load %arg10[%swap3A_346, %swap3A_347, %swap3A_348] {strides = array<i32>} : memref<2x128x128xf32, #tpu.memory_space<vmem>>, vector<16xf32>,
          tpu.vector_store %arg10[%swap3A_346, %swap3A_347, %swap3A_348], %mul3A_345 {strides = array<i32>} : memref<2x128x128xf32, #tpu.memory_space<vmem>>, vector<16xf32>,
          %get3A_350 = arith.index_cast %rem3A_135 : i32 to index
          %get3A_351 = arith.index_cast %add3A_337 : i32 to index
          %get3A_352 = arith.constant 16 : index
          %get3A_353 = tpu.vector_load %arg10[%get3A_350, %get3A_351, %get3A_352] {strides = array<i32>} : memref<2x128x128xf32, #tpu.memory_space<vmem>>, vector<16xf32>,
          %mul3A_354 = vector.broadcast %squeeze3A_339 : f32 to vector<16xf32>
          %mul3A_355 = arith.mulf %get3A_353, %mul3A_354 : vector<16xf32>
          %swap3A_356 = arith.index_cast %rem3A_135 : i32 to index
          %swap3A_357 = arith.index_cast %add3A_337 : i32 to index
          %swap3A_358 = arith.constant 16 : index
          %swap3A_359 = tpu.vector_load %arg10[%swap3A_356, %swap3A_357, %swap3A_358] {strides = array<i32>} : memref<2x128x128xf32, #tpu.memory_space<vmem>>, vector<16xf32>,
          tpu.vector_store %arg10[%swap3A_356, %swap3A_357, %swap3A_358], %mul3A_355 {strides = array<i32>} : memref<2x128x128xf32, #tpu.memory_space<vmem>>, vector<16xf32>,
          %get3A_360 = arith.index_cast %rem3A_135 : i32 to index
          %get3A_361 = arith.index_cast %add3A_337 : i32 to index
          %get3A_362 = arith.constant 32 : index
          %get3A_363 = tpu.vector_load %arg10[%get3A_360, %get3A_361, %get3A_362] {strides = array<i32>} : memref<2x128x128xf32, #tpu.memory_space<vmem>>, vector<16xf32>,
          %mul3A_364 = vector.broadcast %squeeze3A_339 : f32 to vector<16xf32>
          %mul3A_365 = arith.mulf %get3A_363, %mul3A_364 : vector<16xf32>
          %swap3A_366 = arith.index_cast %rem3A_135 : i32 to index
          %swap3A_367 = arith.index_cast %add3A_337 : i32 to index
          %swap3A_368 = arith.constant 32 : index
          %swap3A_369 = tpu.vector_load %arg10[%swap3A_366, %swap3A_367, %swap3A_368] {strides = array<i32>} : memref<2x128x128xf32, #tpu.memory_space<vmem>>, vector<16xf32>,
          tpu.vector_store %arg10[%swap3A_366, %swap3A_367, %swap3A_368], %mul3A_365 {strides = array<i32>} : memref<2x128x128xf32, #tpu.memory_space<vmem>>, vector<16xf32>,
          %get3A_370 = arith.index_cast %rem3A_135 : i32 to index
          %get3A_371 = arith.index_cast %add3A_337 : i32 to index
          %get3A_372 = arith.constant 48 : index
          %get3A_373 = tpu.vector_load %arg10[%get3A_370, %get3A_371, %get3A_372] {strides = array<i32>} : memref<2x128x128xf32, #tpu.memory_space<vmem>>, vector<16xf32>,
          %mul3A_374 = vector.broadcast %squeeze3A_339 : f32 to vector<16xf32>
          %mul3A_375 = arith.mulf %get3A_373, %mul3A_374 : vector<16xf32>
          %swap3A_376 = arith.index_cast %rem3A_135 : i32 to index
          %swap3A_377 = arith.index_cast %add3A_337 : i32 to index
          %swap3A_378 = arith.constant 48 : index
          %swap3A_379 = tpu.vector_load %arg10[%swap3A_376, %swap3A_377, %swap3A_378] {strides = array<i32>} : memref<2x128x128xf32, #tpu.memory_space<vmem>>, vector<16xf32>,
          tpu.vector_store %arg10[%swap3A_376, %swap3A_377, %swap3A_378], %mul3A_375 {strides = array<i32>} : memref<2x128x128xf32, #tpu.memory_space<vmem>>, vector<16xf32>,
          %get3A_380 = arith.index_cast %rem3A_135 : i32 to index
          %get3A_381 = arith.index_cast %add3A_337 : i32 to index
          %get3A_382 = arith.constant 64 : index
          %get3A_383 = tpu.vector_load %arg10[%get3A_380, %get3A_381, %get3A_382] {strides = array<i32>} : memref<2x128x128xf32, #tpu.memory_space<vmem>>, vector<16xf32>,
          %mul3A_384 = vector.broadcast %squeeze3A_339 : f32 to vector<16xf32>
          %mul3A_385 = arith.mulf %get3A_383, %mul3A_384 : vector<16xf32>
          %swap3A_386 = arith.index_cast %rem3A_135 : i32 to index
          %swap3A_387 = arith.index_cast %add3A_337 : i32 to index
          %swap3A_388 = arith.constant 64 : index
          %swap3A_389 = tpu.vector_load %arg10[%swap3A_386, %swap3A_387, %swap3A_388] {strides = array<i32>} : memref<2x128x128xf32, #tpu.memory_space<vmem>>, vector<16xf32>,
          tpu.vector_store %arg10[%swap3A_386, %swap3A_387, %swap3A_388], %mul3A_385 {strides = array<i32>} : memref<2x128x128xf32, #tpu.memory_space<vmem>>, vector<16xf32>,
          %get3A_390 = arith.index_cast %rem3A_135 : i32 to index
          %get3A_391 = arith.index_cast %add3A_337 : i32 to index
          %get3A_392 = arith.constant 80 : index
          %get3A_393 = tpu.vector_load %arg10[%get3A_390, %get3A_391, %get3A_392] {strides = array<i32>} : memref<2x128x128xf32, #tpu.memory_space<vmem>>, vector<16xf32>,
          %mul3A_394 = vector.broadcast %squeeze3A_339 : f32 to vector<16xf32>
          %mul3A_395 = arith.mulf %get3A_393, %mul3A_394 : vector<16xf32>
          %swap3A_396 = arith.index_cast %rem3A_135 : i32 to index
          %swap3A_397 = arith.index_cast %add3A_337 : i32 to index
          %swap3A_398 = arith.constant 80 : index
          %swap3A_399 = tpu.vector_load %arg10[%swap3A_396, %swap3A_397, %swap3A_398] {strides = array<i32>} : memref<2x128x128xf32, #tpu.memory_space<vmem>>, vector<16xf32>,
          tpu.vector_store %arg10[%swap3A_396, %swap3A_397, %swap3A_398], %mul3A_395 {strides = array<i32>} : memref<2x128x128xf32, #tpu.memory_space<vmem>>, vector<16xf32>,
          %get3A_400 = arith.index_cast %rem3A_135 : i32 to index
          %get3A_401 = arith.index_cast %add3A_337 : i32 to index
          %get3A_402 = arith.constant 96 : index
          %get3A_403 = tpu.vector_load %arg10[%get3A_400, %get3A_401, %get3A_402] {strides = array<i32>} : memref<2x128x128xf32, #tpu.memory_space<vmem>>, vector<16xf32>,
          %mul3A_404 = vector.broadcast %squeeze3A_339 : f32 to vector<16xf32>
          %mul3A_405 = arith.mulf %get3A_403, %mul3A_404 : vector<16xf32>
          %swap3A_406 = arith.index_cast %rem3A_135 : i32 to index
          %swap3A_407 = arith.index_cast %add3A_337 : i32 to index
          %swap3A_408 = arith.constant 96 : index
          %swap3A_409 = tpu.vector_load %arg10[%swap3A_406, %swap3A_407, %swap3A_408] {strides = array<i32>} : memref<2x128x128xf32, #tpu.memory_space<vmem>>, vector<16xf32>,
          tpu.vector_store %arg10[%swap3A_406, %swap3A_407, %swap3A_408], %mul3A_405 {strides = array<i32>} : memref<2x128x128xf32, #tpu.memory_space<vmem>>, vector<16xf32>,
          %get3A_410 = arith.index_cast %rem3A_135 : i32 to index
          %get3A_411 = arith.index_cast %add3A_337 : i32 to index
          %get3A_412 = arith.constant 112 : index
          %get3A_413 = tpu.vector_load %arg10[%get3A_410, %get3A_411, %get3A_412] {strides = array<i32>} : memref<2x128x128xf32, #tpu.memory_space<vmem>>, vector<16xf32>,
          %mul3A_414 = vector.broadcast %squeeze3A_339 : f32 to vector<16xf32>
          %mul3A_415 = arith.mulf %get3A_413, %mul3A_414 : vector<16xf32>
          %swap3A_416 = arith.index_cast %rem3A_135 : i32 to index
          %swap3A_417 = arith.index_cast %add3A_337 : i32 to index
          %swap3A_418 = arith.constant 112 : index
          %swap3A_419 = tpu.vector_load %arg10[%swap3A_416, %swap3A_417, %swap3A_418] {strides = array<i32>} : memref<2x128x128xf32, #tpu.memory_space<vmem>>, vector<16xf32>,
          tpu.vector_store %arg10[%swap3A_416, %swap3A_417, %swap3A_418], %mul3A_415 {strides = array<i32>} : memref<2x128x128xf32, #tpu.memory_space<vmem>>, vector<16xf32>,
          %mul3A_420 = arith.constant 16 : i32
          %mul3A_421 = arith.muli %scan3A_159, %mul3A_420 : i32
          %add3A_422 = arith.constant 3 : i32
          %add3A_423 = arith.addi %mul3A_421, %add3A_422 : i32
          %slice3A_424 = vector.extract_strided_slice %get3A_164 {offsets = [3], sizes = [1], strides = [1]} : vector<16xf32> to vector<1xf32>
          %squeeze3A_425 = vector.extract %slice3A_424[0] : f32 from vector<1xf32>
          %get3A_426 = arith.index_cast %rem3A_135 : i32 to index
          %get3A_427 = arith.index_cast %add3A_423 : i32 to index
          %get3A_428 = arith.constant 0 : index
          %get3A_429 = tpu.vector_load %arg10[%get3A_426, %get3A_427, %get3A_428] {strides = array<i32>} : memref<2x128x128xf32, #tpu.memory_space<vmem>>, vector<16xf32>,
          %mul3A_430 = vector.broadcast %squeeze3A_425 : f32 to vector<16xf32>
          %mul3A_431 = arith.mulf %get3A_429, %mul3A_430 : vector<16xf32>
          %swap3A_432 = arith.index_cast %rem3A_135 : i32 to index
          %swap3A_433 = arith.index_cast %add3A_423 : i32 to index
          %swap3A_434 = arith.constant 0 : index
          %swap3A_435 = tpu.vector_load %arg10[%swap3A_432, %swap3A_433, %swap3A_434] {strides = array<i32>} : memref<2x128x128xf32, #tpu.memory_space<vmem>>, vector<16xf32>,
          tpu.vector_store %arg10[%swap3A_432, %swap3A_433, %swap3A_434], %mul3A_431 {strides = array<i32>} : memref<2x128x128xf32, #tpu.memory_space<vmem>>, vector<16xf32>,
          %get3A_436 = arith.index_cast %rem3A_135 : i32 to index
          %get3A_437 = arith.index_cast %add3A_423 : i32 to index
          %get3A_438 = arith.constant 16 : index
          %get3A_439 = tpu.vector_load %arg10[%get3A_436, %get3A_437, %get3A_438] {strides = array<i32>} : memref<2x128x128xf32, #tpu.memory_space<vmem>>, vector<16xf32>,
          %mul3A_440 = vector.broadcast %squeeze3A_425 : f32 to vector<16xf32>
          %mul3A_441 = arith.mulf %get3A_439, %mul3A_440 : vector<16xf32>
          %swap3A_442 = arith.index_cast %rem3A_135 : i32 to index
          %swap3A_443 = arith.index_cast %add3A_423 : i32 to index
          %swap3A_444 = arith.constant 16 : index
          %swap3A_445 = tpu.vector_load %arg10[%swap3A_442, %swap3A_443, %swap3A_444] {strides = array<i32>} : memref<2x128x128xf32, #tpu.memory_space<vmem>>, vector<16xf32>,
          tpu.vector_store %arg10[%swap3A_442, %swap3A_443, %swap3A_444], %mul3A_441 {strides = array<i32>} : memref<2x128x128xf32, #tpu.memory_space<vmem>>, vector<16xf32>,
          %get3A_446 = arith.index_cast %rem3A_135 : i32 to index
          %get3A_447 = arith.index_cast %add3A_423 : i32 to index
          %get3A_448 = arith.constant 32 : index
          %get3A_449 = tpu.vector_load %arg10[%get3A_446, %get3A_447, %get3A_448] {strides = array<i32>} : memref<2x128x128xf32, #tpu.memory_space<vmem>>, vector<16xf32>,
          %mul3A_450 = vector.broadcast %squeeze3A_425 : f32 to vector<16xf32>
          %mul3A_451 = arith.mulf %get3A_449, %mul3A_450 : vector<16xf32>
          %swap3A_452 = arith.index_cast %rem3A_135 : i32 to index
          %swap3A_453 = arith.index_cast %add3A_423 : i32 to index
          %swap3A_454 = arith.constant 32 : index
          %swap3A_455 = tpu.vector_load %arg10[%swap3A_452, %swap3A_453, %swap3A_454] {strides = array<i32>} : memref<2x128x128xf32, #tpu.memory_space<vmem>>, vector<16xf32>,
          tpu.vector_store %arg10[%swap3A_452, %swap3A_453, %swap3A_454], %mul3A_451 {strides = array<i32>} : memref<2x128x128xf32, #tpu.memory_space<vmem>>, vector<16xf32>,
          %get3A_456 = arith.index_cast %rem3A_135 : i32 to index
          %get3A_457 = arith.index_cast %add3A_423 : i32 to index
          %get3A_458 = arith.constant 48 : index
          %get3A_459 = tpu.vector_load %arg10[%get3A_456, %get3A_457, %get3A_458] {strides = array<i32>} : memref<2x128x128xf32, #tpu.memory_space<vmem>>, vector<16xf32>,
          %mul3A_460 = vector.broadcast %squeeze3A_425 : f32 to vector<16xf32>
          %mul3A_461 = arith.mulf %get3A_459, %mul3A_460 : vector<16xf32>
          %swap3A_462 = arith.index_cast %rem3A_135 : i32 to index
          %swap3A_463 = arith.index_cast %add3A_423 : i32 to index
          %swap3A_464 = arith.constant 48 : index
          %swap3A_465 = tpu.vector_load %arg10[%swap3A_462, %swap3A_463, %swap3A_464] {strides = array<i32>} : memref<2x128x128xf32, #tpu.memory_space<vmem>>, vector<16xf32>,
          tpu.vector_store %arg10[%swap3A_462, %swap3A_463, %swap3A_464], %mul3A_461 {strides = array<i32>} : memref<2x128x128xf32, #tpu.memory_space<vmem>>, vector<16xf32>,
          %get3A_466 = arith.index_cast %rem3A_135 : i32 to index
          %get3A_467 = arith.index_cast %add3A_423 : i32 to index
          %get3A_468 = arith.constant 64 : index
          %get3A_469 = tpu.vector_load %arg10[%get3A_466, %get3A_467, %get3A_468] {strides = array<i32>} : memref<2x128x128xf32, #tpu.memory_space<vmem>>, vector<16xf32>,
          %mul3A_470 = vector.broadcast %squeeze3A_425 : f32 to vector<16xf32>
          %mul3A_471 = arith.mulf %get3A_469, %mul3A_470 : vector<16xf32>
          %swap3A_472 = arith.index_cast %rem3A_135 : i32 to index
          %swap3A_473 = arith.index_cast %add3A_423 : i32 to index
          %swap3A_474 = arith.constant 64 : index
          %swap3A_475 = tpu.vector_load %arg10[%swap3A_472, %swap3A_473, %swap3A_474] {strides = array<i32>} : memref<2x128x128xf32, #tpu.memory_space<vmem>>, vector<16xf32>,
          tpu.vector_store %arg10[%swap3A_472, %swap3A_473, %swap3A_474], %mul3A_471 {strides = array<i32>} : memref<2x128x128xf32, #tpu.memory_space<vmem>>, vector<16xf32>,
          %get3A_476 = arith.index_cast %rem3A_135 : i32 to index
          %get3A_477 = arith.index_cast %add3A_423 : i32 to index
          %get3A_478 = arith.constant 80 : index
          %get3A_479 = tpu.vector_load %arg10[%get3A_476, %get3A_477, %get3A_478] {strides = array<i32>} : memref<2x128x128xf32, #tpu.memory_space<vmem>>, vector<16xf32>,
          %mul3A_480 = vector.broadcast %squeeze3A_425 : f32 to vector<16xf32>
          %mul3A_481 = arith.mulf %get3A_479, %mul3A_480 : vector<16xf32>
          %swap3A_482 = arith.index_cast %rem3A_135 : i32 to index
          %swap3A_483 = arith.index_cast %add3A_423 : i32 to index
          %swap3A_484 = arith.constant 80 : index
          %swap3A_485 = tpu.vector_load %arg10[%swap3A_482, %swap3A_483, %swap3A_484] {strides = array<i32>} : memref<2x128x128xf32, #tpu.memory_space<vmem>>, vector<16xf32>,
          tpu.vector_store %arg10[%swap3A_482, %swap3A_483, %swap3A_484], %mul3A_481 {strides = array<i32>} : memref<2x128x128xf32, #tpu.memory_space<vmem>>, vector<16xf32>,
          %get3A_486 = arith.index_cast %rem3A_135 : i32 to index
          %get3A_487 = arith.index_cast %add3A_423 : i32 to index
          %get3A_488 = arith.constant 96 : index
          %get3A_489 = tpu.vector_load %arg10[%get3A_486, %get3A_487, %get3A_488] {strides = array<i32>} : memref<2x128x128xf32, #tpu.memory_space<vmem>>, vector<16xf32>,
          %mul3A_490 = vector.broadcast %squeeze3A_425 : f32 to vector<16xf32>
          %mul3A_491 = arith.mulf %get3A_489, %mul3A_490 : vector<16xf32>
          %swap3A_492 = arith.index_cast %rem3A_135 : i32 to index
          %swap3A_493 = arith.index_cast %add3A_423 : i32 to index
          %swap3A_494 = arith.constant 96 : index
          %swap3A_495 = tpu.vector_load %arg10[%swap3A_492, %swap3A_493, %swap3A_494] {strides = array<i32>} : memref<2x128x128xf32, #tpu.memory_space<vmem>>, vector<16xf32>,
          tpu.vector_store %arg10[%swap3A_492, %swap3A_493, %swap3A_494], %mul3A_491 {strides = array<i32>} : memref<2x128x128xf32, #tpu.memory_space<vmem>>, vector<16xf32>,
          %get3A_496 = arith.index_cast %rem3A_135 : i32 to index
          %get3A_497 = arith.index_cast %add3A_423 : i32 to index
          %get3A_498 = arith.constant 112 : index
          %get3A_499 = tpu.vector_load %arg10[%get3A_496, %get3A_497, %get3A_498] {strides = array<i32>} : memref<2x128x128xf32, #tpu.memory_space<vmem>>, vector<16xf32>,
          %mul3A_500 = vector.broadcast %squeeze3A_425 : f32 to vector<16xf32>
          %mul3A_501 = arith.mulf %get3A_499, %mul3A_500 : vector<16xf32>
          %swap3A_502 = arith.index_cast %rem3A_135 : i32 to index
          %swap3A_503 = arith.index_cast %add3A_423 : i32 to index
          %swap3A_504 = arith.constant 112 : index
          %swap3A_505 = tpu.vector_load %arg10[%swap3A_502, %swap3A_503, %swap3A_504] {strides = array<i32>} : memref<2x128x128xf32, #tpu.memory_space<vmem>>, vector<16xf32>,
          tpu.vector_store %arg10[%swap3A_502, %swap3A_503, %swap3A_504], %mul3A_501 {strides = array<i32>} : memref<2x128x128xf32, #tpu.memory_space<vmem>>, vector<16xf32>,
          %mul3A_506 = arith.constant 16 : i32
          %mul3A_507 = arith.muli %scan3A_159, %mul3A_506 : i32
          %add3A_508 = arith.constant 4 : i32
          %add3A_509 = arith.addi %mul3A_507, %add3A_508 : i32
          %slice3A_510 = vector.extract_strided_slice %get3A_164 {offsets = [4], sizes = [1], strides = [1]} : vector<16xf32> to vector<1xf32>
          %squeeze3A_511 = vector.extract %slice3A_510[0] : f32 from vector<1xf32>
          %get3A_512 = arith.index_cast %rem3A_135 : i32 to index
          %get3A_513 = arith.index_cast %add3A_509 : i32 to index
          %get3A_514 = arith.constant 0 : index
          %get3A_515 = tpu.vector_load %arg10[%get3A_512, %get3A_513, %get3A_514] {strides = array<i32>} : memref<2x128x128xf32, #tpu.memory_space<vmem>>, vector<16xf32>,
          %mul3A_516 = vector.broadcast %squeeze3A_511 : f32 to vector<16xf32>
          %mul3A_517 = arith.mulf %get3A_515, %mul3A_516 : vector<16xf32>
          %swap3A_518 = arith.index_cast %rem3A_135 : i32 to index
          %swap3A_519 = arith.index_cast %add3A_509 : i32 to index
          %swap3A_520 = arith.constant 0 : index
          %swap3A_521 = tpu.vector_load %arg10[%swap3A_518, %swap3A_519, %swap3A_520] {strides = array<i32>} : memref<2x128x128xf32, #tpu.memory_space<vmem>>, vector<16xf32>,
          tpu.vector_store %arg10[%swap3A_518, %swap3A_519, %swap3A_520], %mul3A_517 {strides = array<i32>} : memref<2x128x128xf32, #tpu.memory_space<vmem>>, vector<16xf32>,
          %get3A_522 = arith.index_cast %rem3A_135 : i32 to index
          %get3A_523 = arith.index_cast %add3A_509 : i32 to index
          %get3A_524 = arith.constant 16 : index
          %get3A_525 = tpu.vector_load %arg10[%get3A_522, %get3A_523, %get3A_524] {strides = array<i32>} : memref<2x128x128xf32, #tpu.memory_space<vmem>>, vector<16xf32>,
          %mul3A_526 = vector.broadcast %squeeze3A_511 : f32 to vector<16xf32>
          %mul3A_527 = arith.mulf %get3A_525, %mul3A_526 : vector<16xf32>
          %swap3A_528 = arith.index_cast %rem3A_135 : i32 to index
          %swap3A_529 = arith.index_cast %add3A_509 : i32 to index
          %swap3A_530 = arith.constant 16 : index
          %swap3A_531 = tpu.vector_load %arg10[%swap3A_528, %swap3A_529, %swap3A_530] {strides = array<i32>} : memref<2x128x128xf32, #tpu.memory_space<vmem>>, vector<16xf32>,
          tpu.vector_store %arg10[%swap3A_528, %swap3A_529, %swap3A_530], %mul3A_527 {strides = array<i32>} : memref<2x128x128xf32, #tpu.memory_space<vmem>>, vector<16xf32>,
          %get3A_532 = arith.index_cast %rem3A_135 : i32 to index
          %get3A_533 = arith.index_cast %add3A_509 : i32 to index
          %get3A_534 = arith.constant 32 : index
          %get3A_535 = tpu.vector_load %arg10[%get3A_532, %get3A_533, %get3A_534] {strides = array<i32>} : memref<2x128x128xf32, #tpu.memory_space<vmem>>, vector<16xf32>,
          %mul3A_536 = vector.broadcast %squeeze3A_511 : f32 to vector<16xf32>
          %mul3A_537 = arith.mulf %get3A_535, %mul3A_536 : vector<16xf32>
          %swap3A_538 = arith.index_cast %rem3A_135 : i32 to index
          %swap3A_539 = arith.index_cast %add3A_509 : i32 to index
          %swap3A_540 = arith.constant 32 : index
          %swap3A_541 = tpu.vector_load %arg10[%swap3A_538, %swap3A_539, %swap3A_540] {strides = array<i32>} : memref<2x128x128xf32, #tpu.memory_space<vmem>>, vector<16xf32>,
          tpu.vector_store %arg10[%swap3A_538, %swap3A_539, %swap3A_540], %mul3A_537 {strides = array<i32>} : memref<2x128x128xf32, #tpu.memory_space<vmem>>, vector<16xf32>,
          %get3A_542 = arith.index_cast %rem3A_135 : i32 to index
          %get3A_543 = arith.index_cast %add3A_509 : i32 to index
          %get3A_544 = arith.constant 48 : index
          %get3A_545 = tpu.vector_load %arg10[%get3A_542, %get3A_543, %get3A_544] {strides = array<i32>} : memref<2x128x128xf32, #tpu.memory_space<vmem>>, vector<16xf32>,
          %mul3A_546 = vector.broadcast %squeeze3A_511 : f32 to vector<16xf32>
          %mul3A_547 = arith.mulf %get3A_545, %mul3A_546 : vector<16xf32>
          %swap3A_548 = arith.index_cast %rem3A_135 : i32 to index
          %swap3A_549 = arith.index_cast %add3A_509 : i32 to index
          %swap3A_550 = arith.constant 48 : index
          %swap3A_551 = tpu.vector_load %arg10[%swap3A_548, %swap3A_549, %swap3A_550] {strides = array<i32>} : memref<2x128x128xf32, #tpu.memory_space<vmem>>, vector<16xf32>,
          tpu.vector_store %arg10[%swap3A_548, %swap3A_549, %swap3A_550], %mul3A_547 {strides = array<i32>} : memref<2x128x128xf32, #tpu.memory_space<vmem>>, vector<16xf32>,
          %get3A_552 = arith.index_cast %rem3A_135 : i32 to index
          %get3A_553 = arith.index_cast %add3A_509 : i32 to index
          %get3A_554 = arith.constant 64 : index
          %get3A_555 = tpu.vector_load %arg10[%get3A_552, %get3A_553, %get3A_554] {strides = array<i32>} : memref<2x128x128xf32, #tpu.memory_space<vmem>>, vector<16xf32>,
          %mul3A_556 = vector.broadcast %squeeze3A_511 : f32 to vector<16xf32>
          %mul3A_557 = arith.mulf %get3A_555, %mul3A_556 : vector<16xf32>
          %swap3A_558 = arith.index_cast %rem3A_135 : i32 to index
          %swap3A_559 = arith.index_cast %add3A_509 : i32 to index
          %swap3A_560 = arith.constant 64 : index
          %swap3A_561 = tpu.vector_load %arg10[%swap3A_558, %swap3A_559, %swap3A_560] {strides = array<i32>} : memref<2x128x128xf32, #tpu.memory_space<vmem>>, vector<16xf32>,
          tpu.vector_store %arg10[%swap3A_558, %swap3A_559, %swap3A_560], %mul3A_557 {strides = array<i32>} : memref<2x128x128xf32, #tpu.memory_space<vmem>>, vector<16xf32>,
          %get3A_562 = arith.index_cast %rem3A_135 : i32 to index
          %get3A_563 = arith.index_cast %add3A_509 : i32 to index
          %get3A_564 = arith.constant 80 : index
          %get3A_565 = tpu.vector_load %arg10[%get3A_562, %get3A_563, %get3A_564] {strides = array<i32>} : memref<2x128x128xf32, #tpu.memory_space<vmem>>, vector<16xf32>,
          %mul3A_566 = vector.broadcast %squeeze3A_511 : f32 to vector<16xf32>
          %mul3A_567 = arith.mulf %get3A_565, %mul3A_566 : vector<16xf32>
          %swap3A_568 = arith.index_cast %rem3A_135 : i32 to index
          %swap3A_569 = arith.index_cast %add3A_509 : i32 to index
          %swap3A_570 = arith.constant 80 : index
          %swap3A_571 = tpu.vector_load %arg10[%swap3A_568, %swap3A_569, %swap3A_570] {strides = array<i32>} : memref<2x128x128xf32, #tpu.memory_space<vmem>>, vector<16xf32>,
          tpu.vector_store %arg10[%swap3A_568, %swap3A_569, %swap3A_570], %mul3A_567 {strides = array<i32>} : memref<2x128x128xf32, #tpu.memory_space<vmem>>, vector<16xf32>,
          %get3A_572 = arith.index_cast %rem3A_135 : i32 to index
          %get3A_573 = arith.index_cast %add3A_509 : i32 to index
          %get3A_574 = arith.constant 96 : index
          %get3A_575 = tpu.vector_load %arg10[%get3A_572, %get3A_573, %get3A_574] {strides = array<i32>} : memref<2x128x128xf32, #tpu.memory_space<vmem>>, vector<16xf32>,
          %mul3A_576 = vector.broadcast %squeeze3A_511 : f32 to vector<16xf32>
          %mul3A_577 = arith.mulf %get3A_575, %mul3A_576 : vector<16xf32>
          %swap3A_578 = arith.index_cast %rem3A_135 : i32 to index
          %swap3A_579 = arith.index_cast %add3A_509 : i32 to index
          %swap3A_580 = arith.constant 96 : index
          %swap3A_581 = tpu.vector_load %arg10[%swap3A_578, %swap3A_579, %swap3A_580] {strides = array<i32>} : memref<2x128x128xf32, #tpu.memory_space<vmem>>, vector<16xf32>,
          tpu.vector_store %arg10[%swap3A_578, %swap3A_579, %swap3A_580], %mul3A_577 {strides = array<i32>} : memref<2x128x128xf32, #tpu.memory_space<vmem>>, vector<16xf32>,
          %get3A_582 = arith.index_cast %rem3A_135 : i32 to index
          %get3A_583 = arith.index_cast %add3A_509 : i32 to index
          %get3A_584 = arith.constant 112 : index
          %get3A_585 = tpu.vector_load %arg10[%get3A_582, %get3A_583, %get3A_584] {strides = array<i32>} : memref<2x128x128xf32, #tpu.memory_space<vmem>>, vector<16xf32>,
          %mul3A_586 = vector.broadcast %squeeze3A_511 : f32 to vector<16xf32>
          %mul3A_587 = arith.mulf %get3A_585, %mul3A_586 : vector<16xf32>
          %swap3A_588 = arith.index_cast %rem3A_135 : i32 to index
          %swap3A_589 = arith.index_cast %add3A_509 : i32 to index
          %swap3A_590 = arith.constant 112 : index
          %swap3A_591 = tpu.vector_load %arg10[%swap3A_588, %swap3A_589, %swap3A_590] {strides = array<i32>} : memref<2x128x128xf32, #tpu.memory_space<vmem>>, vector<16xf32>,
          tpu.vector_store %arg10[%swap3A_588, %swap3A_589, %swap3A_590], %mul3A_587 {strides = array<i32>} : memref<2x128x128xf32, #tpu.memory_space<vmem>>, vector<16xf32>,
          %mul3A_592 = arith.constant 16 : i32
          %mul3A_593 = arith.muli %scan3A_159, %mul3A_592 : i32
          %add3A_594 = arith.constant 5 : i32
          %add3A_595 = arith.addi %mul3A_593, %add3A_594 : i32
          %slice3A_596 = vector.extract_strided_slice %get3A_164 {offsets = [5], sizes = [1], strides = [1]} : vector<16xf32> to vector<1xf32>
          %squeeze3A_597 = vector.extract %slice3A_596[0] : f32 from vector<1xf32>
          %get3A_598 = arith.index_cast %rem3A_135 : i32 to index
          %get3A_599 = arith.index_cast %add3A_595 : i32 to index
          %get3A_600 = arith.constant 0 : index
          %get3A_601 = tpu.vector_load %arg10[%get3A_598, %get3A_599, %get3A_600] {strides = array<i32>} : memref<2x128x128xf32, #tpu.memory_space<vmem>>, vector<16xf32>,
          %mul3A_602 = vector.broadcast %squeeze3A_597 : f32 to vector<16xf32>
          %mul3A_603 = arith.mulf %get3A_601, %mul3A_602 : vector<16xf32>
          %swap3A_604 = arith.index_cast %rem3A_135 : i32 to index
          %swap3A_605 = arith.index_cast %add3A_595 : i32 to index
          %swap3A_606 = arith.constant 0 : index
          %swap3A_607 = tpu.vector_load %arg10[%swap3A_604, %swap3A_605, %swap3A_606] {strides = array<i32>} : memref<2x128x128xf32, #tpu.memory_space<vmem>>, vector<16xf32>,
          tpu.vector_store %arg10[%swap3A_604, %swap3A_605, %swap3A_606], %mul3A_603 {strides = array<i32>} : memref<2x128x128xf32, #tpu.memory_space<vmem>>, vector<16xf32>,
          %get3A_608 = arith.index_cast %rem3A_135 : i32 to index
          %get3A_609 = arith.index_cast %add3A_595 : i32 to index
          %get3A_610 = arith.constant 16 : index
          %get3A_611 = tpu.vector_load %arg10[%get3A_608, %get3A_609, %get3A_610] {strides = array<i32>} : memref<2x128x128xf32, #tpu.memory_space<vmem>>, vector<16xf32>,
          %mul3A_612 = vector.broadcast %squeeze3A_597 : f32 to vector<16xf32>
          %mul3A_613 = arith.mulf %get3A_611, %mul3A_612 : vector<16xf32>
          %swap3A_614 = arith.index_cast %rem3A_135 : i32 to index
          %swap3A_615 = arith.index_cast %add3A_595 : i32 to index
          %swap3A_616 = arith.constant 16 : index
          %swap3A_617 = tpu.vector_load %arg10[%swap3A_614, %swap3A_615, %swap3A_616] {strides = array<i32>} : memref<2x128x128xf32, #tpu.memory_space<vmem>>, vector<16xf32>,
          tpu.vector_store %arg10[%swap3A_614, %swap3A_615, %swap3A_616], %mul3A_613 {strides = array<i32>} : memref<2x128x128xf32, #tpu.memory_space<vmem>>, vector<16xf32>,
          %get3A_618 = arith.index_cast %rem3A_135 : i32 to index
          %get3A_619 = arith.index_cast %add3A_595 : i32 to index
          %get3A_620 = arith.constant 32 : index
          %get3A_621 = tpu.vector_load %arg10[%get3A_618, %get3A_619, %get3A_620] {strides = array<i32>} : memref<2x128x128xf32, #tpu.memory_space<vmem>>, vector<16xf32>,
          %mul3A_622 = vector.broadcast %squeeze3A_597 : f32 to vector<16xf32>
          %mul3A_623 = arith.mulf %get3A_621, %mul3A_622 : vector<16xf32>
          %swap3A_624 = arith.index_cast %rem3A_135 : i32 to index
          %swap3A_625 = arith.index_cast %add3A_595 : i32 to index
          %swap3A_626 = arith.constant 32 : index
          %swap3A_627 = tpu.vector_load %arg10[%swap3A_624, %swap3A_625, %swap3A_626] {strides = array<i32>} : memref<2x128x128xf32, #tpu.memory_space<vmem>>, vector<16xf32>,
          tpu.vector_store %arg10[%swap3A_624, %swap3A_625, %swap3A_626], %mul3A_623 {strides = array<i32>} : memref<2x128x128xf32, #tpu.memory_space<vmem>>, vector<16xf32>,
          %get3A_628 = arith.index_cast %rem3A_135 : i32 to index
          %get3A_629 = arith.index_cast %add3A_595 : i32 to index
          %get3A_630 = arith.constant 48 : index
          %get3A_631 = tpu.vector_load %arg10[%get3A_628, %get3A_629, %get3A_630] {strides = array<i32>} : memref<2x128x128xf32, #tpu.memory_space<vmem>>, vector<16xf32>,
          %mul3A_632 = vector.broadcast %squeeze3A_597 : f32 to vector<16xf32>
          %mul3A_633 = arith.mulf %get3A_631, %mul3A_632 : vector<16xf32>
          %swap3A_634 = arith.index_cast %rem3A_135 : i32 to index
          %swap3A_635 = arith.index_cast %add3A_595 : i32 to index
          %swap3A_636 = arith.constant 48 : index
          %swap3A_637 = tpu.vector_load %arg10[%swap3A_634, %swap3A_635, %swap3A_636] {strides = array<i32>} : memref<2x128x128xf32, #tpu.memory_space<vmem>>, vector<16xf32>,
          tpu.vector_store %arg10[%swap3A_634, %swap3A_635, %swap3A_636], %mul3A_633 {strides = array<i32>} : memref<2x128x128xf32, #tpu.memory_space<vmem>>, vector<16xf32>,
          %get3A_638 = arith.index_cast %rem3A_135 : i32 to index
          %get3A_639 = arith.index_cast %add3A_595 : i32 to index
          %get3A_640 = arith.constant 64 : index
          %get3A_641 = tpu.vector_load %arg10[%get3A_638, %get3A_639, %get3A_640] {strides = array<i32>} : memref<2x128x128xf32, #tpu.memory_space<vmem>>, vector<16xf32>,
          %mul3A_642 = vector.broadcast %squeeze3A_597 : f32 to vector<16xf32>
          %mul3A_643 = arith.mulf %get3A_641, %mul3A_642 : vector<16xf32>
          %swap3A_644 = arith.index_cast %rem3A_135 : i32 to index
          %swap3A_645 = arith.index_cast %add3A_595 : i32 to index
          %swap3A_646 = arith.constant 64 : index
          %swap3A_647 = tpu.vector_load %arg10[%swap3A_644, %swap3A_645, %swap3A_646] {strides = array<i32>} : memref<2x128x128xf32, #tpu.memory_space<vmem>>, vector<16xf32>,
          tpu.vector_store %arg10[%swap3A_644, %swap3A_645, %swap3A_646], %mul3A_643 {strides = array<i32>} : memref<2x128x128xf32, #tpu.memory_space<vmem>>, vector<16xf32>,
          %get3A_648 = arith.index_cast %rem3A_135 : i32 to index
          %get3A_649 = arith.index_cast %add3A_595 : i32 to index
          %get3A_650 = arith.constant 80 : index
          %get3A_651 = tpu.vector_load %arg10[%get3A_648, %get3A_649, %get3A_650] {strides = array<i32>} : memref<2x128x128xf32, #tpu.memory_space<vmem>>, vector<16xf32>,
          %mul3A_652 = vector.broadcast %squeeze3A_597 : f32 to vector<16xf32>
          %mul3A_653 = arith.mulf %get3A_651, %mul3A_652 : vector<16xf32>
          %swap3A_654 = arith.index_cast %rem3A_135 : i32 to index
          %swap3A_655 = arith.index_cast %add3A_595 : i32 to index
          %swap3A_656 = arith.constant 80 : index
          %swap3A_657 = tpu.vector_load %arg10[%swap3A_654, %swap3A_655, %swap3A_656] {strides = array<i32>} : memref<2x128x128xf32, #tpu.memory_space<vmem>>, vector<16xf32>,
          tpu.vector_store %arg10[%swap3A_654, %swap3A_655, %swap3A_656], %mul3A_653 {strides = array<i32>} : memref<2x128x128xf32, #tpu.memory_space<vmem>>, vector<16xf32>,
          %get3A_658 = arith.index_cast %rem3A_135 : i32 to index
          %get3A_659 = arith.index_cast %add3A_595 : i32 to index
          %get3A_660 = arith.constant 96 : index
          %get3A_661 = tpu.vector_load %arg10[%get3A_658, %get3A_659, %get3A_660] {strides = array<i32>} : memref<2x128x128xf32, #tpu.memory_space<vmem>>, vector<16xf32>,
          %mul3A_662 = vector.broadcast %squeeze3A_597 : f32 to vector<16xf32>
          %mul3A_663 = arith.mulf %get3A_661, %mul3A_662 : vector<16xf32>
          %swap3A_664 = arith.index_cast %rem3A_135 : i32 to index
          %swap3A_665 = arith.index_cast %add3A_595 : i32 to index
          %swap3A_666 = arith.constant 96 : index
          %swap3A_667 = tpu.vector_load %arg10[%swap3A_664, %swap3A_665, %swap3A_666] {strides = array<i32>} : memref<2x128x128xf32, #tpu.memory_space<vmem>>, vector<16xf32>,
          tpu.vector_store %arg10[%swap3A_664, %swap3A_665, %swap3A_666], %mul3A_663 {strides = array<i32>} : memref<2x128x128xf32, #tpu.memory_space<vmem>>, vector<16xf32>,
          %get3A_668 = arith.index_cast %rem3A_135 : i32 to index
          %get3A_669 = arith.index_cast %add3A_595 : i32 to index
          %get3A_670 = arith.constant 112 : index
          %get3A_671 = tpu.vector_load %arg10[%get3A_668, %get3A_669, %get3A_670] {strides = array<i32>} : memref<2x128x128xf32, #tpu.memory_space<vmem>>, vector<16xf32>,
          %mul3A_672 = vector.broadcast %squeeze3A_597 : f32 to vector<16xf32>
          %mul3A_673 = arith.mulf %get3A_671, %mul3A_672 : vector<16xf32>
          %swap3A_674 = arith.index_cast %rem3A_135 : i32 to index
          %swap3A_675 = arith.index_cast %add3A_595 : i32 to index
          %swap3A_676 = arith.constant 112 : index
          %swap3A_677 = tpu.vector_load %arg10[%swap3A_674, %swap3A_675, %swap3A_676] {strides = array<i32>} : memref<2x128x128xf32, #tpu.memory_space<vmem>>, vector<16xf32>,
          tpu.vector_store %arg10[%swap3A_674, %swap3A_675, %swap3A_676], %mul3A_673 {strides = array<i32>} : memref<2x128x128xf32, #tpu.memory_space<vmem>>, vector<16xf32>,
          %mul3A_678 = arith.constant 16 : i32
          %mul3A_679 = arith.muli %scan3A_159, %mul3A_678 : i32
          %add3A_680 = arith.constant 6 : i32
          %add3A_681 = arith.addi %mul3A_679, %add3A_680 : i32
          %slice3A_682 = vector.extract_strided_slice %get3A_164 {offsets = [6], sizes = [1], strides = [1]} : vector<16xf32> to vector<1xf32>
          %squeeze3A_683 = vector.extract %slice3A_682[0] : f32 from vector<1xf32>
          %get3A_684 = arith.index_cast %rem3A_135 : i32 to index
          %get3A_685 = arith.index_cast %add3A_681 : i32 to index
          %get3A_686 = arith.constant 0 : index
          %get3A_687 = tpu.vector_load %arg10[%get3A_684, %get3A_685, %get3A_686] {strides = array<i32>} : memref<2x128x128xf32, #tpu.memory_space<vmem>>, vector<16xf32>,
          %mul3A_688 = vector.broadcast %squeeze3A_683 : f32 to vector<16xf32>
          %mul3A_689 = arith.mulf %get3A_687, %mul3A_688 : vector<16xf32>
          %swap3A_690 = arith.index_cast %rem3A_135 : i32 to index
          %swap3A_691 = arith.index_cast %add3A_681 : i32 to index
          %swap3A_692 = arith.constant 0 : index
          %swap3A_693 = tpu.vector_load %arg10[%swap3A_690, %swap3A_691, %swap3A_692] {strides = array<i32>} : memref<2x128x128xf32, #tpu.memory_space<vmem>>, vector<16xf32>,
          tpu.vector_store %arg10[%swap3A_690, %swap3A_691, %swap3A_692], %mul3A_689 {strides = array<i32>} : memref<2x128x128xf32, #tpu.memory_space<vmem>>, vector<16xf32>,
          %get3A_694 = arith.index_cast %rem3A_135 : i32 to index
          %get3A_695 = arith.index_cast %add3A_681 : i32 to index
          %get3A_696 = arith.constant 16 : index
          %get3A_697 = tpu.vector_load %arg10[%get3A_694, %get3A_695, %get3A_696] {strides = array<i32>} : memref<2x128x128xf32, #tpu.memory_space<vmem>>, vector<16xf32>,
          %mul3A_698 = vector.broadcast %squeeze3A_683 : f32 to vector<16xf32>
          %mul3A_699 = arith.mulf %get3A_697, %mul3A_698 : vector<16xf32>
          %swap3A_700 = arith.index_cast %rem3A_135 : i32 to index
          %swap3A_701 = arith.index_cast %add3A_681 : i32 to index
          %swap3A_702 = arith.constant 16 : index
          %swap3A_703 = tpu.vector_load %arg10[%swap3A_700, %swap3A_701, %swap3A_702] {strides = array<i32>} : memref<2x128x128xf32, #tpu.memory_space<vmem>>, vector<16xf32>,
          tpu.vector_store %arg10[%swap3A_700, %swap3A_701, %swap3A_702], %mul3A_699 {strides = array<i32>} : memref<2x128x128xf32, #tpu.memory_space<vmem>>, vector<16xf32>,
          %get3A_704 = arith.index_cast %rem3A_135 : i32 to index
          %get3A_705 = arith.index_cast %add3A_681 : i32 to index
          %get3A_706 = arith.constant 32 : index
          %get3A_707 = tpu.vector_load %arg10[%get3A_704, %get3A_705, %get3A_706] {strides = array<i32>} : memref<2x128x128xf32, #tpu.memory_space<vmem>>, vector<16xf32>,
          %mul3A_708 = vector.broadcast %squeeze3A_683 : f32 to vector<16xf32>
          %mul3A_709 = arith.mulf %get3A_707, %mul3A_708 : vector<16xf32>
          %swap3A_710 = arith.index_cast %rem3A_135 : i32 to index
          %swap3A_711 = arith.index_cast %add3A_681 : i32 to index
          %swap3A_712 = arith.constant 32 : index
          %swap3A_713 = tpu.vector_load %arg10[%swap3A_710, %swap3A_711, %swap3A_712] {strides = array<i32>} : memref<2x128x128xf32, #tpu.memory_space<vmem>>, vector<16xf32>,
          tpu.vector_store %arg10[%swap3A_710, %swap3A_711, %swap3A_712], %mul3A_709 {strides = array<i32>} : memref<2x128x128xf32, #tpu.memory_space<vmem>>, vector<16xf32>,
          %get3A_714 = arith.index_cast %rem3A_135 : i32 to index
          %get3A_715 = arith.index_cast %add3A_681 : i32 to index
          %get3A_716 = arith.constant 48 : index
          %get3A_717 = tpu.vector_load %arg10[%get3A_714, %get3A_715, %get3A_716] {strides = array<i32>} : memref<2x128x128xf32, #tpu.memory_space<vmem>>, vector<16xf32>,
          %mul3A_718 = vector.broadcast %squeeze3A_683 : f32 to vector<16xf32>
          %mul3A_719 = arith.mulf %get3A_717, %mul3A_718 : vector<16xf32>
          %swap3A_720 = arith.index_cast %rem3A_135 : i32 to index
          %swap3A_721 = arith.index_cast %add3A_681 : i32 to index
          %swap3A_722 = arith.constant 48 : index
          %swap3A_723 = tpu.vector_load %arg10[%swap3A_720, %swap3A_721, %swap3A_722] {strides = array<i32>} : memref<2x128x128xf32, #tpu.memory_space<vmem>>, vector<16xf32>,
          tpu.vector_store %arg10[%swap3A_720, %swap3A_721, %swap3A_722], %mul3A_719 {strides = array<i32>} : memref<2x128x128xf32, #tpu.memory_space<vmem>>, vector<16xf32>,
          %get3A_724 = arith.index_cast %rem3A_135 : i32 to index
          %get3A_725 = arith.index_cast %add3A_681 : i32 to index
          %get3A_726 = arith.constant 64 : index
          %get3A_727 = tpu.vector_load %arg10[%get3A_724, %get3A_725, %get3A_726] {strides = array<i32>} : memref<2x128x128xf32, #tpu.memory_space<vmem>>, vector<16xf32>,
          %mul3A_728 = vector.broadcast %squeeze3A_683 : f32 to vector<16xf32>
          %mul3A_729 = arith.mulf %get3A_727, %mul3A_728 : vector<16xf32>
          %swap3A_730 = arith.index_cast %rem3A_135 : i32 to index
          %swap3A_731 = arith.index_cast %add3A_681 : i32 to index
          %swap3A_732 = arith.constant 64 : index
          %swap3A_733 = tpu.vector_load %arg10[%swap3A_730, %swap3A_731, %swap3A_732] {strides = array<i32>} : memref<2x128x128xf32, #tpu.memory_space<vmem>>, vector<16xf32>,
          tpu.vector_store %arg10[%swap3A_730, %swap3A_731, %swap3A_732], %mul3A_729 {strides = array<i32>} : memref<2x128x128xf32, #tpu.memory_space<vmem>>, vector<16xf32>,
          %get3A_734 = arith.index_cast %rem3A_135 : i32 to index
          %get3A_735 = arith.index_cast %add3A_681 : i32 to index
          %get3A_736 = arith.constant 80 : index
          %get3A_737 = tpu.vector_load %arg10[%get3A_734, %get3A_735, %get3A_736] {strides = array<i32>} : memref<2x128x128xf32, #tpu.memory_space<vmem>>, vector<16xf32>,
          %mul3A_738 = vector.broadcast %squeeze3A_683 : f32 to vector<16xf32>
          %mul3A_739 = arith.mulf %get3A_737, %mul3A_738 : vector<16xf32>
          %swap3A_740 = arith.index_cast %rem3A_135 : i32 to index
          %swap3A_741 = arith.index_cast %add3A_681 : i32 to index
          %swap3A_742 = arith.constant 80 : index
          %swap3A_743 = tpu.vector_load %arg10[%swap3A_740, %swap3A_741, %swap3A_742] {strides = array<i32>} : memref<2x128x128xf32, #tpu.memory_space<vmem>>, vector<16xf32>,
          tpu.vector_store %arg10[%swap3A_740, %swap3A_741, %swap3A_742], %mul3A_739 {strides = array<i32>} : memref<2x128x128xf32, #tpu.memory_space<vmem>>, vector<16xf32>,
          %get3A_744 = arith.index_cast %rem3A_135 : i32 to index
          %get3A_745 = arith.index_cast %add3A_681 : i32 to index
          %get3A_746 = arith.constant 96 : index
          %get3A_747 = tpu.vector_load %arg10[%get3A_744, %get3A_745, %get3A_746] {strides = array<i32>} : memref<2x128x128xf32, #tpu.memory_space<vmem>>, vector<16xf32>,
          %mul3A_748 = vector.broadcast %squeeze3A_683 : f32 to vector<16xf32>
          %mul3A_749 = arith.mulf %get3A_747, %mul3A_748 : vector<16xf32>
          %swap3A_750 = arith.index_cast %rem3A_135 : i32 to index
          %swap3A_751 = arith.index_cast %add3A_681 : i32 to index
          %swap3A_752 = arith.constant 96 : index
          %swap3A_753 = tpu.vector_load %arg10[%swap3A_750, %swap3A_751, %swap3A_752] {strides = array<i32>} : memref<2x128x128xf32, #tpu.memory_space<vmem>>, vector<16xf32>,
          tpu.vector_store %arg10[%swap3A_750, %swap3A_751, %swap3A_752], %mul3A_749 {strides = array<i32>} : memref<2x128x128xf32, #tpu.memory_space<vmem>>, vector<16xf32>,
          %get3A_754 = arith.index_cast %rem3A_135 : i32 to index
          %get3A_755 = arith.index_cast %add3A_681 : i32 to index
          %get3A_756 = arith.constant 112 : index
          %get3A_757 = tpu.vector_load %arg10[%get3A_754, %get3A_755, %get3A_756] {strides = array<i32>} : memref<2x128x128xf32, #tpu.memory_space<vmem>>, vector<16xf32>,
          %mul3A_758 = vector.broadcast %squeeze3A_683 : f32 to vector<16xf32>
          %mul3A_759 = arith.mulf %get3A_757, %mul3A_758 : vector<16xf32>
          %swap3A_760 = arith.index_cast %rem3A_135 : i32 to index
          %swap3A_761 = arith.index_cast %add3A_681 : i32 to index
          %swap3A_762 = arith.constant 112 : index
          %swap3A_763 = tpu.vector_load %arg10[%swap3A_760, %swap3A_761, %swap3A_762] {strides = array<i32>} : memref<2x128x128xf32, #tpu.memory_space<vmem>>, vector<16xf32>,
          tpu.vector_store %arg10[%swap3A_760, %swap3A_761, %swap3A_762], %mul3A_759 {strides = array<i32>} : memref<2x128x128xf32, #tpu.memory_space<vmem>>, vector<16xf32>,
          %mul3A_764 = arith.constant 16 : i32
          %mul3A_765 = arith.muli %scan3A_159, %mul3A_764 : i32
          %add3A_766 = arith.constant 7 : i32
          %add3A_767 = arith.addi %mul3A_765, %add3A_766 : i32
          %slice3A_768 = vector.extract_strided_slice %get3A_164 {offsets = [7], sizes = [1], strides = [1]} : vector<16xf32> to vector<1xf32>
          %squeeze3A_769 = vector.extract %slice3A_768[0] : f32 from vector<1xf32>
          %get3A_770 = arith.index_cast %rem3A_135 : i32 to index
          %get3A_771 = arith.index_cast %add3A_767 : i32 to index
          %get3A_772 = arith.constant 0 : index
          %get3A_773 = tpu.vector_load %arg10[%get3A_770, %get3A_771, %get3A_772] {strides = array<i32>} : memref<2x128x128xf32, #tpu.memory_space<vmem>>, vector<16xf32>,
          %mul3A_774 = vector.broadcast %squeeze3A_769 : f32 to vector<16xf32>
          %mul3A_775 = arith.mulf %get3A_773, %mul3A_774 : vector<16xf32>
          %swap3A_776 = arith.index_cast %rem3A_135 : i32 to index
          %swap3A_777 = arith.index_cast %add3A_767 : i32 to index
          %swap3A_778 = arith.constant 0 : index
          %swap3A_779 = tpu.vector_load %arg10[%swap3A_776, %swap3A_777, %swap3A_778] {strides = array<i32>} : memref<2x128x128xf32, #tpu.memory_space<vmem>>, vector<16xf32>,
          tpu.vector_store %arg10[%swap3A_776, %swap3A_777, %swap3A_778], %mul3A_775 {strides = array<i32>} : memref<2x128x128xf32, #tpu.memory_space<vmem>>, vector<16xf32>,
          %get3A_780 = arith.index_cast %rem3A_135 : i32 to index
          %get3A_781 = arith.index_cast %add3A_767 : i32 to index
          %get3A_782 = arith.constant 16 : index
          %get3A_783 = tpu.vector_load %arg10[%get3A_780, %get3A_781, %get3A_782] {strides = array<i32>} : memref<2x128x128xf32, #tpu.memory_space<vmem>>, vector<16xf32>,
          %mul3A_784 = vector.broadcast %squeeze3A_769 : f32 to vector<16xf32>
          %mul3A_785 = arith.mulf %get3A_783, %mul3A_784 : vector<16xf32>
          %swap3A_786 = arith.index_cast %rem3A_135 : i32 to index
          %swap3A_787 = arith.index_cast %add3A_767 : i32 to index
          %swap3A_788 = arith.constant 16 : index
          %swap3A_789 = tpu.vector_load %arg10[%swap3A_786, %swap3A_787, %swap3A_788] {strides = array<i32>} : memref<2x128x128xf32, #tpu.memory_space<vmem>>, vector<16xf32>,
          tpu.vector_store %arg10[%swap3A_786, %swap3A_787, %swap3A_788], %mul3A_785 {strides = array<i32>} : memref<2x128x128xf32, #tpu.memory_space<vmem>>, vector<16xf32>,
          %get3A_790 = arith.index_cast %rem3A_135 : i32 to index
          %get3A_791 = arith.index_cast %add3A_767 : i32 to index
          %get3A_792 = arith.constant 32 : index
          %get3A_793 = tpu.vector_load %arg10[%get3A_790, %get3A_791, %get3A_792] {strides = array<i32>} : memref<2x128x128xf32, #tpu.memory_space<vmem>>, vector<16xf32>,
          %mul3A_794 = vector.broadcast %squeeze3A_769 : f32 to vector<16xf32>
          %mul3A_795 = arith.mulf %get3A_793, %mul3A_794 : vector<16xf32>
          %swap3A_796 = arith.index_cast %rem3A_135 : i32 to index
          %swap3A_797 = arith.index_cast %add3A_767 : i32 to index
          %swap3A_798 = arith.constant 32 : index
          %swap3A_799 = tpu.vector_load %arg10[%swap3A_796, %swap3A_797, %swap3A_798] {strides = array<i32>} : memref<2x128x128xf32, #tpu.memory_space<vmem>>, vector<16xf32>,
          tpu.vector_store %arg10[%swap3A_796, %swap3A_797, %swap3A_798], %mul3A_795 {strides = array<i32>} : memref<2x128x128xf32, #tpu.memory_space<vmem>>, vector<16xf32>,
          %get3A_800 = arith.index_cast %rem3A_135 : i32 to index
          %get3A_801 = arith.index_cast %add3A_767 : i32 to index
          %get3A_802 = arith.constant 48 : index
          %get3A_803 = tpu.vector_load %arg10[%get3A_800, %get3A_801, %get3A_802] {strides = array<i32>} : memref<2x128x128xf32, #tpu.memory_space<vmem>>, vector<16xf32>,
          %mul3A_804 = vector.broadcast %squeeze3A_769 : f32 to vector<16xf32>
          %mul3A_805 = arith.mulf %get3A_803, %mul3A_804 : vector<16xf32>
          %swap3A_806 = arith.index_cast %rem3A_135 : i32 to index
          %swap3A_807 = arith.index_cast %add3A_767 : i32 to index
          %swap3A_808 = arith.constant 48 : index
          %swap3A_809 = tpu.vector_load %arg10[%swap3A_806, %swap3A_807, %swap3A_808] {strides = array<i32>} : memref<2x128x128xf32, #tpu.memory_space<vmem>>, vector<16xf32>,
          tpu.vector_store %arg10[%swap3A_806, %swap3A_807, %swap3A_808], %mul3A_805 {strides = array<i32>} : memref<2x128x128xf32, #tpu.memory_space<vmem>>, vector<16xf32>,
          %get3A_810 = arith.index_cast %rem3A_135 : i32 to index
          %get3A_811 = arith.index_cast %add3A_767 : i32 to index
          %get3A_812 = arith.constant 64 : index
          %get3A_813 = tpu.vector_load %arg10[%get3A_810, %get3A_811, %get3A_812] {strides = array<i32>} : memref<2x128x128xf32, #tpu.memory_space<vmem>>, vector<16xf32>,
          %mul3A_814 = vector.broadcast %squeeze3A_769 : f32 to vector<16xf32>
          %mul3A_815 = arith.mulf %get3A_813, %mul3A_814 : vector<16xf32>
          %swap3A_816 = arith.index_cast %rem3A_135 : i32 to index
          %swap3A_817 = arith.index_cast %add3A_767 : i32 to index
          %swap3A_818 = arith.constant 64 : index
          %swap3A_819 = tpu.vector_load %arg10[%swap3A_816, %swap3A_817, %swap3A_818] {strides = array<i32>} : memref<2x128x128xf32, #tpu.memory_space<vmem>>, vector<16xf32>,
          tpu.vector_store %arg10[%swap3A_816, %swap3A_817, %swap3A_818], %mul3A_815 {strides = array<i32>} : memref<2x128x128xf32, #tpu.memory_space<vmem>>, vector<16xf32>,
          %get3A_820 = arith.index_cast %rem3A_135 : i32 to index
          %get3A_821 = arith.index_cast %add3A_767 : i32 to index
          %get3A_822 = arith.constant 80 : index
          %get3A_823 = tpu.vector_load %arg10[%get3A_820, %get3A_821, %get3A_822] {strides = array<i32>} : memref<2x128x128xf32, #tpu.memory_space<vmem>>, vector<16xf32>,
          %mul3A_824 = vector.broadcast %squeeze3A_769 : f32 to vector<16xf32>
          %mul3A_825 = arith.mulf %get3A_823, %mul3A_824 : vector<16xf32>
          %swap3A_826 = arith.index_cast %rem3A_135 : i32 to index
          %swap3A_827 = arith.index_cast %add3A_767 : i32 to index
          %swap3A_828 = arith.constant 80 : index
          %swap3A_829 = tpu.vector_load %arg10[%swap3A_826, %swap3A_827, %swap3A_828] {strides = array<i32>} : memref<2x128x128xf32, #tpu.memory_space<vmem>>, vector<16xf32>,
          tpu.vector_store %arg10[%swap3A_826, %swap3A_827, %swap3A_828], %mul3A_825 {strides = array<i32>} : memref<2x128x128xf32, #tpu.memory_space<vmem>>, vector<16xf32>,
          %get3A_830 = arith.index_cast %rem3A_135 : i32 to index
          %get3A_831 = arith.index_cast %add3A_767 : i32 to index
          %get3A_832 = arith.constant 96 : index
          %get3A_833 = tpu.vector_load %arg10[%get3A_830, %get3A_831, %get3A_832] {strides = array<i32>} : memref<2x128x128xf32, #tpu.memory_space<vmem>>, vector<16xf32>,
          %mul3A_834 = vector.broadcast %squeeze3A_769 : f32 to vector<16xf32>
          %mul3A_835 = arith.mulf %get3A_833, %mul3A_834 : vector<16xf32>
          %swap3A_836 = arith.index_cast %rem3A_135 : i32 to index
          %swap3A_837 = arith.index_cast %add3A_767 : i32 to index
          %swap3A_838 = arith.constant 96 : index
          %swap3A_839 = tpu.vector_load %arg10[%swap3A_836, %swap3A_837, %swap3A_838] {strides = array<i32>} : memref<2x128x128xf32, #tpu.memory_space<vmem>>, vector<16xf32>,
          tpu.vector_store %arg10[%swap3A_836, %swap3A_837, %swap3A_838], %mul3A_835 {strides = array<i32>} : memref<2x128x128xf32, #tpu.memory_space<vmem>>, vector<16xf32>,
          %get3A_840 = arith.index_cast %rem3A_135 : i32 to index
          %get3A_841 = arith.index_cast %add3A_767 : i32 to index
          %get3A_842 = arith.constant 112 : index
          %get3A_843 = tpu.vector_load %arg10[%get3A_840, %get3A_841, %get3A_842] {strides = array<i32>} : memref<2x128x128xf32, #tpu.memory_space<vmem>>, vector<16xf32>,
          %mul3A_844 = vector.broadcast %squeeze3A_769 : f32 to vector<16xf32>
          %mul3A_845 = arith.mulf %get3A_843, %mul3A_844 : vector<16xf32>
          %swap3A_846 = arith.index_cast %rem3A_135 : i32 to index
          %swap3A_847 = arith.index_cast %add3A_767 : i32 to index
          %swap3A_848 = arith.constant 112 : index
          %swap3A_849 = tpu.vector_load %arg10[%swap3A_846, %swap3A_847, %swap3A_848] {strides = array<i32>} : memref<2x128x128xf32, #tpu.memory_space<vmem>>, vector<16xf32>,
          tpu.vector_store %arg10[%swap3A_846, %swap3A_847, %swap3A_848], %mul3A_845 {strides = array<i32>} : memref<2x128x128xf32, #tpu.memory_space<vmem>>, vector<16xf32>,
          %mul3A_850 = arith.constant 16 : i32
          %mul3A_851 = arith.muli %scan3A_159, %mul3A_850 : i32
          %add3A_852 = arith.constant 8 : i32
          %add3A_853 = arith.addi %mul3A_851, %add3A_852 : i32
          %slice3A_854 = vector.extract_strided_slice %get3A_164 {offsets = [8], sizes = [1], strides = [1]} : vector<16xf32> to vector<1xf32>
          %squeeze3A_855 = vector.extract %slice3A_854[0] : f32 from vector<1xf32>
          %get3A_856 = arith.index_cast %rem3A_135 : i32 to index
          %get3A_857 = arith.index_cast %add3A_853 : i32 to index
          %get3A_858 = arith.constant 0 : index
          %get3A_859 = tpu.vector_load %arg10[%get3A_856, %get3A_857, %get3A_858] {strides = array<i32>} : memref<2x128x128xf32, #tpu.memory_space<vmem>>, vector<16xf32>,
          %mul3A_860 = vector.broadcast %squeeze3A_855 : f32 to vector<16xf32>
          %mul3A_861 = arith.mulf %get3A_859, %mul3A_860 : vector<16xf32>
          %swap3A_862 = arith.index_cast %rem3A_135 : i32 to index
          %swap3A_863 = arith.index_cast %add3A_853 : i32 to index
          %swap3A_864 = arith.constant 0 : index
          %swap3A_865 = tpu.vector_load %arg10[%swap3A_862, %swap3A_863, %swap3A_864] {strides = array<i32>} : memref<2x128x128xf32, #tpu.memory_space<vmem>>, vector<16xf32>,
          tpu.vector_store %arg10[%swap3A_862, %swap3A_863, %swap3A_864], %mul3A_861 {strides = array<i32>} : memref<2x128x128xf32, #tpu.memory_space<vmem>>, vector<16xf32>,
          %get3A_866 = arith.index_cast %rem3A_135 : i32 to index
          %get3A_867 = arith.index_cast %add3A_853 : i32 to index
          %get3A_868 = arith.constant 16 : index
          %get3A_869 = tpu.vector_load %arg10[%get3A_866, %get3A_867, %get3A_868] {strides = array<i32>} : memref<2x128x128xf32, #tpu.memory_space<vmem>>, vector<16xf32>,
          %mul3A_870 = vector.broadcast %squeeze3A_855 : f32 to vector<16xf32>
          %mul3A_871 = arith.mulf %get3A_869, %mul3A_870 : vector<16xf32>
          %swap3A_872 = arith.index_cast %rem3A_135 : i32 to index
          %swap3A_873 = arith.index_cast %add3A_853 : i32 to index
          %swap3A_874 = arith.constant 16 : index
          %swap3A_875 = tpu.vector_load %arg10[%swap3A_872, %swap3A_873, %swap3A_874] {strides = array<i32>} : memref<2x128x128xf32, #tpu.memory_space<vmem>>, vector<16xf32>,
          tpu.vector_store %arg10[%swap3A_872, %swap3A_873, %swap3A_874], %mul3A_871 {strides = array<i32>} : memref<2x128x128xf32, #tpu.memory_space<vmem>>, vector<16xf32>,
          %get3A_876 = arith.index_cast %rem3A_135 : i32 to index
          %get3A_877 = arith.index_cast %add3A_853 : i32 to index
          %get3A_878 = arith.constant 32 : index
          %get3A_879 = tpu.vector_load %arg10[%get3A_876, %get3A_877, %get3A_878] {strides = array<i32>} : memref<2x128x128xf32, #tpu.memory_space<vmem>>, vector<16xf32>,
          %mul3A_880 = vector.broadcast %squeeze3A_855 : f32 to vector<16xf32>
          %mul3A_881 = arith.mulf %get3A_879, %mul3A_880 : vector<16xf32>
          %swap3A_882 = arith.index_cast %rem3A_135 : i32 to index
          %swap3A_883 = arith.index_cast %add3A_853 : i32 to index
          %swap3A_884 = arith.constant 32 : index
          %swap3A_885 = tpu.vector_load %arg10[%swap3A_882, %swap3A_883, %swap3A_884] {strides = array<i32>} : memref<2x128x128xf32, #tpu.memory_space<vmem>>, vector<16xf32>,
          tpu.vector_store %arg10[%swap3A_882, %swap3A_883, %swap3A_884], %mul3A_881 {strides = array<i32>} : memref<2x128x128xf32, #tpu.memory_space<vmem>>, vector<16xf32>,
          %get3A_886 = arith.index_cast %rem3A_135 : i32 to index
          %get3A_887 = arith.index_cast %add3A_853 : i32 to index
          %get3A_888 = arith.constant 48 : index
          %get3A_889 = tpu.vector_load %arg10[%get3A_886, %get3A_887, %get3A_888] {strides = array<i32>} : memref<2x128x128xf32, #tpu.memory_space<vmem>>, vector<16xf32>,
          %mul3A_890 = vector.broadcast %squeeze3A_855 : f32 to vector<16xf32>
          %mul3A_891 = arith.mulf %get3A_889, %mul3A_890 : vector<16xf32>
          %swap3A_892 = arith.index_cast %rem3A_135 : i32 to index
          %swap3A_893 = arith.index_cast %add3A_853 : i32 to index
          %swap3A_894 = arith.constant 48 : index
          %swap3A_895 = tpu.vector_load %arg10[%swap3A_892, %swap3A_893, %swap3A_894] {strides = array<i32>} : memref<2x128x128xf32, #tpu.memory_space<vmem>>, vector<16xf32>,
          tpu.vector_store %arg10[%swap3A_892, %swap3A_893, %swap3A_894], %mul3A_891 {strides = array<i32>} : memref<2x128x128xf32, #tpu.memory_space<vmem>>, vector<16xf32>,
          %get3A_896 = arith.index_cast %rem3A_135 : i32 to index
          %get3A_897 = arith.index_cast %add3A_853 : i32 to index
          %get3A_898 = arith.constant 64 : index
          %get3A_899 = tpu.vector_load %arg10[%get3A_896, %get3A_897, %get3A_898] {strides = array<i32>} : memref<2x128x128xf32, #tpu.memory_space<vmem>>, vector<16xf32>,
          %mul3A_900 = vector.broadcast %squeeze3A_855 : f32 to vector<16xf32>
          %mul3A_901 = arith.mulf %get3A_899, %mul3A_900 : vector<16xf32>
          %swap3A_902 = arith.index_cast %rem3A_135 : i32 to index
          %swap3A_903 = arith.index_cast %add3A_853 : i32 to index
          %swap3A_904 = arith.constant 64 : index
          %swap3A_905 = tpu.vector_load %arg10[%swap3A_902, %swap3A_903, %swap3A_904] {strides = array<i32>} : memref<2x128x128xf32, #tpu.memory_space<vmem>>, vector<16xf32>,
          tpu.vector_store %arg10[%swap3A_902, %swap3A_903, %swap3A_904], %mul3A_901 {strides = array<i32>} : memref<2x128x128xf32, #tpu.memory_space<vmem>>, vector<16xf32>,
          %get3A_906 = arith.index_cast %rem3A_135 : i32 to index
          %get3A_907 = arith.index_cast %add3A_853 : i32 to index
          %get3A_908 = arith.constant 80 : index
          %get3A_909 = tpu.vector_load %arg10[%get3A_906, %get3A_907, %get3A_908] {strides = array<i32>} : memref<2x128x128xf32, #tpu.memory_space<vmem>>, vector<16xf32>,
          %mul3A_910 = vector.broadcast %squeeze3A_855 : f32 to vector<16xf32>
          %mul3A_911 = arith.mulf %get3A_909, %mul3A_910 : vector<16xf32>
          %swap3A_912 = arith.index_cast %rem3A_135 : i32 to index
          %swap3A_913 = arith.index_cast %add3A_853 : i32 to index
          %swap3A_914 = arith.constant 80 : index
          %swap3A_915 = tpu.vector_load %arg10[%swap3A_912, %swap3A_913, %swap3A_914] {strides = array<i32>} : memref<2x128x128xf32, #tpu.memory_space<vmem>>, vector<16xf32>,
          tpu.vector_store %arg10[%swap3A_912, %swap3A_913, %swap3A_914], %mul3A_911 {strides = array<i32>} : memref<2x128x128xf32, #tpu.memory_space<vmem>>, vector<16xf32>,
          %get3A_916 = arith.index_cast %rem3A_135 : i32 to index
          %get3A_917 = arith.index_cast %add3A_853 : i32 to index
          %get3A_918 = arith.constant 96 : index
          %get3A_919 = tpu.vector_load %arg10[%get3A_916, %get3A_917, %get3A_918] {strides = array<i32>} : memref<2x128x128xf32, #tpu.memory_space<vmem>>, vector<16xf32>,
          %mul3A_920 = vector.broadcast %squeeze3A_855 : f32 to vector<16xf32>
          %mul3A_921 = arith.mulf %get3A_919, %mul3A_920 : vector<16xf32>
          %swap3A_922 = arith.index_cast %rem3A_135 : i32 to index
          %swap3A_923 = arith.index_cast %add3A_853 : i32 to index
          %swap3A_924 = arith.constant 96 : index
          %swap3A_925 = tpu.vector_load %arg10[%swap3A_922, %swap3A_923, %swap3A_924] {strides = array<i32>} : memref<2x128x128xf32, #tpu.memory_space<vmem>>, vector<16xf32>,
          tpu.vector_store %arg10[%swap3A_922, %swap3A_923, %swap3A_924], %mul3A_921 {strides = array<i32>} : memref<2x128x128xf32, #tpu.memory_space<vmem>>, vector<16xf32>,
          %get3A_926 = arith.index_cast %rem3A_135 : i32 to index
          %get3A_927 = arith.index_cast %add3A_853 : i32 to index
          %get3A_928 = arith.constant 112 : index
          %get3A_929 = tpu.vector_load %arg10[%get3A_926, %get3A_927, %get3A_928] {strides = array<i32>} : memref<2x128x128xf32, #tpu.memory_space<vmem>>, vector<16xf32>,
          %mul3A_930 = vector.broadcast %squeeze3A_855 : f32 to vector<16xf32>
          %mul3A_931 = arith.mulf %get3A_929, %mul3A_930 : vector<16xf32>
          %swap3A_932 = arith.index_cast %rem3A_135 : i32 to index
          %swap3A_933 = arith.index_cast %add3A_853 : i32 to index
          %swap3A_934 = arith.constant 112 : index
          %swap3A_935 = tpu.vector_load %arg10[%swap3A_932, %swap3A_933, %swap3A_934] {strides = array<i32>} : memref<2x128x128xf32, #tpu.memory_space<vmem>>, vector<16xf32>,
          tpu.vector_store %arg10[%swap3A_932, %swap3A_933, %swap3A_934], %mul3A_931 {strides = array<i32>} : memref<2x128x128xf32, #tpu.memory_space<vmem>>, vector<16xf32>,
          %mul3A_936 = arith.constant 16 : i32
          %mul3A_937 = arith.muli %scan3A_159, %mul3A_936 : i32
          %add3A_938 = arith.constant 9 : i32
          %add3A_939 = arith.addi %mul3A_937, %add3A_938 : i32
          %slice3A_940 = vector.extract_strided_slice %get3A_164 {offsets = [9], sizes = [1], strides = [1]} : vector<16xf32> to vector<1xf32>
          %squeeze3A_941 = vector.extract %slice3A_940[0] : f32 from vector<1xf32>
          %get3A_942 = arith.index_cast %rem3A_135 : i32 to index
          %get3A_943 = arith.index_cast %add3A_939 : i32 to index
          %get3A_944 = arith.constant 0 : index
          %get3A_945 = tpu.vector_load %arg10[%get3A_942, %get3A_943, %get3A_944] {strides = array<i32>} : memref<2x128x128xf32, #tpu.memory_space<vmem>>, vector<16xf32>,
          %mul3A_946 = vector.broadcast %squeeze3A_941 : f32 to vector<16xf32>
          %mul3A_947 = arith.mulf %get3A_945, %mul3A_946 : vector<16xf32>
          %swap3A_948 = arith.index_cast %rem3A_135 : i32 to index
          %swap3A_949 = arith.index_cast %add3A_939 : i32 to index
          %swap3A_950 = arith.constant 0 : index
          %swap3A_951 = tpu.vector_load %arg10[%swap3A_948, %swap3A_949, %swap3A_950] {strides = array<i32>} : memref<2x128x128xf32, #tpu.memory_space<vmem>>, vector<16xf32>,
          tpu.vector_store %arg10[%swap3A_948, %swap3A_949, %swap3A_950], %mul3A_947 {strides = array<i32>} : memref<2x128x128xf32, #tpu.memory_space<vmem>>, vector<16xf32>,
          %get3A_952 = arith.index_cast %rem3A_135 : i32 to index
          %get3A_953 = arith.index_cast %add3A_939 : i32 to index
          %get3A_954 = arith.constant 16 : index
          %get3A_955 = tpu.vector_load %arg10[%get3A_952, %get3A_953, %get3A_954] {strides = array<i32>} : memref<2x128x128xf32, #tpu.memory_space<vmem>>, vector<16xf32>,
          %mul3A_956 = vector.broadcast %squeeze3A_941 : f32 to vector<16xf32>
          %mul3A_957 = arith.mulf %get3A_955, %mul3A_956 : vector<16xf32>
          %swap3A_958 = arith.index_cast %rem3A_135 : i32 to index
          %swap3A_959 = arith.index_cast %add3A_939 : i32 to index
          %swap3A_960 = arith.constant 16 : index
          %swap3A_961 = tpu.vector_load %arg10[%swap3A_958, %swap3A_959, %swap3A_960] {strides = array<i32>} : memref<2x128x128xf32, #tpu.memory_space<vmem>>, vector<16xf32>,
          tpu.vector_store %arg10[%swap3A_958, %swap3A_959, %swap3A_960], %mul3A_957 {strides = array<i32>} : memref<2x128x128xf32, #tpu.memory_space<vmem>>, vector<16xf32>,
          %get3A_962 = arith.index_cast %rem3A_135 : i32 to index
          %get3A_963 = arith.index_cast %add3A_939 : i32 to index
          %get3A_964 = arith.constant 32 : index
          %get3A_965 = tpu.vector_load %arg10[%get3A_962, %get3A_963, %get3A_964] {strides = array<i32>} : memref<2x128x128xf32, #tpu.memory_space<vmem>>, vector<16xf32>,
          %mul3A_966 = vector.broadcast %squeeze3A_941 : f32 to vector<16xf32>
          %mul3A_967 = arith.mulf %get3A_965, %mul3A_966 : vector<16xf32>
          %swap3A_968 = arith.index_cast %rem3A_135 : i32 to index
          %swap3A_969 = arith.index_cast %add3A_939 : i32 to index
          %swap3A_970 = arith.constant 32 : index
          %swap3A_971 = tpu.vector_load %arg10[%swap3A_968, %swap3A_969, %swap3A_970] {strides = array<i32>} : memref<2x128x128xf32, #tpu.memory_space<vmem>>, vector<16xf32>,
          tpu.vector_store %arg10[%swap3A_968, %swap3A_969, %swap3A_970], %mul3A_967 {strides = array<i32>} : memref<2x128x128xf32, #tpu.memory_space<vmem>>, vector<16xf32>,
          %get3A_972 = arith.index_cast %rem3A_135 : i32 to index
          %get3A_973 = arith.index_cast %add3A_939 : i32 to index
          %get3A_974 = arith.constant 48 : index
          %get3A_975 = tpu.vector_load %arg10[%get3A_972, %get3A_973, %get3A_974] {strides = array<i32>} : memref<2x128x128xf32, #tpu.memory_space<vmem>>, vector<16xf32>,
          %mul3A_976 = vector.broadcast %squeeze3A_941 : f32 to vector<16xf32>
          %mul3A_977 = arith.mulf %get3A_975, %mul3A_976 : vector<16xf32>
          %swap3A_978 = arith.index_cast %rem3A_135 : i32 to index
          %swap3A_979 = arith.index_cast %add3A_939 : i32 to index
          %swap3A_980 = arith.constant 48 : index
          %swap3A_981 = tpu.vector_load %arg10[%swap3A_978, %swap3A_979, %swap3A_980] {strides = array<i32>} : memref<2x128x128xf32, #tpu.memory_space<vmem>>, vector<16xf32>,
          tpu.vector_store %arg10[%swap3A_978, %swap3A_979, %swap3A_980], %mul3A_977 {strides = array<i32>} : memref<2x128x128xf32, #tpu.memory_space<vmem>>, vector<16xf32>,
          %get3A_982 = arith.index_cast %rem3A_135 : i32 to index
          %get3A_983 = arith.index_cast %add3A_939 : i32 to index
          %get3A_984 = arith.constant 64 : index
          %get3A_985 = tpu.vector_load %arg10[%get3A_982, %get3A_983, %get3A_984] {strides = array<i32>} : memref<2x128x128xf32, #tpu.memory_space<vmem>>, vector<16xf32>,
          %mul3A_986 = vector.broadcast %squeeze3A_941 : f32 to vector<16xf32>
          %mul3A_987 = arith.mulf %get3A_985, %mul3A_986 : vector<16xf32>
          %swap3A_988 = arith.index_cast %rem3A_135 : i32 to index
          %swap3A_989 = arith.index_cast %add3A_939 : i32 to index
          %swap3A_990 = arith.constant 64 : index
          %swap3A_991 = tpu.vector_load %arg10[%swap3A_988, %swap3A_989, %swap3A_990] {strides = array<i32>} : memref<2x128x128xf32, #tpu.memory_space<vmem>>, vector<16xf32>,
          tpu.vector_store %arg10[%swap3A_988, %swap3A_989, %swap3A_990], %mul3A_987 {strides = array<i32>} : memref<2x128x128xf32, #tpu.memory_space<vmem>>, vector<16xf32>,
          %get3A_992 = arith.index_cast %rem3A_135 : i32 to index
          %get3A_993 = arith.index_cast %add3A_939 : i32 to index
          %get3A_994 = arith.constant 80 : index
          %get3A_995 = tpu.vector_load %arg10[%get3A_992, %get3A_993, %get3A_994] {strides = array<i32>} : memref<2x128x128xf32, #tpu.memory_space<vmem>>, vector<16xf32>,
          %mul3A_996 = vector.broadcast %squeeze3A_941 : f32 to vector<16xf32>
          %mul3A_997 = arith.mulf %get3A_995, %mul3A_996 : vector<16xf32>
          %swap3A_998 = arith.index_cast %rem3A_135 : i32 to index
          %swap3A_999 = arith.index_cast %add3A_939 : i32 to index
          %swap3A_1000 = arith.constant 80 : index
          %swap3A_1001 = tpu.vector_load %arg10[%swap3A_998, %swap3A_999, %swap3A_1000] {strides = array<i32>} : memref<2x128x128xf32, #tpu.memory_space<vmem>>, vector<16xf32>,
          tpu.vector_store %arg10[%swap3A_998, %swap3A_999, %swap3A_1000], %mul3A_997 {strides = array<i32>} : memref<2x128x128xf32, #tpu.memory_space<vmem>>, vector<16xf32>,
          %get3A_1002 = arith.index_cast %rem3A_135 : i32 to index
          %get3A_1003 = arith.index_cast %add3A_939 : i32 to index
          %get3A_1004 = arith.constant 96 : index
          %get3A_1005 = tpu.vector_load %arg10[%get3A_1002, %get3A_1003, %get3A_1004] {strides = array<i32>} : memref<2x128x128xf32, #tpu.memory_space<vmem>>, vector<16xf32>,
          %mul3A_1006 = vector.broadcast %squeeze3A_941 : f32 to vector<16xf32>
          %mul3A_1007 = arith.mulf %get3A_1005, %mul3A_1006 : vector<16xf32>
          %swap3A_1008 = arith.index_cast %rem3A_135 : i32 to index
          %swap3A_1009 = arith.index_cast %add3A_939 : i32 to index
          %swap3A_1010 = arith.constant 96 : index
          %swap3A_1011 = tpu.vector_load %arg10[%swap3A_1008, %swap3A_1009, %swap3A_1010] {strides = array<i32>} : memref<2x128x128xf32, #tpu.memory_space<vmem>>, vector<16xf32>,
          tpu.vector_store %arg10[%swap3A_1008, %swap3A_1009, %swap3A_1010], %mul3A_1007 {strides = array<i32>} : memref<2x128x128xf32, #tpu.memory_space<vmem>>, vector<16xf32>,
          %get3A_1012 = arith.index_cast %rem3A_135 : i32 to index
          %get3A_1013 = arith.index_cast %add3A_939 : i32 to index
          %get3A_1014 = arith.constant 112 : index
          %get3A_1015 = tpu.vector_load %arg10[%get3A_1012, %get3A_1013, %get3A_1014] {strides = array<i32>} : memref<2x128x128xf32, #tpu.memory_space<vmem>>, vector<16xf32>,
          %mul3A_1016 = vector.broadcast %squeeze3A_941 : f32 to vector<16xf32>
          %mul3A_1017 = arith.mulf %get3A_1015, %mul3A_1016 : vector<16xf32>
          %swap3A_1018 = arith.index_cast %rem3A_135 : i32 to index
          %swap3A_1019 = arith.index_cast %add3A_939 : i32 to index
          %swap3A_1020 = arith.constant 112 : index
          %swap3A_1021 = tpu.vector_load %arg10[%swap3A_1018, %swap3A_1019, %swap3A_1020] {strides = array<i32>} : memref<2x128x128xf32, #tpu.memory_space<vmem>>, vector<16xf32>,
          tpu.vector_store %arg10[%swap3A_1018, %swap3A_1019, %swap3A_1020], %mul3A_1017 {strides = array<i32>} : memref<2x128x128xf32, #tpu.memory_space<vmem>>, vector<16xf32>,
          %mul3A_1022 = arith.constant 16 : i32
          %mul3A_1023 = arith.muli %scan3A_159, %mul3A_1022 : i32
          %add3A_1024 = arith.constant 10 : i32
          %add3A_1025 = arith.addi %mul3A_1023, %add3A_1024 : i32
          %slice3A_1026 = vector.extract_strided_slice %get3A_164 {offsets = [10], sizes = [1], strides = [1]} : vector<16xf32> to vector<1xf32>
          %squeeze3A_1027 = vector.extract %slice3A_1026[0] : f32 from vector<1xf32>
          %get3A_1028 = arith.index_cast %rem3A_135 : i32 to index
          %get3A_1029 = arith.index_cast %add3A_1025 : i32 to index
          %get3A_1030 = arith.constant 0 : index
          %get3A_1031 = tpu.vector_load %arg10[%get3A_1028, %get3A_1029, %get3A_1030] {strides = array<i32>} : memref<2x128x128xf32, #tpu.memory_space<vmem>>, vector<16xf32>,
          %mul3A_1032 = vector.broadcast %squeeze3A_1027 : f32 to vector<16xf32>
          %mul3A_1033 = arith.mulf %get3A_1031, %mul3A_1032 : vector<16xf32>
          %swap3A_1034 = arith.index_cast %rem3A_135 : i32 to index
          %swap3A_1035 = arith.index_cast %add3A_1025 : i32 to index
          %swap3A_1036 = arith.constant 0 : index
          %swap3A_1037 = tpu.vector_load %arg10[%swap3A_1034, %swap3A_1035, %swap3A_1036] {strides = array<i32>} : memref<2x128x128xf32, #tpu.memory_space<vmem>>, vector<16xf32>,
          tpu.vector_store %arg10[%swap3A_1034, %swap3A_1035, %swap3A_1036], %mul3A_1033 {strides = array<i32>} : memref<2x128x128xf32, #tpu.memory_space<vmem>>, vector<16xf32>,
          %get3A_1038 = arith.index_cast %rem3A_135 : i32 to index
          %get3A_1039 = arith.index_cast %add3A_1025 : i32 to index
          %get3A_1040 = arith.constant 16 : index
          %get3A_1041 = tpu.vector_load %arg10[%get3A_1038, %get3A_1039, %get3A_1040] {strides = array<i32>} : memref<2x128x128xf32, #tpu.memory_space<vmem>>, vector<16xf32>,
          %mul3A_1042 = vector.broadcast %squeeze3A_1027 : f32 to vector<16xf32>
          %mul3A_1043 = arith.mulf %get3A_1041, %mul3A_1042 : vector<16xf32>
          %swap3A_1044 = arith.index_cast %rem3A_135 : i32 to index
          %swap3A_1045 = arith.index_cast %add3A_1025 : i32 to index
          %swap3A_1046 = arith.constant 16 : index
          %swap3A_1047 = tpu.vector_load %arg10[%swap3A_1044, %swap3A_1045, %swap3A_1046] {strides = array<i32>} : memref<2x128x128xf32, #tpu.memory_space<vmem>>, vector<16xf32>,
          tpu.vector_store %arg10[%swap3A_1044, %swap3A_1045, %swap3A_1046], %mul3A_1043 {strides = array<i32>} : memref<2x128x128xf32, #tpu.memory_space<vmem>>, vector<16xf32>,
          %get3A_1048 = arith.index_cast %rem3A_135 : i32 to index
          %get3A_1049 = arith.index_cast %add3A_1025 : i32 to index
          %get3A_1050 = arith.constant 32 : index
          %get3A_1051 = tpu.vector_load %arg10[%get3A_1048, %get3A_1049, %get3A_1050] {strides = array<i32>} : memref<2x128x128xf32, #tpu.memory_space<vmem>>, vector<16xf32>,
          %mul3A_1052 = vector.broadcast %squeeze3A_1027 : f32 to vector<16xf32>
          %mul3A_1053 = arith.mulf %get3A_1051, %mul3A_1052 : vector<16xf32>
          %swap3A_1054 = arith.index_cast %rem3A_135 : i32 to index
          %swap3A_1055 = arith.index_cast %add3A_1025 : i32 to index
          %swap3A_1056 = arith.constant 32 : index
          %swap3A_1057 = tpu.vector_load %arg10[%swap3A_1054, %swap3A_1055, %swap3A_1056] {strides = array<i32>} : memref<2x128x128xf32, #tpu.memory_space<vmem>>, vector<16xf32>,
          tpu.vector_store %arg10[%swap3A_1054, %swap3A_1055, %swap3A_1056], %mul3A_1053 {strides = array<i32>} : memref<2x128x128xf32, #tpu.memory_space<vmem>>, vector<16xf32>,
          %get3A_1058 = arith.index_cast %rem3A_135 : i32 to index
          %get3A_1059 = arith.index_cast %add3A_1025 : i32 to index
          %get3A_1060 = arith.constant 48 : index
          %get3A_1061 = tpu.vector_load %arg10[%get3A_1058, %get3A_1059, %get3A_1060] {strides = array<i32>} : memref<2x128x128xf32, #tpu.memory_space<vmem>>, vector<16xf32>,
          %mul3A_1062 = vector.broadcast %squeeze3A_1027 : f32 to vector<16xf32>
          %mul3A_1063 = arith.mulf %get3A_1061, %mul3A_1062 : vector<16xf32>
          %swap3A_1064 = arith.index_cast %rem3A_135 : i32 to index
          %swap3A_1065 = arith.index_cast %add3A_1025 : i32 to index
          %swap3A_1066 = arith.constant 48 : index
          %swap3A_1067 = tpu.vector_load %arg10[%swap3A_1064, %swap3A_1065, %swap3A_1066] {strides = array<i32>} : memref<2x128x128xf32, #tpu.memory_space<vmem>>, vector<16xf32>,
          tpu.vector_store %arg10[%swap3A_1064, %swap3A_1065, %swap3A_1066], %mul3A_1063 {strides = array<i32>} : memref<2x128x128xf32, #tpu.memory_space<vmem>>, vector<16xf32>,
          %get3A_1068 = arith.index_cast %rem3A_135 : i32 to index
          %get3A_1069 = arith.index_cast %add3A_1025 : i32 to index
          %get3A_1070 = arith.constant 64 : index
          %get3A_1071 = tpu.vector_load %arg10[%get3A_1068, %get3A_1069, %get3A_1070] {strides = array<i32>} : memref<2x128x128xf32, #tpu.memory_space<vmem>>, vector<16xf32>,
          %mul3A_1072 = vector.broadcast %squeeze3A_1027 : f32 to vector<16xf32>
          %mul3A_1073 = arith.mulf %get3A_1071, %mul3A_1072 : vector<16xf32>
          %swap3A_1074 = arith.index_cast %rem3A_135 : i32 to index
          %swap3A_1075 = arith.index_cast %add3A_1025 : i32 to index
          %swap3A_1076 = arith.constant 64 : index
          %swap3A_1077 = tpu.vector_load %arg10[%swap3A_1074, %swap3A_1075, %swap3A_1076] {strides = array<i32>} : memref<2x128x128xf32, #tpu.memory_space<vmem>>, vector<16xf32>,
          tpu.vector_store %arg10[%swap3A_1074, %swap3A_1075, %swap3A_1076], %mul3A_1073 {strides = array<i32>} : memref<2x128x128xf32, #tpu.memory_space<vmem>>, vector<16xf32>,
          %get3A_1078 = arith.index_cast %rem3A_135 : i32 to index
          %get3A_1079 = arith.index_cast %add3A_1025 : i32 to index
          %get3A_1080 = arith.constant 80 : index
          %get3A_1081 = tpu.vector_load %arg10[%get3A_1078, %get3A_1079, %get3A_1080] {strides = array<i32>} : memref<2x128x128xf32, #tpu.memory_space<vmem>>, vector<16xf32>,
          %mul3A_1082 = vector.broadcast %squeeze3A_1027 : f32 to vector<16xf32>
          %mul3A_1083 = arith.mulf %get3A_1081, %mul3A_1082 : vector<16xf32>
          %swap3A_1084 = arith.index_cast %rem3A_135 : i32 to index
          %swap3A_1085 = arith.index_cast %add3A_1025 : i32 to index
          %swap3A_1086 = arith.constant 80 : index
          %swap3A_1087 = tpu.vector_load %arg10[%swap3A_1084, %swap3A_1085, %swap3A_1086] {strides = array<i32>} : memref<2x128x128xf32, #tpu.memory_space<vmem>>, vector<16xf32>,
          tpu.vector_store %arg10[%swap3A_1084, %swap3A_1085, %swap3A_1086], %mul3A_1083 {strides = array<i32>} : memref<2x128x128xf32, #tpu.memory_space<vmem>>, vector<16xf32>,
          %get3A_1088 = arith.index_cast %rem3A_135 : i32 to index
          %get3A_1089 = arith.index_cast %add3A_1025 : i32 to index
          %get3A_1090 = arith.constant 96 : index
          %get3A_1091 = tpu.vector_load %arg10[%get3A_1088, %get3A_1089, %get3A_1090] {strides = array<i32>} : memref<2x128x128xf32, #tpu.memory_space<vmem>>, vector<16xf32>,
          %mul3A_1092 = vector.broadcast %squeeze3A_1027 : f32 to vector<16xf32>
          %mul3A_1093 = arith.mulf %get3A_1091, %mul3A_1092 : vector<16xf32>
          %swap3A_1094 = arith.index_cast %rem3A_135 : i32 to index
          %swap3A_1095 = arith.index_cast %add3A_1025 : i32 to index
          %swap3A_1096 = arith.constant 96 : index
          %swap3A_1097 = tpu.vector_load %arg10[%swap3A_1094, %swap3A_1095, %swap3A_1096] {strides = array<i32>} : memref<2x128x128xf32, #tpu.memory_space<vmem>>, vector<16xf32>,
          tpu.vector_store %arg10[%swap3A_1094, %swap3A_1095, %swap3A_1096], %mul3A_1093 {strides = array<i32>} : memref<2x128x128xf32, #tpu.memory_space<vmem>>, vector<16xf32>,
          %get3A_1098 = arith.index_cast %rem3A_135 : i32 to index
          %get3A_1099 = arith.index_cast %add3A_1025 : i32 to index
          %get3A_1100 = arith.constant 112 : index
          %get3A_1101 = tpu.vector_load %arg10[%get3A_1098, %get3A_1099, %get3A_1100] {strides = array<i32>} : memref<2x128x128xf32, #tpu.memory_space<vmem>>, vector<16xf32>,
          %mul3A_1102 = vector.broadcast %squeeze3A_1027 : f32 to vector<16xf32>
          %mul3A_1103 = arith.mulf %get3A_1101, %mul3A_1102 : vector<16xf32>
          %swap3A_1104 = arith.index_cast %rem3A_135 : i32 to index
          %swap3A_1105 = arith.index_cast %add3A_1025 : i32 to index
          %swap3A_1106 = arith.constant 112 : index
          %swap3A_1107 = tpu.vector_load %arg10[%swap3A_1104, %swap3A_1105, %swap3A_1106] {strides = array<i32>} : memref<2x128x128xf32, #tpu.memory_space<vmem>>, vector<16xf32>,
          tpu.vector_store %arg10[%swap3A_1104, %swap3A_1105, %swap3A_1106], %mul3A_1103 {strides = array<i32>} : memref<2x128x128xf32, #tpu.memory_space<vmem>>, vector<16xf32>,
          %mul3A_1108 = arith.constant 16 : i32
          %mul3A_1109 = arith.muli %scan3A_159, %mul3A_1108 : i32
          %add3A_1110 = arith.constant 11 : i32
          %add3A_1111 = arith.addi %mul3A_1109, %add3A_1110 : i32
          %slice3A_1112 = vector.extract_strided_slice %get3A_164 {offsets = [11], sizes = [1], strides = [1]} : vector<16xf32> to vector<1xf32>
          %squeeze3A_1113 = vector.extract %slice3A_1112[0] : f32 from vector<1xf32>
          %get3A_1114 = arith.index_cast %rem3A_135 : i32 to index
          %get3A_1115 = arith.index_cast %add3A_1111 : i32 to index
          %get3A_1116 = arith.constant 0 : index
          %get3A_1117 = tpu.vector_load %arg10[%get3A_1114, %get3A_1115, %get3A_1116] {strides = array<i32>} : memref<2x128x128xf32, #tpu.memory_space<vmem>>, vector<16xf32>,
          %mul3A_1118 = vector.broadcast %squeeze3A_1113 : f32 to vector<16xf32>
          %mul3A_1119 = arith.mulf %get3A_1117, %mul3A_1118 : vector<16xf32>
          %swap3A_1120 = arith.index_cast %rem3A_135 : i32 to index
          %swap3A_1121 = arith.index_cast %add3A_1111 : i32 to index
          %swap3A_1122 = arith.constant 0 : index
          %swap3A_1123 = tpu.vector_load %arg10[%swap3A_1120, %swap3A_1121, %swap3A_1122] {strides = array<i32>} : memref<2x128x128xf32, #tpu.memory_space<vmem>>, vector<16xf32>,
          tpu.vector_store %arg10[%swap3A_1120, %swap3A_1121, %swap3A_1122], %mul3A_1119 {strides = array<i32>} : memref<2x128x128xf32, #tpu.memory_space<vmem>>, vector<16xf32>,
          %get3A_1124 = arith.index_cast %rem3A_135 : i32 to index
          %get3A_1125 = arith.index_cast %add3A_1111 : i32 to index
          %get3A_1126 = arith.constant 16 : index
          %get3A_1127 = tpu.vector_load %arg10[%get3A_1124, %get3A_1125, %get3A_1126] {strides = array<i32>} : memref<2x128x128xf32, #tpu.memory_space<vmem>>, vector<16xf32>,
          %mul3A_1128 = vector.broadcast %squeeze3A_1113 : f32 to vector<16xf32>
          %mul3A_1129 = arith.mulf %get3A_1127, %mul3A_1128 : vector<16xf32>
          %swap3A_1130 = arith.index_cast %rem3A_135 : i32 to index
          %swap3A_1131 = arith.index_cast %add3A_1111 : i32 to index
          %swap3A_1132 = arith.constant 16 : index
          %swap3A_1133 = tpu.vector_load %arg10[%swap3A_1130, %swap3A_1131, %swap3A_1132] {strides = array<i32>} : memref<2x128x128xf32, #tpu.memory_space<vmem>>, vector<16xf32>,
          tpu.vector_store %arg10[%swap3A_1130, %swap3A_1131, %swap3A_1132], %mul3A_1129 {strides = array<i32>} : memref<2x128x128xf32, #tpu.memory_space<vmem>>, vector<16xf32>,
          %get3A_1134 = arith.index_cast %rem3A_135 : i32 to index
          %get3A_1135 = arith.index_cast %add3A_1111 : i32 to index
          %get3A_1136 = arith.constant 32 : index
          %get3A_1137 = tpu.vector_load %arg10[%get3A_1134, %get3A_1135, %get3A_1136] {strides = array<i32>} : memref<2x128x128xf32, #tpu.memory_space<vmem>>, vector<16xf32>,
          %mul3A_1138 = vector.broadcast %squeeze3A_1113 : f32 to vector<16xf32>
          %mul3A_1139 = arith.mulf %get3A_1137, %mul3A_1138 : vector<16xf32>
          %swap3A_1140 = arith.index_cast %rem3A_135 : i32 to index
          %swap3A_1141 = arith.index_cast %add3A_1111 : i32 to index
          %swap3A_1142 = arith.constant 32 : index
          %swap3A_1143 = tpu.vector_load %arg10[%swap3A_1140, %swap3A_1141, %swap3A_1142] {strides = array<i32>} : memref<2x128x128xf32, #tpu.memory_space<vmem>>, vector<16xf32>,
          tpu.vector_store %arg10[%swap3A_1140, %swap3A_1141, %swap3A_1142], %mul3A_1139 {strides = array<i32>} : memref<2x128x128xf32, #tpu.memory_space<vmem>>, vector<16xf32>,
          %get3A_1144 = arith.index_cast %rem3A_135 : i32 to index
          %get3A_1145 = arith.index_cast %add3A_1111 : i32 to index
          %get3A_1146 = arith.constant 48 : index
          %get3A_1147 = tpu.vector_load %arg10[%get3A_1144, %get3A_1145, %get3A_1146] {strides = array<i32>} : memref<2x128x128xf32, #tpu.memory_space<vmem>>, vector<16xf32>,
          %mul3A_1148 = vector.broadcast %squeeze3A_1113 : f32 to vector<16xf32>
          %mul3A_1149 = arith.mulf %get3A_1147, %mul3A_1148 : vector<16xf32>
          %swap3A_1150 = arith.index_cast %rem3A_135 : i32 to index
          %swap3A_1151 = arith.index_cast %add3A_1111 : i32 to index
          %swap3A_1152 = arith.constant 48 : index
          %swap3A_1153 = tpu.vector_load %arg10[%swap3A_1150, %swap3A_1151, %swap3A_1152] {strides = array<i32>} : memref<2x128x128xf32, #tpu.memory_space<vmem>>, vector<16xf32>,
          tpu.vector_store %arg10[%swap3A_1150, %swap3A_1151, %swap3A_1152], %mul3A_1149 {strides = array<i32>} : memref<2x128x128xf32, #tpu.memory_space<vmem>>, vector<16xf32>,
          %get3A_1154 = arith.index_cast %rem3A_135 : i32 to index
          %get3A_1155 = arith.index_cast %add3A_1111 : i32 to index
          %get3A_1156 = arith.constant 64 : index
          %get3A_1157 = tpu.vector_load %arg10[%get3A_1154, %get3A_1155, %get3A_1156] {strides = array<i32>} : memref<2x128x128xf32, #tpu.memory_space<vmem>>, vector<16xf32>,
          %mul3A_1158 = vector.broadcast %squeeze3A_1113 : f32 to vector<16xf32>
          %mul3A_1159 = arith.mulf %get3A_1157, %mul3A_1158 : vector<16xf32>
          %swap3A_1160 = arith.index_cast %rem3A_135 : i32 to index
          %swap3A_1161 = arith.index_cast %add3A_1111 : i32 to index
          %swap3A_1162 = arith.constant 64 : index
          %swap3A_1163 = tpu.vector_load %arg10[%swap3A_1160, %swap3A_1161, %swap3A_1162] {strides = array<i32>} : memref<2x128x128xf32, #tpu.memory_space<vmem>>, vector<16xf32>,
          tpu.vector_store %arg10[%swap3A_1160, %swap3A_1161, %swap3A_1162], %mul3A_1159 {strides = array<i32>} : memref<2x128x128xf32, #tpu.memory_space<vmem>>, vector<16xf32>,
          %get3A_1164 = arith.index_cast %rem3A_135 : i32 to index
          %get3A_1165 = arith.index_cast %add3A_1111 : i32 to index
          %get3A_1166 = arith.constant 80 : index
          %get3A_1167 = tpu.vector_load %arg10[%get3A_1164, %get3A_1165, %get3A_1166] {strides = array<i32>} : memref<2x128x128xf32, #tpu.memory_space<vmem>>, vector<16xf32>,
          %mul3A_1168 = vector.broadcast %squeeze3A_1113 : f32 to vector<16xf32>
          %mul3A_1169 = arith.mulf %get3A_1167, %mul3A_1168 : vector<16xf32>
          %swap3A_1170 = arith.index_cast %rem3A_135 : i32 to index
          %swap3A_1171 = arith.index_cast %add3A_1111 : i32 to index
          %swap3A_1172 = arith.constant 80 : index
          %swap3A_1173 = tpu.vector_load %arg10[%swap3A_1170, %swap3A_1171, %swap3A_1172] {strides = array<i32>} : memref<2x128x128xf32, #tpu.memory_space<vmem>>, vector<16xf32>,
          tpu.vector_store %arg10[%swap3A_1170, %swap3A_1171, %swap3A_1172], %mul3A_1169 {strides = array<i32>} : memref<2x128x128xf32, #tpu.memory_space<vmem>>, vector<16xf32>,
          %get3A_1174 = arith.index_cast %rem3A_135 : i32 to index
          %get3A_1175 = arith.index_cast %add3A_1111 : i32 to index
          %get3A_1176 = arith.constant 96 : index
          %get3A_1177 = tpu.vector_load %arg10[%get3A_1174, %get3A_1175, %get3A_1176] {strides = array<i32>} : memref<2x128x128xf32, #tpu.memory_space<vmem>>, vector<16xf32>,
          %mul3A_1178 = vector.broadcast %squeeze3A_1113 : f32 to vector<16xf32>
          %mul3A_1179 = arith.mulf %get3A_1177, %mul3A_1178 : vector<16xf32>
          %swap3A_1180 = arith.index_cast %rem3A_135 : i32 to index
          %swap3A_1181 = arith.index_cast %add3A_1111 : i32 to index
          %swap3A_1182 = arith.constant 96 : index
          %swap3A_1183 = tpu.vector_load %arg10[%swap3A_1180, %swap3A_1181, %swap3A_1182] {strides = array<i32>} : memref<2x128x128xf32, #tpu.memory_space<vmem>>, vector<16xf32>,
          tpu.vector_store %arg10[%swap3A_1180, %swap3A_1181, %swap3A_1182], %mul3A_1179 {strides = array<i32>} : memref<2x128x128xf32, #tpu.memory_space<vmem>>, vector<16xf32>,
          %get3A_1184 = arith.index_cast %rem3A_135 : i32 to index
          %get3A_1185 = arith.index_cast %add3A_1111 : i32 to index
          %get3A_1186 = arith.constant 112 : index
          %get3A_1187 = tpu.vector_load %arg10[%get3A_1184, %get3A_1185, %get3A_1186] {strides = array<i32>} : memref<2x128x128xf32, #tpu.memory_space<vmem>>, vector<16xf32>,
          %mul3A_1188 = vector.broadcast %squeeze3A_1113 : f32 to vector<16xf32>
          %mul3A_1189 = arith.mulf %get3A_1187, %mul3A_1188 : vector<16xf32>
          %swap3A_1190 = arith.index_cast %rem3A_135 : i32 to index
          %swap3A_1191 = arith.index_cast %add3A_1111 : i32 to index
          %swap3A_1192 = arith.constant 112 : index
          %swap3A_1193 = tpu.vector_load %arg10[%swap3A_1190, %swap3A_1191, %swap3A_1192] {strides = array<i32>} : memref<2x128x128xf32, #tpu.memory_space<vmem>>, vector<16xf32>,
          tpu.vector_store %arg10[%swap3A_1190, %swap3A_1191, %swap3A_1192], %mul3A_1189 {strides = array<i32>} : memref<2x128x128xf32, #tpu.memory_space<vmem>>, vector<16xf32>,
          %mul3A_1194 = arith.constant 16 : i32
          %mul3A_1195 = arith.muli %scan3A_159, %mul3A_1194 : i32
          %add3A_1196 = arith.constant 12 : i32
          %add3A_1197 = arith.addi %mul3A_1195, %add3A_1196 : i32
          %slice3A_1198 = vector.extract_strided_slice %get3A_164 {offsets = [12], sizes = [1], strides = [1]} : vector<16xf32> to vector<1xf32>
          %squeeze3A_1199 = vector.extract %slice3A_1198[0] : f32 from vector<1xf32>
          %get3A_1200 = arith.index_cast %rem3A_135 : i32 to index
          %get3A_1201 = arith.index_cast %add3A_1197 : i32 to index
          %get3A_1202 = arith.constant 0 : index
          %get3A_1203 = tpu.vector_load %arg10[%get3A_1200, %get3A_1201, %get3A_1202] {strides = array<i32>} : memref<2x128x128xf32, #tpu.memory_space<vmem>>, vector<16xf32>,
          %mul3A_1204 = vector.broadcast %squeeze3A_1199 : f32 to vector<16xf32>
          %mul3A_1205 = arith.mulf %get3A_1203, %mul3A_1204 : vector<16xf32>
          %swap3A_1206 = arith.index_cast %rem3A_135 : i32 to index
          %swap3A_1207 = arith.index_cast %add3A_1197 : i32 to index
          %swap3A_1208 = arith.constant 0 : index
          %swap3A_1209 = tpu.vector_load %arg10[%swap3A_1206, %swap3A_1207, %swap3A_1208] {strides = array<i32>} : memref<2x128x128xf32, #tpu.memory_space<vmem>>, vector<16xf32>,
          tpu.vector_store %arg10[%swap3A_1206, %swap3A_1207, %swap3A_1208], %mul3A_1205 {strides = array<i32>} : memref<2x128x128xf32, #tpu.memory_space<vmem>>, vector<16xf32>,
          %get3A_1210 = arith.index_cast %rem3A_135 : i32 to index
          %get3A_1211 = arith.index_cast %add3A_1197 : i32 to index
          %get3A_1212 = arith.constant 16 : index
          %get3A_1213 = tpu.vector_load %arg10[%get3A_1210, %get3A_1211, %get3A_1212] {strides = array<i32>} : memref<2x128x128xf32, #tpu.memory_space<vmem>>, vector<16xf32>,
          %mul3A_1214 = vector.broadcast %squeeze3A_1199 : f32 to vector<16xf32>
          %mul3A_1215 = arith.mulf %get3A_1213, %mul3A_1214 : vector<16xf32>
          %swap3A_1216 = arith.index_cast %rem3A_135 : i32 to index
          %swap3A_1217 = arith.index_cast %add3A_1197 : i32 to index
          %swap3A_1218 = arith.constant 16 : index
          %swap3A_1219 = tpu.vector_load %arg10[%swap3A_1216, %swap3A_1217, %swap3A_1218] {strides = array<i32>} : memref<2x128x128xf32, #tpu.memory_space<vmem>>, vector<16xf32>,
          tpu.vector_store %arg10[%swap3A_1216, %swap3A_1217, %swap3A_1218], %mul3A_1215 {strides = array<i32>} : memref<2x128x128xf32, #tpu.memory_space<vmem>>, vector<16xf32>,
          %get3A_1220 = arith.index_cast %rem3A_135 : i32 to index
          %get3A_1221 = arith.index_cast %add3A_1197 : i32 to index
          %get3A_1222 = arith.constant 32 : index
          %get3A_1223 = tpu.vector_load %arg10[%get3A_1220, %get3A_1221, %get3A_1222] {strides = array<i32>} : memref<2x128x128xf32, #tpu.memory_space<vmem>>, vector<16xf32>,
          %mul3A_1224 = vector.broadcast %squeeze3A_1199 : f32 to vector<16xf32>
          %mul3A_1225 = arith.mulf %get3A_1223, %mul3A_1224 : vector<16xf32>
          %swap3A_1226 = arith.index_cast %rem3A_135 : i32 to index
          %swap3A_1227 = arith.index_cast %add3A_1197 : i32 to index
          %swap3A_1228 = arith.constant 32 : index
          %swap3A_1229 = tpu.vector_load %arg10[%swap3A_1226, %swap3A_1227, %swap3A_1228] {strides = array<i32>} : memref<2x128x128xf32, #tpu.memory_space<vmem>>, vector<16xf32>,
          tpu.vector_store %arg10[%swap3A_1226, %swap3A_1227, %swap3A_1228], %mul3A_1225 {strides = array<i32>} : memref<2x128x128xf32, #tpu.memory_space<vmem>>, vector<16xf32>,
          %get3A_1230 = arith.index_cast %rem3A_135 : i32 to index
          %get3A_1231 = arith.index_cast %add3A_1197 : i32 to index
          %get3A_1232 = arith.constant 48 : index
          %get3A_1233 = tpu.vector_load %arg10[%get3A_1230, %get3A_1231, %get3A_1232] {strides = array<i32>} : memref<2x128x128xf32, #tpu.memory_space<vmem>>, vector<16xf32>,
          %mul3A_1234 = vector.broadcast %squeeze3A_1199 : f32 to vector<16xf32>
          %mul3A_1235 = arith.mulf %get3A_1233, %mul3A_1234 : vector<16xf32>
          %swap3A_1236 = arith.index_cast %rem3A_135 : i32 to index
          %swap3A_1237 = arith.index_cast %add3A_1197 : i32 to index
          %swap3A_1238 = arith.constant 48 : index
          %swap3A_1239 = tpu.vector_load %arg10[%swap3A_1236, %swap3A_1237, %swap3A_1238] {strides = array<i32>} : memref<2x128x128xf32, #tpu.memory_space<vmem>>, vector<16xf32>,
          tpu.vector_store %arg10[%swap3A_1236, %swap3A_1237, %swap3A_1238], %mul3A_1235 {strides = array<i32>} : memref<2x128x128xf32, #tpu.memory_space<vmem>>, vector<16xf32>,
          %get3A_1240 = arith.index_cast %rem3A_135 : i32 to index
          %get3A_1241 = arith.index_cast %add3A_1197 : i32 to index
          %get3A_1242 = arith.constant 64 : index
          %get3A_1243 = tpu.vector_load %arg10[%get3A_1240, %get3A_1241, %get3A_1242] {strides = array<i32>} : memref<2x128x128xf32, #tpu.memory_space<vmem>>, vector<16xf32>,
          %mul3A_1244 = vector.broadcast %squeeze3A_1199 : f32 to vector<16xf32>
          %mul3A_1245 = arith.mulf %get3A_1243, %mul3A_1244 : vector<16xf32>
          %swap3A_1246 = arith.index_cast %rem3A_135 : i32 to index
          %swap3A_1247 = arith.index_cast %add3A_1197 : i32 to index
          %swap3A_1248 = arith.constant 64 : index
          %swap3A_1249 = tpu.vector_load %arg10[%swap3A_1246, %swap3A_1247, %swap3A_1248] {strides = array<i32>} : memref<2x128x128xf32, #tpu.memory_space<vmem>>, vector<16xf32>,
          tpu.vector_store %arg10[%swap3A_1246, %swap3A_1247, %swap3A_1248], %mul3A_1245 {strides = array<i32>} : memref<2x128x128xf32, #tpu.memory_space<vmem>>, vector<16xf32>,
          %get3A_1250 = arith.index_cast %rem3A_135 : i32 to index
          %get3A_1251 = arith.index_cast %add3A_1197 : i32 to index
          %get3A_1252 = arith.constant 80 : index
          %get3A_1253 = tpu.vector_load %arg10[%get3A_1250, %get3A_1251, %get3A_1252] {strides = array<i32>} : memref<2x128x128xf32, #tpu.memory_space<vmem>>, vector<16xf32>,
          %mul3A_1254 = vector.broadcast %squeeze3A_1199 : f32 to vector<16xf32>
          %mul3A_1255 = arith.mulf %get3A_1253, %mul3A_1254 : vector<16xf32>
          %swap3A_1256 = arith.index_cast %rem3A_135 : i32 to index
          %swap3A_1257 = arith.index_cast %add3A_1197 : i32 to index
          %swap3A_1258 = arith.constant 80 : index
          %swap3A_1259 = tpu.vector_load %arg10[%swap3A_1256, %swap3A_1257, %swap3A_1258] {strides = array<i32>} : memref<2x128x128xf32, #tpu.memory_space<vmem>>, vector<16xf32>,
          tpu.vector_store %arg10[%swap3A_1256, %swap3A_1257, %swap3A_1258], %mul3A_1255 {strides = array<i32>} : memref<2x128x128xf32, #tpu.memory_space<vmem>>, vector<16xf32>,
          %get3A_1260 = arith.index_cast %rem3A_135 : i32 to index
          %get3A_1261 = arith.index_cast %add3A_1197 : i32 to index
          %get3A_1262 = arith.constant 96 : index
          %get3A_1263 = tpu.vector_load %arg10[%get3A_1260, %get3A_1261, %get3A_1262] {strides = array<i32>} : memref<2x128x128xf32, #tpu.memory_space<vmem>>, vector<16xf32>,
          %mul3A_1264 = vector.broadcast %squeeze3A_1199 : f32 to vector<16xf32>
          %mul3A_1265 = arith.mulf %get3A_1263, %mul3A_1264 : vector<16xf32>
          %swap3A_1266 = arith.index_cast %rem3A_135 : i32 to index
          %swap3A_1267 = arith.index_cast %add3A_1197 : i32 to index
          %swap3A_1268 = arith.constant 96 : index
          %swap3A_1269 = tpu.vector_load %arg10[%swap3A_1266, %swap3A_1267, %swap3A_1268] {strides = array<i32>} : memref<2x128x128xf32, #tpu.memory_space<vmem>>, vector<16xf32>,
          tpu.vector_store %arg10[%swap3A_1266, %swap3A_1267, %swap3A_1268], %mul3A_1265 {strides = array<i32>} : memref<2x128x128xf32, #tpu.memory_space<vmem>>, vector<16xf32>,
          %get3A_1270 = arith.index_cast %rem3A_135 : i32 to index
          %get3A_1271 = arith.index_cast %add3A_1197 : i32 to index
          %get3A_1272 = arith.constant 112 : index
          %get3A_1273 = tpu.vector_load %arg10[%get3A_1270, %get3A_1271, %get3A_1272] {strides = array<i32>} : memref<2x128x128xf32, #tpu.memory_space<vmem>>, vector<16xf32>,
          %mul3A_1274 = vector.broadcast %squeeze3A_1199 : f32 to vector<16xf32>
          %mul3A_1275 = arith.mulf %get3A_1273, %mul3A_1274 : vector<16xf32>
          %swap3A_1276 = arith.index_cast %rem3A_135 : i32 to index
          %swap3A_1277 = arith.index_cast %add3A_1197 : i32 to index
          %swap3A_1278 = arith.constant 112 : index
          %swap3A_1279 = tpu.vector_load %arg10[%swap3A_1276, %swap3A_1277, %swap3A_1278] {strides = array<i32>} : memref<2x128x128xf32, #tpu.memory_space<vmem>>, vector<16xf32>,
          tpu.vector_store %arg10[%swap3A_1276, %swap3A_1277, %swap3A_1278], %mul3A_1275 {strides = array<i32>} : memref<2x128x128xf32, #tpu.memory_space<vmem>>, vector<16xf32>,
          %mul3A_1280 = arith.constant 16 : i32
          %mul3A_1281 = arith.muli %scan3A_159, %mul3A_1280 : i32
          %add3A_1282 = arith.constant 13 : i32
          %add3A_1283 = arith.addi %mul3A_1281, %add3A_1282 : i32
          %slice3A_1284 = vector.extract_strided_slice %get3A_164 {offsets = [13], sizes = [1], strides = [1]} : vector<16xf32> to vector<1xf32>
          %squeeze3A_1285 = vector.extract %slice3A_1284[0] : f32 from vector<1xf32>
          %get3A_1286 = arith.index_cast %rem3A_135 : i32 to index
          %get3A_1287 = arith.index_cast %add3A_1283 : i32 to index
          %get3A_1288 = arith.constant 0 : index
          %get3A_1289 = tpu.vector_load %arg10[%get3A_1286, %get3A_1287, %get3A_1288] {strides = array<i32>} : memref<2x128x128xf32, #tpu.memory_space<vmem>>, vector<16xf32>,
          %mul3A_1290 = vector.broadcast %squeeze3A_1285 : f32 to vector<16xf32>
          %mul3A_1291 = arith.mulf %get3A_1289, %mul3A_1290 : vector<16xf32>
          %swap3A_1292 = arith.index_cast %rem3A_135 : i32 to index
          %swap3A_1293 = arith.index_cast %add3A_1283 : i32 to index
          %swap3A_1294 = arith.constant 0 : index
          %swap3A_1295 = tpu.vector_load %arg10[%swap3A_1292, %swap3A_1293, %swap3A_1294] {strides = array<i32>} : memref<2x128x128xf32, #tpu.memory_space<vmem>>, vector<16xf32>,
          tpu.vector_store %arg10[%swap3A_1292, %swap3A_1293, %swap3A_1294], %mul3A_1291 {strides = array<i32>} : memref<2x128x128xf32, #tpu.memory_space<vmem>>, vector<16xf32>,
          %get3A_1296 = arith.index_cast %rem3A_135 : i32 to index
          %get3A_1297 = arith.index_cast %add3A_1283 : i32 to index
          %get3A_1298 = arith.constant 16 : index
          %get3A_1299 = tpu.vector_load %arg10[%get3A_1296, %get3A_1297, %get3A_1298] {strides = array<i32>} : memref<2x128x128xf32, #tpu.memory_space<vmem>>, vector<16xf32>,
          %mul3A_1300 = vector.broadcast %squeeze3A_1285 : f32 to vector<16xf32>
          %mul3A_1301 = arith.mulf %get3A_1299, %mul3A_1300 : vector<16xf32>
          %swap3A_1302 = arith.index_cast %rem3A_135 : i32 to index
          %swap3A_1303 = arith.index_cast %add3A_1283 : i32 to index
          %swap3A_1304 = arith.constant 16 : index
          %swap3A_1305 = tpu.vector_load %arg10[%swap3A_1302, %swap3A_1303, %swap3A_1304] {strides = array<i32>} : memref<2x128x128xf32, #tpu.memory_space<vmem>>, vector<16xf32>,
          tpu.vector_store %arg10[%swap3A_1302, %swap3A_1303, %swap3A_1304], %mul3A_1301 {strides = array<i32>} : memref<2x128x128xf32, #tpu.memory_space<vmem>>, vector<16xf32>,
          %get3A_1306 = arith.index_cast %rem3A_135 : i32 to index
          %get3A_1307 = arith.index_cast %add3A_1283 : i32 to index
          %get3A_1308 = arith.constant 32 : index
          %get3A_1309 = tpu.vector_load %arg10[%get3A_1306, %get3A_1307, %get3A_1308] {strides = array<i32>} : memref<2x128x128xf32, #tpu.memory_space<vmem>>, vector<16xf32>,
          %mul3A_1310 = vector.broadcast %squeeze3A_1285 : f32 to vector<16xf32>
          %mul3A_1311 = arith.mulf %get3A_1309, %mul3A_1310 : vector<16xf32>
          %swap3A_1312 = arith.index_cast %rem3A_135 : i32 to index
          %swap3A_1313 = arith.index_cast %add3A_1283 : i32 to index
          %swap3A_1314 = arith.constant 32 : index
          %swap3A_1315 = tpu.vector_load %arg10[%swap3A_1312, %swap3A_1313, %swap3A_1314] {strides = array<i32>} : memref<2x128x128xf32, #tpu.memory_space<vmem>>, vector<16xf32>,
          tpu.vector_store %arg10[%swap3A_1312, %swap3A_1313, %swap3A_1314], %mul3A_1311 {strides = array<i32>} : memref<2x128x128xf32, #tpu.memory_space<vmem>>, vector<16xf32>,
          %get3A_1316 = arith.index_cast %rem3A_135 : i32 to index
          %get3A_1317 = arith.index_cast %add3A_1283 : i32 to index
          %get3A_1318 = arith.constant 48 : index
          %get3A_1319 = tpu.vector_load %arg10[%get3A_1316, %get3A_1317, %get3A_1318] {strides = array<i32>} : memref<2x128x128xf32, #tpu.memory_space<vmem>>, vector<16xf32>,
          %mul3A_1320 = vector.broadcast %squeeze3A_1285 : f32 to vector<16xf32>
          %mul3A_1321 = arith.mulf %get3A_1319, %mul3A_1320 : vector<16xf32>
          %swap3A_1322 = arith.index_cast %rem3A_135 : i32 to index
          %swap3A_1323 = arith.index_cast %add3A_1283 : i32 to index
          %swap3A_1324 = arith.constant 48 : index
          %swap3A_1325 = tpu.vector_load %arg10[%swap3A_1322, %swap3A_1323, %swap3A_1324] {strides = array<i32>} : memref<2x128x128xf32, #tpu.memory_space<vmem>>, vector<16xf32>,
          tpu.vector_store %arg10[%swap3A_1322, %swap3A_1323, %swap3A_1324], %mul3A_1321 {strides = array<i32>} : memref<2x128x128xf32, #tpu.memory_space<vmem>>, vector<16xf32>,
          %get3A_1326 = arith.index_cast %rem3A_135 : i32 to index
          %get3A_1327 = arith.index_cast %add3A_1283 : i32 to index
          %get3A_1328 = arith.constant 64 : index
          %get3A_1329 = tpu.vector_load %arg10[%get3A_1326, %get3A_1327, %get3A_1328] {strides = array<i32>} : memref<2x128x128xf32, #tpu.memory_space<vmem>>, vector<16xf32>,
          %mul3A_1330 = vector.broadcast %squeeze3A_1285 : f32 to vector<16xf32>
          %mul3A_1331 = arith.mulf %get3A_1329, %mul3A_1330 : vector<16xf32>
          %swap3A_1332 = arith.index_cast %rem3A_135 : i32 to index
          %swap3A_1333 = arith.index_cast %add3A_1283 : i32 to index
          %swap3A_1334 = arith.constant 64 : index
          %swap3A_1335 = tpu.vector_load %arg10[%swap3A_1332, %swap3A_1333, %swap3A_1334] {strides = array<i32>} : memref<2x128x128xf32, #tpu.memory_space<vmem>>, vector<16xf32>,
          tpu.vector_store %arg10[%swap3A_1332, %swap3A_1333, %swap3A_1334], %mul3A_1331 {strides = array<i32>} : memref<2x128x128xf32, #tpu.memory_space<vmem>>, vector<16xf32>,
          %get3A_1336 = arith.index_cast %rem3A_135 : i32 to index
          %get3A_1337 = arith.index_cast %add3A_1283 : i32 to index
          %get3A_1338 = arith.constant 80 : index
          %get3A_1339 = tpu.vector_load %arg10[%get3A_1336, %get3A_1337, %get3A_1338] {strides = array<i32>} : memref<2x128x128xf32, #tpu.memory_space<vmem>>, vector<16xf32>,
          %mul3A_1340 = vector.broadcast %squeeze3A_1285 : f32 to vector<16xf32>
          %mul3A_1341 = arith.mulf %get3A_1339, %mul3A_1340 : vector<16xf32>
          %swap3A_1342 = arith.index_cast %rem3A_135 : i32 to index
          %swap3A_1343 = arith.index_cast %add3A_1283 : i32 to index
          %swap3A_1344 = arith.constant 80 : index
          %swap3A_1345 = tpu.vector_load %arg10[%swap3A_1342, %swap3A_1343, %swap3A_1344] {strides = array<i32>} : memref<2x128x128xf32, #tpu.memory_space<vmem>>, vector<16xf32>,
          tpu.vector_store %arg10[%swap3A_1342, %swap3A_1343, %swap3A_1344], %mul3A_1341 {strides = array<i32>} : memref<2x128x128xf32, #tpu.memory_space<vmem>>, vector<16xf32>,
          %get3A_1346 = arith.index_cast %rem3A_135 : i32 to index
          %get3A_1347 = arith.index_cast %add3A_1283 : i32 to index
          %get3A_1348 = arith.constant 96 : index
          %get3A_1349 = tpu.vector_load %arg10[%get3A_1346, %get3A_1347, %get3A_1348] {strides = array<i32>} : memref<2x128x128xf32, #tpu.memory_space<vmem>>, vector<16xf32>,
          %mul3A_1350 = vector.broadcast %squeeze3A_1285 : f32 to vector<16xf32>
          %mul3A_1351 = arith.mulf %get3A_1349, %mul3A_1350 : vector<16xf32>
          %swap3A_1352 = arith.index_cast %rem3A_135 : i32 to index
          %swap3A_1353 = arith.index_cast %add3A_1283 : i32 to index
          %swap3A_1354 = arith.constant 96 : index
          %swap3A_1355 = tpu.vector_load %arg10[%swap3A_1352, %swap3A_1353, %swap3A_1354] {strides = array<i32>} : memref<2x128x128xf32, #tpu.memory_space<vmem>>, vector<16xf32>,
          tpu.vector_store %arg10[%swap3A_1352, %swap3A_1353, %swap3A_1354], %mul3A_1351 {strides = array<i32>} : memref<2x128x128xf32, #tpu.memory_space<vmem>>, vector<16xf32>,
          %get3A_1356 = arith.index_cast %rem3A_135 : i32 to index
          %get3A_1357 = arith.index_cast %add3A_1283 : i32 to index
          %get3A_1358 = arith.constant 112 : index
          %get3A_1359 = tpu.vector_load %arg10[%get3A_1356, %get3A_1357, %get3A_1358] {strides = array<i32>} : memref<2x128x128xf32, #tpu.memory_space<vmem>>, vector<16xf32>,
          %mul3A_1360 = vector.broadcast %squeeze3A_1285 : f32 to vector<16xf32>
          %mul3A_1361 = arith.mulf %get3A_1359, %mul3A_1360 : vector<16xf32>
          %swap3A_1362 = arith.index_cast %rem3A_135 : i32 to index
          %swap3A_1363 = arith.index_cast %add3A_1283 : i32 to index
          %swap3A_1364 = arith.constant 112 : index
          %swap3A_1365 = tpu.vector_load %arg10[%swap3A_1362, %swap3A_1363, %swap3A_1364] {strides = array<i32>} : memref<2x128x128xf32, #tpu.memory_space<vmem>>, vector<16xf32>,
          tpu.vector_store %arg10[%swap3A_1362, %swap3A_1363, %swap3A_1364], %mul3A_1361 {strides = array<i32>} : memref<2x128x128xf32, #tpu.memory_space<vmem>>, vector<16xf32>,
          %mul3A_1366 = arith.constant 16 : i32
          %mul3A_1367 = arith.muli %scan3A_159, %mul3A_1366 : i32
          %add3A_1368 = arith.constant 14 : i32
          %add3A_1369 = arith.addi %mul3A_1367, %add3A_1368 : i32
          %slice3A_1370 = vector.extract_strided_slice %get3A_164 {offsets = [14], sizes = [1], strides = [1]} : vector<16xf32> to vector<1xf32>
          %squeeze3A_1371 = vector.extract %slice3A_1370[0] : f32 from vector<1xf32>
          %get3A_1372 = arith.index_cast %rem3A_135 : i32 to index
          %get3A_1373 = arith.index_cast %add3A_1369 : i32 to index
          %get3A_1374 = arith.constant 0 : index
          %get3A_1375 = tpu.vector_load %arg10[%get3A_1372, %get3A_1373, %get3A_1374] {strides = array<i32>} : memref<2x128x128xf32, #tpu.memory_space<vmem>>, vector<16xf32>,
          %mul3A_1376 = vector.broadcast %squeeze3A_1371 : f32 to vector<16xf32>
          %mul3A_1377 = arith.mulf %get3A_1375, %mul3A_1376 : vector<16xf32>
          %swap3A_1378 = arith.index_cast %rem3A_135 : i32 to index
          %swap3A_1379 = arith.index_cast %add3A_1369 : i32 to index
          %swap3A_1380 = arith.constant 0 : index
          %swap3A_1381 = tpu.vector_load %arg10[%swap3A_1378, %swap3A_1379, %swap3A_1380] {strides = array<i32>} : memref<2x128x128xf32, #tpu.memory_space<vmem>>, vector<16xf32>,
          tpu.vector_store %arg10[%swap3A_1378, %swap3A_1379, %swap3A_1380], %mul3A_1377 {strides = array<i32>} : memref<2x128x128xf32, #tpu.memory_space<vmem>>, vector<16xf32>,
          %get3A_1382 = arith.index_cast %rem3A_135 : i32 to index
          %get3A_1383 = arith.index_cast %add3A_1369 : i32 to index
          %get3A_1384 = arith.constant 16 : index
          %get3A_1385 = tpu.vector_load %arg10[%get3A_1382, %get3A_1383, %get3A_1384] {strides = array<i32>} : memref<2x128x128xf32, #tpu.memory_space<vmem>>, vector<16xf32>,
          %mul3A_1386 = vector.broadcast %squeeze3A_1371 : f32 to vector<16xf32>
          %mul3A_1387 = arith.mulf %get3A_1385, %mul3A_1386 : vector<16xf32>
          %swap3A_1388 = arith.index_cast %rem3A_135 : i32 to index
          %swap3A_1389 = arith.index_cast %add3A_1369 : i32 to index
          %swap3A_1390 = arith.constant 16 : index
          %swap3A_1391 = tpu.vector_load %arg10[%swap3A_1388, %swap3A_1389, %swap3A_1390] {strides = array<i32>} : memref<2x128x128xf32, #tpu.memory_space<vmem>>, vector<16xf32>,
          tpu.vector_store %arg10[%swap3A_1388, %swap3A_1389, %swap3A_1390], %mul3A_1387 {strides = array<i32>} : memref<2x128x128xf32, #tpu.memory_space<vmem>>, vector<16xf32>,
          %get3A_1392 = arith.index_cast %rem3A_135 : i32 to index
          %get3A_1393 = arith.index_cast %add3A_1369 : i32 to index
          %get3A_1394 = arith.constant 32 : index
          %get3A_1395 = tpu.vector_load %arg10[%get3A_1392, %get3A_1393, %get3A_1394] {strides = array<i32>} : memref<2x128x128xf32, #tpu.memory_space<vmem>>, vector<16xf32>,
          %mul3A_1396 = vector.broadcast %squeeze3A_1371 : f32 to vector<16xf32>
          %mul3A_1397 = arith.mulf %get3A_1395, %mul3A_1396 : vector<16xf32>
          %swap3A_1398 = arith.index_cast %rem3A_135 : i32 to index
          %swap3A_1399 = arith.index_cast %add3A_1369 : i32 to index
          %swap3A_1400 = arith.constant 32 : index
          %swap3A_1401 = tpu.vector_load %arg10[%swap3A_1398, %swap3A_1399, %swap3A_1400] {strides = array<i32>} : memref<2x128x128xf32, #tpu.memory_space<vmem>>, vector<16xf32>,
          tpu.vector_store %arg10[%swap3A_1398, %swap3A_1399, %swap3A_1400], %mul3A_1397 {strides = array<i32>} : memref<2x128x128xf32, #tpu.memory_space<vmem>>, vector<16xf32>,
          %get3A_1402 = arith.index_cast %rem3A_135 : i32 to index
          %get3A_1403 = arith.index_cast %add3A_1369 : i32 to index
          %get3A_1404 = arith.constant 48 : index
          %get3A_1405 = tpu.vector_load %arg10[%get3A_1402, %get3A_1403, %get3A_1404] {strides = array<i32>} : memref<2x128x128xf32, #tpu.memory_space<vmem>>, vector<16xf32>,
          %mul3A_1406 = vector.broadcast %squeeze3A_1371 : f32 to vector<16xf32>
          %mul3A_1407 = arith.mulf %get3A_1405, %mul3A_1406 : vector<16xf32>
          %swap3A_1408 = arith.index_cast %rem3A_135 : i32 to index
          %swap3A_1409 = arith.index_cast %add3A_1369 : i32 to index
          %swap3A_1410 = arith.constant 48 : index
          %swap3A_1411 = tpu.vector_load %arg10[%swap3A_1408, %swap3A_1409, %swap3A_1410] {strides = array<i32>} : memref<2x128x128xf32, #tpu.memory_space<vmem>>, vector<16xf32>,
          tpu.vector_store %arg10[%swap3A_1408, %swap3A_1409, %swap3A_1410], %mul3A_1407 {strides = array<i32>} : memref<2x128x128xf32, #tpu.memory_space<vmem>>, vector<16xf32>,
          %get3A_1412 = arith.index_cast %rem3A_135 : i32 to index
          %get3A_1413 = arith.index_cast %add3A_1369 : i32 to index
          %get3A_1414 = arith.constant 64 : index
          %get3A_1415 = tpu.vector_load %arg10[%get3A_1412, %get3A_1413, %get3A_1414] {strides = array<i32>} : memref<2x128x128xf32, #tpu.memory_space<vmem>>, vector<16xf32>,
          %mul3A_1416 = vector.broadcast %squeeze3A_1371 : f32 to vector<16xf32>
          %mul3A_1417 = arith.mulf %get3A_1415, %mul3A_1416 : vector<16xf32>
          %swap3A_1418 = arith.index_cast %rem3A_135 : i32 to index
          %swap3A_1419 = arith.index_cast %add3A_1369 : i32 to index
          %swap3A_1420 = arith.constant 64 : index
          %swap3A_1421 = tpu.vector_load %arg10[%swap3A_1418, %swap3A_1419, %swap3A_1420] {strides = array<i32>} : memref<2x128x128xf32, #tpu.memory_space<vmem>>, vector<16xf32>,
          tpu.vector_store %arg10[%swap3A_1418, %swap3A_1419, %swap3A_1420], %mul3A_1417 {strides = array<i32>} : memref<2x128x128xf32, #tpu.memory_space<vmem>>, vector<16xf32>,
          %get3A_1422 = arith.index_cast %rem3A_135 : i32 to index
          %get3A_1423 = arith.index_cast %add3A_1369 : i32 to index
          %get3A_1424 = arith.constant 80 : index
          %get3A_1425 = tpu.vector_load %arg10[%get3A_1422, %get3A_1423, %get3A_1424] {strides = array<i32>} : memref<2x128x128xf32, #tpu.memory_space<vmem>>, vector<16xf32>,
          %mul3A_1426 = vector.broadcast %squeeze3A_1371 : f32 to vector<16xf32>
          %mul3A_1427 = arith.mulf %get3A_1425, %mul3A_1426 : vector<16xf32>
          %swap3A_1428 = arith.index_cast %rem3A_135 : i32 to index
          %swap3A_1429 = arith.index_cast %add3A_1369 : i32 to index
          %swap3A_1430 = arith.constant 80 : index
          %swap3A_1431 = tpu.vector_load %arg10[%swap3A_1428, %swap3A_1429, %swap3A_1430] {strides = array<i32>} : memref<2x128x128xf32, #tpu.memory_space<vmem>>, vector<16xf32>,
          tpu.vector_store %arg10[%swap3A_1428, %swap3A_1429, %swap3A_1430], %mul3A_1427 {strides = array<i32>} : memref<2x128x128xf32, #tpu.memory_space<vmem>>, vector<16xf32>,
          %get3A_1432 = arith.index_cast %rem3A_135 : i32 to index
          %get3A_1433 = arith.index_cast %add3A_1369 : i32 to index
          %get3A_1434 = arith.constant 96 : index
          %get3A_1435 = tpu.vector_load %arg10[%get3A_1432, %get3A_1433, %get3A_1434] {strides = array<i32>} : memref<2x128x128xf32, #tpu.memory_space<vmem>>, vector<16xf32>,
          %mul3A_1436 = vector.broadcast %squeeze3A_1371 : f32 to vector<16xf32>
          %mul3A_1437 = arith.mulf %get3A_1435, %mul3A_1436 : vector<16xf32>
          %swap3A_1438 = arith.index_cast %rem3A_135 : i32 to index
          %swap3A_1439 = arith.index_cast %add3A_1369 : i32 to index
          %swap3A_1440 = arith.constant 96 : index
          %swap3A_1441 = tpu.vector_load %arg10[%swap3A_1438, %swap3A_1439, %swap3A_1440] {strides = array<i32>} : memref<2x128x128xf32, #tpu.memory_space<vmem>>, vector<16xf32>,
          tpu.vector_store %arg10[%swap3A_1438, %swap3A_1439, %swap3A_1440], %mul3A_1437 {strides = array<i32>} : memref<2x128x128xf32, #tpu.memory_space<vmem>>, vector<16xf32>,
          %get3A_1442 = arith.index_cast %rem3A_135 : i32 to index
          %get3A_1443 = arith.index_cast %add3A_1369 : i32 to index
          %get3A_1444 = arith.constant 112 : index
          %get3A_1445 = tpu.vector_load %arg10[%get3A_1442, %get3A_1443, %get3A_1444] {strides = array<i32>} : memref<2x128x128xf32, #tpu.memory_space<vmem>>, vector<16xf32>,
          %mul3A_1446 = vector.broadcast %squeeze3A_1371 : f32 to vector<16xf32>
          %mul3A_1447 = arith.mulf %get3A_1445, %mul3A_1446 : vector<16xf32>
          %swap3A_1448 = arith.index_cast %rem3A_135 : i32 to index
          %swap3A_1449 = arith.index_cast %add3A_1369 : i32 to index
          %swap3A_1450 = arith.constant 112 : index
          %swap3A_1451 = tpu.vector_load %arg10[%swap3A_1448, %swap3A_1449, %swap3A_1450] {strides = array<i32>} : memref<2x128x128xf32, #tpu.memory_space<vmem>>, vector<16xf32>,
          tpu.vector_store %arg10[%swap3A_1448, %swap3A_1449, %swap3A_1450], %mul3A_1447 {strides = array<i32>} : memref<2x128x128xf32, #tpu.memory_space<vmem>>, vector<16xf32>,
          %mul3A_1452 = arith.constant 16 : i32
          %mul3A_1453 = arith.muli %scan3A_159, %mul3A_1452 : i32
          %add3A_1454 = arith.constant 15 : i32
          %add3A_1455 = arith.addi %mul3A_1453, %add3A_1454 : i32
          %slice3A_1456 = vector.extract_strided_slice %get3A_164 {offsets = [15], sizes = [1], strides = [1]} : vector<16xf32> to vector<1xf32>
          %squeeze3A_1457 = vector.extract %slice3A_1456[0] : f32 from vector<1xf32>
          %get3A_1458 = arith.index_cast %rem3A_135 : i32 to index
          %get3A_1459 = arith.index_cast %add3A_1455 : i32 to index
          %get3A_1460 = arith.constant 0 : index
          %get3A_1461 = tpu.vector_load %arg10[%get3A_1458, %get3A_1459, %get3A_1460] {strides = array<i32>} : memref<2x128x128xf32, #tpu.memory_space<vmem>>, vector<16xf32>,
          %mul3A_1462 = vector.broadcast %squeeze3A_1457 : f32 to vector<16xf32>
          %mul3A_1463 = arith.mulf %get3A_1461, %mul3A_1462 : vector<16xf32>
          %swap3A_1464 = arith.index_cast %rem3A_135 : i32 to index
          %swap3A_1465 = arith.index_cast %add3A_1455 : i32 to index
          %swap3A_1466 = arith.constant 0 : index
          %swap3A_1467 = tpu.vector_load %arg10[%swap3A_1464, %swap3A_1465, %swap3A_1466] {strides = array<i32>} : memref<2x128x128xf32, #tpu.memory_space<vmem>>, vector<16xf32>,
          tpu.vector_store %arg10[%swap3A_1464, %swap3A_1465, %swap3A_1466], %mul3A_1463 {strides = array<i32>} : memref<2x128x128xf32, #tpu.memory_space<vmem>>, vector<16xf32>,
          %get3A_1468 = arith.index_cast %rem3A_135 : i32 to index
          %get3A_1469 = arith.index_cast %add3A_1455 : i32 to index
          %get3A_1470 = arith.constant 16 : index
          %get3A_1471 = tpu.vector_load %arg10[%get3A_1468, %get3A_1469, %get3A_1470] {strides = array<i32>} : memref<2x128x128xf32, #tpu.memory_space<vmem>>, vector<16xf32>,
          %mul3A_1472 = vector.broadcast %squeeze3A_1457 : f32 to vector<16xf32>
          %mul3A_1473 = arith.mulf %get3A_1471, %mul3A_1472 : vector<16xf32>
          %swap3A_1474 = arith.index_cast %rem3A_135 : i32 to index
          %swap3A_1475 = arith.index_cast %add3A_1455 : i32 to index
          %swap3A_1476 = arith.constant 16 : index
          %swap3A_1477 = tpu.vector_load %arg10[%swap3A_1474, %swap3A_1475, %swap3A_1476] {strides = array<i32>} : memref<2x128x128xf32, #tpu.memory_space<vmem>>, vector<16xf32>,
          tpu.vector_store %arg10[%swap3A_1474, %swap3A_1475, %swap3A_1476], %mul3A_1473 {strides = array<i32>} : memref<2x128x128xf32, #tpu.memory_space<vmem>>, vector<16xf32>,
          %get3A_1478 = arith.index_cast %rem3A_135 : i32 to index
          %get3A_1479 = arith.index_cast %add3A_1455 : i32 to index
          %get3A_1480 = arith.constant 32 : index
          %get3A_1481 = tpu.vector_load %arg10[%get3A_1478, %get3A_1479, %get3A_1480] {strides = array<i32>} : memref<2x128x128xf32, #tpu.memory_space<vmem>>, vector<16xf32>,
          %mul3A_1482 = vector.broadcast %squeeze3A_1457 : f32 to vector<16xf32>
          %mul3A_1483 = arith.mulf %get3A_1481, %mul3A_1482 : vector<16xf32>
          %swap3A_1484 = arith.index_cast %rem3A_135 : i32 to index
          %swap3A_1485 = arith.index_cast %add3A_1455 : i32 to index
          %swap3A_1486 = arith.constant 32 : index
          %swap3A_1487 = tpu.vector_load %arg10[%swap3A_1484, %swap3A_1485, %swap3A_1486] {strides = array<i32>} : memref<2x128x128xf32, #tpu.memory_space<vmem>>, vector<16xf32>,
          tpu.vector_store %arg10[%swap3A_1484, %swap3A_1485, %swap3A_1486], %mul3A_1483 {strides = array<i32>} : memref<2x128x128xf32, #tpu.memory_space<vmem>>, vector<16xf32>,
          %get3A_1488 = arith.index_cast %rem3A_135 : i32 to index
          %get3A_1489 = arith.index_cast %add3A_1455 : i32 to index
          %get3A_1490 = arith.constant 48 : index
          %get3A_1491 = tpu.vector_load %arg10[%get3A_1488, %get3A_1489, %get3A_1490] {strides = array<i32>} : memref<2x128x128xf32, #tpu.memory_space<vmem>>, vector<16xf32>,
          %mul3A_1492 = vector.broadcast %squeeze3A_1457 : f32 to vector<16xf32>
          %mul3A_1493 = arith.mulf %get3A_1491, %mul3A_1492 : vector<16xf32>
          %swap3A_1494 = arith.index_cast %rem3A_135 : i32 to index
          %swap3A_1495 = arith.index_cast %add3A_1455 : i32 to index
          %swap3A_1496 = arith.constant 48 : index
          %swap3A_1497 = tpu.vector_load %arg10[%swap3A_1494, %swap3A_1495, %swap3A_1496] {strides = array<i32>} : memref<2x128x128xf32, #tpu.memory_space<vmem>>, vector<16xf32>,
          tpu.vector_store %arg10[%swap3A_1494, %swap3A_1495, %swap3A_1496], %mul3A_1493 {strides = array<i32>} : memref<2x128x128xf32, #tpu.memory_space<vmem>>, vector<16xf32>,
          %get3A_1498 = arith.index_cast %rem3A_135 : i32 to index
          %get3A_1499 = arith.index_cast %add3A_1455 : i32 to index
          %get3A_1500 = arith.constant 64 : index
          %get3A_1501 = tpu.vector_load %arg10[%get3A_1498, %get3A_1499, %get3A_1500] {strides = array<i32>} : memref<2x128x128xf32, #tpu.memory_space<vmem>>, vector<16xf32>,
          %mul3A_1502 = vector.broadcast %squeeze3A_1457 : f32 to vector<16xf32>
          %mul3A_1503 = arith.mulf %get3A_1501, %mul3A_1502 : vector<16xf32>
          %swap3A_1504 = arith.index_cast %rem3A_135 : i32 to index
          %swap3A_1505 = arith.index_cast %add3A_1455 : i32 to index
          %swap3A_1506 = arith.constant 64 : index
          %swap3A_1507 = tpu.vector_load %arg10[%swap3A_1504, %swap3A_1505, %swap3A_1506] {strides = array<i32>} : memref<2x128x128xf32, #tpu.memory_space<vmem>>, vector<16xf32>,
          tpu.vector_store %arg10[%swap3A_1504, %swap3A_1505, %swap3A_1506], %mul3A_1503 {strides = array<i32>} : memref<2x128x128xf32, #tpu.memory_space<vmem>>, vector<16xf32>,
          %get3A_1508 = arith.index_cast %rem3A_135 : i32 to index
          %get3A_1509 = arith.index_cast %add3A_1455 : i32 to index
          %get3A_1510 = arith.constant 80 : index
          %get3A_1511 = tpu.vector_load %arg10[%get3A_1508, %get3A_1509, %get3A_1510] {strides = array<i32>} : memref<2x128x128xf32, #tpu.memory_space<vmem>>, vector<16xf32>,
          %mul3A_1512 = vector.broadcast %squeeze3A_1457 : f32 to vector<16xf32>
          %mul3A_1513 = arith.mulf %get3A_1511, %mul3A_1512 : vector<16xf32>
          %swap3A_1514 = arith.index_cast %rem3A_135 : i32 to index
          %swap3A_1515 = arith.index_cast %add3A_1455 : i32 to index
          %swap3A_1516 = arith.constant 80 : index
          %swap3A_1517 = tpu.vector_load %arg10[%swap3A_1514, %swap3A_1515, %swap3A_1516] {strides = array<i32>} : memref<2x128x128xf32, #tpu.memory_space<vmem>>, vector<16xf32>,
          tpu.vector_store %arg10[%swap3A_1514, %swap3A_1515, %swap3A_1516], %mul3A_1513 {strides = array<i32>} : memref<2x128x128xf32, #tpu.memory_space<vmem>>, vector<16xf32>,
          %get3A_1518 = arith.index_cast %rem3A_135 : i32 to index
          %get3A_1519 = arith.index_cast %add3A_1455 : i32 to index
          %get3A_1520 = arith.constant 96 : index
          %get3A_1521 = tpu.vector_load %arg10[%get3A_1518, %get3A_1519, %get3A_1520] {strides = array<i32>} : memref<2x128x128xf32, #tpu.memory_space<vmem>>, vector<16xf32>,
          %mul3A_1522 = vector.broadcast %squeeze3A_1457 : f32 to vector<16xf32>
          %mul3A_1523 = arith.mulf %get3A_1521, %mul3A_1522 : vector<16xf32>
          %swap3A_1524 = arith.index_cast %rem3A_135 : i32 to index
          %swap3A_1525 = arith.index_cast %add3A_1455 : i32 to index
          %swap3A_1526 = arith.constant 96 : index
          %swap3A_1527 = tpu.vector_load %arg10[%swap3A_1524, %swap3A_1525, %swap3A_1526] {strides = array<i32>} : memref<2x128x128xf32, #tpu.memory_space<vmem>>, vector<16xf32>,
          tpu.vector_store %arg10[%swap3A_1524, %swap3A_1525, %swap3A_1526], %mul3A_1523 {strides = array<i32>} : memref<2x128x128xf32, #tpu.memory_space<vmem>>, vector<16xf32>,
          %get3A_1528 = arith.index_cast %rem3A_135 : i32 to index
          %get3A_1529 = arith.index_cast %add3A_1455 : i32 to index
          %get3A_1530 = arith.constant 112 : index
          %get3A_1531 = tpu.vector_load %arg10[%get3A_1528, %get3A_1529, %get3A_1530] {strides = array<i32>} : memref<2x128x128xf32, #tpu.memory_space<vmem>>, vector<16xf32>,
          %mul3A_1532 = vector.broadcast %squeeze3A_1457 : f32 to vector<16xf32>
          %mul3A_1533 = arith.mulf %get3A_1531, %mul3A_1532 : vector<16xf32>
          %swap3A_1534 = arith.index_cast %rem3A_135 : i32 to index
          %swap3A_1535 = arith.index_cast %add3A_1455 : i32 to index
          %swap3A_1536 = arith.constant 112 : index
          %swap3A_1537 = tpu.vector_load %arg10[%swap3A_1534, %swap3A_1535, %swap3A_1536] {strides = array<i32>} : memref<2x128x128xf32, #tpu.memory_space<vmem>>, vector<16xf32>,
          tpu.vector_store %arg10[%swap3A_1534, %swap3A_1535, %swap3A_1536], %mul3A_1533 {strides = array<i32>} : memref<2x128x128xf32, #tpu.memory_space<vmem>>, vector<16xf32>,
        }
        %scan3A_158 = arith.constant 8 : i32
        "tpu.region"() ({
          %run_scoped3A = tpu.sem_alloc : memref<!tpu.dma_semaphore, #tpu.memory_space<semaphore_mem>>
          %dma_start3A_159 = arith.constant 0 : i32
          %dma_start3A_160 = arith.constant 0 : i32
          %dma_start3A_161 = tpu.memref_slice %arg10[%rem3A_135, %dma_start3A_159, %dma_start3A_160] : memref<2x128x128xf32, #tpu.memory_space<vmem>> -> memref<1x128x128xf32, #tpu.memory_space<vmem>>
          %dma_start3A_162 = tpu.memref_squeeze %dma_start3A_161 : memref<1x128x128xf32, #tpu.memory_space<vmem>> -> memref<128x128xf32, #tpu.memory_space<vmem>>
          %dma_start3A_163 = arith.constant 0 : i32
          %dma_start3A_164 = tpu.memref_slice %arg8[%rem3A_103, %scan3A_133, %dma_start3A_163] : memref<2x8x128xi32, #tpu.memory_space<vmem>> -> memref<1x1x128xi32, #tpu.memory_space<vmem>>
          %dma_start3A_165 = tpu.memref_squeeze %dma_start3A_164 : memref<1x1x128xi32, #tpu.memory_space<vmem>> -> memref<128xi32, #tpu.memory_space<vmem>>
          %dma_start3A_166 = arith.constant 0 : i32
          %dma_start3A_167 = arith.constant 0 : i32
          %dma_start3A_168 = tpu.memref_slice %arg11[%dma_start3A_166, %dma_start3A_167] : memref<10240x128xf32, #tpu.memory_space<vmem_shared>> -> memref<10240x128xf32, #tpu.memory_space<vmem_shared>>
          tpu.enqueue_indirect_dma source(%dma_start3A_162 : memref<128x128xf32, #tpu.memory_space<vmem>>) target(%dma_start3A_168 : memref<10240x128xf32, #tpu.memory_space<vmem_shared>>) offsets(%dma_start3A_165 : memref<128xi32, #tpu.memory_space<vmem>>) semaphore(%run_scoped3A : memref<!tpu.dma_semaphore, #tpu.memory_space<semaphore_mem>>) {add = true}
          %dma_wait3A_169 = arith.constant 0 : i32
          %dma_wait3A_170 = arith.constant 0 : i32
          %dma_wait3A_171 = tpu.memref_slice %arg10[%rem3A_135, %dma_wait3A_169, %dma_wait3A_170] : memref<2x128x128xf32, #tpu.memory_space<vmem>> -> memref<1x128x128xf32, #tpu.memory_space<vmem>>
          %dma_wait3A_172 = tpu.memref_squeeze %dma_wait3A_171 : memref<1x128x128xf32, #tpu.memory_space<vmem>> -> memref<128x128xf32, #tpu.memory_space<vmem>>
          %dma_wait3A_173 = arith.constant 0 : i32
          %dma_wait3A_174 = tpu.memref_slice %arg8[%rem3A_103, %scan3A_133, %dma_wait3A_173] : memref<2x8x128xi32, #tpu.memory_space<vmem>> -> memref<1x1x128xi32, #tpu.memory_space<vmem>>
          %dma_wait3A_175 = tpu.memref_squeeze %dma_wait3A_174 : memref<1x1x128xi32, #tpu.memory_space<vmem>> -> memref<128xi32, #tpu.memory_space<vmem>>
          %dma_wait3A_176 = arith.constant 0 : i32
          %dma_wait3A_177 = arith.constant 0 : i32
          %dma_wait3A_178 = tpu.memref_slice %arg11[%dma_wait3A_176, %dma_wait3A_177] : memref<10240x128xf32, #tpu.memory_space<vmem_shared>> -> memref<10240x128xf32, #tpu.memory_space<vmem_shared>>
          tpu.wait_indirect_dma semaphore(%run_scoped3A : memref<!tpu.dma_semaphore, #tpu.memory_space<semaphore_mem>>) src(%dma_wait3A_172 : memref<128x128xf32, #tpu.memory_space<vmem>>) dst(%dma_wait3A_178 : memref<10240x128xf32, #tpu.memory_space<vmem_shared>>)
          tpu.yield
        }) : () -> ()
      }
      %scan3A_125 = arith.constant 8 : i32
      %add3A_126 = arith.constant 1 : i32
      %add3A_127 = arith.addi %scan3A_102, %add3A_126 : i32
      %lt3A_128 = arith.constant 10 : i32
      %lt3A_129 = arith.cmpi slt, %add3A_127, %lt3A_128 : i32
      %convert_element_type3A_130 = arith.extui %lt3A_129 : i1 to i32
      %cond3A_131 = arith.constant 0 : i32
      %cond3A_132 = arith.cmpi ne, %convert_element_type3A_130, %cond3A_131 : i32
      scf.if %cond3A_132 {
        %sub3A = arith.constant 1 : i32
        %sub3A_133 = arith.subi %sub3A, %rem3A_103 : i32
        %dma_wait3A_134 = arith.constant 0 : i32
        %dma_wait3A_135 = arith.constant 0 : i32
        %dma_wait3A_136 = tpu.memref_slice %arg7[%sub3A_133, %dma_wait3A_134, %dma_wait3A_135] : memref<2x8x128xi32, #tpu.memory_space<vmem>> -> memref<1x8x128xi32, #tpu.memory_space<vmem>>
        %dma_wait3A_137 = tpu.memref_squeeze %dma_wait3A_136 : memref<1x8x128xi32, #tpu.memory_space<vmem>> -> memref<8x128xi32, #tpu.memory_space<vmem>>
        %dma_wait3A_138 = arith.constant 0 : i32
        %dma_wait3A_139 = tpu.memref_slice %arg3[%mul3A_2, %dma_wait3A_138] : memref<2560x128xi32, #tpu.memory_space<hbm>> -> memref<8x128xi32, #tpu.memory_space<hbm>>
        %dma_wait3A_140 = arith.constant 0 : i32
        %dma_wait3A_141 = arith.constant 0 : i32
        %dma_wait3A_142 = tpu.memref_slice %arg7[%sub3A_133, %dma_wait3A_140, %dma_wait3A_141] : memref<2x8x128xi32, #tpu.memory_space<vmem>> -> memref<1x8x128xi32, #tpu.memory_space<vmem>>
        %dma_wait3A_143 = tpu.memref_squeeze %dma_wait3A_142 : memref<1x8x128xi32, #tpu.memory_space<vmem>> -> memref<8x128xi32, #tpu.memory_space<vmem>>
        %dma_wait3A_144 = arith.constant 0 : i32
        %dma_wait3A_145 = tpu.memref_slice %arg3[%mul3A_2, %dma_wait3A_144] : memref<2560x128xi32, #tpu.memory_space<hbm>> -> memref<8x128xi32, #tpu.memory_space<hbm>>
        tpu.wait_dma2 semaphore(%arg13 : memref<!tpu.dma_semaphore, #tpu.memory_space<semaphore_mem>>) src(%dma_wait3A_145 : memref<8x128xi32, #tpu.memory_space<hbm>>) dst(%dma_wait3A_143 : memref<8x128xi32, #tpu.memory_space<vmem>>)
        %dma_wait3A_146 = arith.constant 0 : i32
        %dma_wait3A_147 = arith.constant 0 : i32
        %dma_wait3A_148 = tpu.memref_slice %arg8[%sub3A_133, %dma_wait3A_146, %dma_wait3A_147] : memref<2x8x128xi32, #tpu.memory_space<vmem>> -> memref<1x8x128xi32, #tpu.memory_space<vmem>>
        %dma_wait3A_149 = tpu.memref_squeeze %dma_wait3A_148 : memref<1x8x128xi32, #tpu.memory_space<vmem>> -> memref<8x128xi32, #tpu.memory_space<vmem>>
        %dma_wait3A_150 = arith.constant 0 : i32
        %dma_wait3A_151 = tpu.memref_slice %arg4[%mul3A_2, %dma_wait3A_150] : memref<2560x128xi32, #tpu.memory_space<hbm>> -> memref<8x128xi32, #tpu.memory_space<hbm>>
        %dma_wait3A_152 = arith.constant 0 : i32
        %dma_wait3A_153 = arith.constant 0 : i32
        %dma_wait3A_154 = tpu.memref_slice %arg8[%sub3A_133, %dma_wait3A_152, %dma_wait3A_153] : memref<2x8x128xi32, #tpu.memory_space<vmem>> -> memref<1x8x128xi32, #tpu.memory_space<vmem>>
        %dma_wait3A_155 = tpu.memref_squeeze %dma_wait3A_154 : memref<1x8x128xi32, #tpu.memory_space<vmem>> -> memref<8x128xi32, #tpu.memory_space<vmem>>
        %dma_wait3A_156 = arith.constant 0 : i32
        %dma_wait3A_157 = tpu.memref_slice %arg4[%mul3A_2, %dma_wait3A_156] : memref<2560x128xi32, #tpu.memory_space<hbm>> -> memref<8x128xi32, #tpu.memory_space<hbm>>
        tpu.wait_dma2 semaphore(%arg13 : memref<!tpu.dma_semaphore, #tpu.memory_space<semaphore_mem>>) src(%dma_wait3A_157 : memref<8x128xi32, #tpu.memory_space<hbm>>) dst(%dma_wait3A_155 : memref<8x128xi32, #tpu.memory_space<vmem>>)
        %dma_wait3A_158 = arith.constant 0 : i32
        %dma_wait3A_159 = arith.constant 0 : i32
        %dma_wait3A_160 = tpu.memref_slice %arg9[%sub3A_133, %dma_wait3A_158, %dma_wait3A_159] : memref<2x8x128xf32, #tpu.memory_space<vmem>> -> memref<1x8x128xf32, #tpu.memory_space<vmem>>
        %dma_wait3A_161 = tpu.memref_squeeze %dma_wait3A_160 : memref<1x8x128xf32, #tpu.memory_space<vmem>> -> memref<8x128xf32, #tpu.memory_space<vmem>>
        %dma_wait3A_162 = arith.constant 0 : i32
        %dma_wait3A_163 = tpu.memref_slice %arg5[%mul3A_2, %dma_wait3A_162] : memref<2560x128xf32, #tpu.memory_space<hbm>> -> memref<8x128xf32, #tpu.memory_space<hbm>>
        %dma_wait3A_164 = arith.constant 0 : i32
        %dma_wait3A_165 = arith.constant 0 : i32
        %dma_wait3A_166 = tpu.memref_slice %arg9[%sub3A_133, %dma_wait3A_164, %dma_wait3A_165] : memref<2x8x128xf32, #tpu.memory_space<vmem>> -> memref<1x8x128xf32, #tpu.memory_space<vmem>>
        %dma_wait3A_167 = tpu.memref_squeeze %dma_wait3A_166 : memref<1x8x128xf32, #tpu.memory_space<vmem>> -> memref<8x128xf32, #tpu.memory_space<vmem>>
        %dma_wait3A_168 = arith.constant 0 : i32
        %dma_wait3A_169 = tpu.memref_slice %arg5[%mul3A_2, %dma_wait3A_168] : memref<2560x128xf32, #tpu.memory_space<hbm>> -> memref<8x128xf32, #tpu.memory_space<hbm>>
        tpu.wait_dma2 semaphore(%arg13 : memref<!tpu.dma_semaphore, #tpu.memory_space<semaphore_mem>>) src(%dma_wait3A_169 : memref<8x128xf32, #tpu.memory_space<hbm>>) dst(%dma_wait3A_167 : memref<8x128xf32, #tpu.memory_space<vmem>>)
      } else {
      }
    }
    %scan3A_100 = arith.constant 10 : i32
    %barrier3A_101 = arith.constant 0 : index
    tpu.barrier barrier_id(%barrier3A_101)
    "tpu.region"() ({
      %run_scoped3A = tpu.sem_alloc : memref<!tpu.dma_semaphore, #tpu.memory_space<semaphore_mem>>
      %dma_start3A_102 = arith.constant 0 : i32
      %dma_start3A_103 = tpu.memref_slice %arg6[%arg0, %mul3A_44, %dma_start3A_102] : memref<2x10240x128xf32, #tpu.memory_space<hbm>> -> memref<1x640x128xf32, #tpu.memory_space<hbm>>
      %dma_start3A_104 = tpu.memref_squeeze %dma_start3A_103 : memref<1x640x128xf32, #tpu.memory_space<hbm>> -> memref<640x128xf32, #tpu.memory_space<hbm>>
      %dma_start3A_105 = arith.constant 0 : i32
      %dma_start3A_106 = tpu.memref_slice %arg11[%mul3A_44, %dma_start3A_105] : memref<10240x128xf32, #tpu.memory_space<vmem_shared>> -> memref<640x128xf32, #tpu.memory_space<vmem_shared>>
      tpu.enqueue_dma source(%dma_start3A_106 : memref<640x128xf32, #tpu.memory_space<vmem_shared>>) target(%dma_start3A_104 : memref<640x128xf32, #tpu.memory_space<hbm>>) target_semaphore(%run_scoped3A : memref<!tpu.dma_semaphore, #tpu.memory_space<semaphore_mem>>)
      %dma_wait3A_107 = arith.constant 0 : i32
      %dma_wait3A_108 = tpu.memref_slice %arg6[%arg0, %mul3A_44, %dma_wait3A_107] : memref<2x10240x128xf32, #tpu.memory_space<hbm>> -> memref<1x640x128xf32, #tpu.memory_space<hbm>>
      %dma_wait3A_109 = tpu.memref_squeeze %dma_wait3A_108 : memref<1x640x128xf32, #tpu.memory_space<hbm>> -> memref<640x128xf32, #tpu.memory_space<hbm>>
      %dma_wait3A_110 = arith.constant 0 : i32
      %dma_wait3A_111 = tpu.memref_slice %arg11[%mul3A_44, %dma_wait3A_110] : memref<10240x128xf32, #tpu.memory_space<vmem_shared>> -> memref<640x128xf32, #tpu.memory_space<vmem_shared>>
      tpu.wait_dma2 semaphore(%run_scoped3A : memref<!tpu.dma_semaphore, #tpu.memory_space<semaphore_mem>>) src(%dma_wait3A_111 : memref<640x128xf32, #tpu.memory_space<vmem_shared>>) dst(%dma_wait3A_109 : memref<640x128xf32, #tpu.memory_space<hbm>>)
      tpu.yield
    }) : () -> ()
    return
  }
}

module attributes {stable_mosaic.version = 14 : i64} {
  func.func @body(%arg0: i32, %arg1: memref<2000x128xf32, #tpu.memory_space<vmem>>, %arg2: memref<128x128xf32, #tpu.memory_space<vmem>>, %arg3: memref<2000x128xf32, #tpu.memory_space<vmem>>) attributes {dimension_semantics = [#tpu.dimension_semantics<arbitrary>], iteration_bounds = array<i64: 5>, scalar_prefetch = 0 : i64, scratch_operands = 0 : i64, tpu.core_type = #tpu.core_type<tc>, window_params = [{transform_indices = @transform_0, window_bounds = array<i64: 2000, 128>}, {pipeline_mode = #tpu.pipeline_mode<synchronous>, transform_indices = @transform_1, window_bounds = array<i64: 128, 128>}, {transform_indices = @transform_2, window_bounds = array<i64: 2000, 128>}]} {
    %get3A = arith.constant 0 : index
    %get3A_0 = arith.constant 0 : index
    %get3A_1 = vector.load %arg1[%get3A, %get3A_0] : memref<2000x128xf32, #tpu.memory_space<vmem>>, vector<2000x128xf32>
    %get3A_2 = arith.constant 0 : index
    %get3A_3 = arith.constant 0 : index
    %get3A_4 = vector.load %arg2[%get3A_2, %get3A_3] : memref<128x128xf32, #tpu.memory_space<vmem>>, vector<128x128xf32>
    %dot_general3A = arith.constant dense<0.000000e+00> : vector<2000x128xf32>
    %dot_general3A_5 = tpu.matmul %get3A_1, %get3A_4, %dot_general3A {dimension_numbers = #tpu.dot_dimension_numbers<[1], [0], [0], [1], [0, 0, 1, 1], [], []>, transpose_lhs_hint = false} : vector<2000x128xf32>, vector<128x128xf32>, vector<2000x128xf32> -> vector<2000x128xf32>
    %swap3A = arith.constant 0 : index
    %swap3A_6 = arith.constant 0 : index
    %swap3A_7 = vector.load %arg3[%swap3A, %swap3A_6] : memref<2000x128xf32, #tpu.memory_space<vmem>>, vector<2000x128xf32>
    tpu.vector_store %arg3[%swap3A, %swap3A_6], %dot_general3A_5 {strides = array<i32>} : memref<2000x128xf32, #tpu.memory_space<vmem>>, vector<2000x128xf32>,
    return
  }
  func.func @transform_0(%arg0: i32) -> (i32, i32) {
    %c0_i32 = arith.constant 0 : i32
    %c0_i32_0 = arith.constant 0 : i32
    return %arg0, %c0_i32 : i32, i32
  }
  func.func @transform_1(%arg0: i32) -> (i32, i32) {
    %c0_i32 = arith.constant 0 : i32
    %c0_i32_0 = arith.constant 0 : i32
    %c0_i32_1 = arith.constant 0 : i32
    return %c0_i32, %c0_i32_0 : i32, i32
  }
  func.func @transform_2(%arg0: i32) -> (i32, i32) {
    %c0_i32 = arith.constant 0 : i32
    %c0_i32_0 = arith.constant 0 : i32
    return %arg0, %c0_i32 : i32, i32
  }
}

module attributes {stable_mosaic.version = 14 : i64} {
  func.func @body(%arg0: i32, %arg1: memref<2x2000x128xf32, #tpu.memory_space<vmem>>, %arg2: memref<1x128xf32, #tpu.memory_space<vmem>>, %arg3: memref<2000x128xf32, #tpu.memory_space<vmem>>) attributes {dimension_semantics = [#tpu.dimension_semantics<arbitrary>], iteration_bounds = array<i64: 5>, scalar_prefetch = 0 : i64, scratch_operands = 0 : i64, tpu.core_type = #tpu.core_type<tc>, window_params = [{transform_indices = @transform_0, window_bounds = array<i64: 2, 2000, 128>}, {pipeline_mode = #tpu.pipeline_mode<synchronous>, transform_indices = @transform_1, window_bounds = array<i64: 1, 128>}, {transform_indices = @transform_2, window_bounds = array<i64: 2000, 128>}]} {
    %get3A = arith.constant 0 : index
    %get3A_0 = arith.constant 0 : index
    %get3A_1 = arith.constant 0 : index
    %get3A_2 = vector.load %arg1[%get3A, %get3A_0, %get3A_1] : memref<2x2000x128xf32, #tpu.memory_space<vmem>>, vector<1x2000x128xf32>
    %get3A_3 = vector.shape_cast %get3A_2 : vector<1x2000x128xf32> to vector<2000x128xf32>
    %get3A_4 = arith.constant 1 : index
    %get3A_5 = arith.constant 0 : index
    %get3A_6 = arith.constant 0 : index
    %get3A_7 = vector.load %arg1[%get3A_4, %get3A_5, %get3A_6] : memref<2x2000x128xf32, #tpu.memory_space<vmem>>, vector<1x2000x128xf32>
    %get3A_8 = vector.shape_cast %get3A_7 : vector<1x2000x128xf32> to vector<2000x128xf32>
    %add3A = arith.addf %get3A_3, %get3A_8 : vector<2000x128xf32>
    %get3A_9 = arith.constant 0 : index
    %get3A_10 = arith.constant 0 : index
    %get3A_11 = vector.load %arg2[%get3A_9, %get3A_10] : memref<1x128xf32, #tpu.memory_space<vmem>>, vector<1x128xf32>
    %add3A_12 = vector.broadcast %get3A_11 : vector<1x128xf32> to vector<2000x128xf32>
    %add3A_13 = arith.addf %add3A, %add3A_12 : vector<2000x128xf32>
    %max3A = arith.constant 0.000000e+00 : f32
    %max3A_14 = vector.broadcast %max3A : f32 to vector<2000x128xf32>
    %max3A_15 = arith.maximumf %add3A_13, %max3A_14 : vector<2000x128xf32>
    %swap3A = arith.constant 0 : index
    %swap3A_16 = arith.constant 0 : index
    %swap3A_17 = vector.load %arg3[%swap3A, %swap3A_16] : memref<2000x128xf32, #tpu.memory_space<vmem>>, vector<2000x128xf32>
    tpu.vector_store %arg3[%swap3A, %swap3A_16], %max3A_15 {strides = array<i32>} : memref<2000x128xf32, #tpu.memory_space<vmem>>, vector<2000x128xf32>,
    return
  }
  func.func @transform_0(%arg0: i32) -> (i32, i32, i32) {
    %c0_i32 = arith.constant 0 : i32
    %c0_i32_0 = arith.constant 0 : i32
    %c0_i32_1 = arith.constant 0 : i32
    return %c0_i32, %arg0, %c0_i32_0 : i32, i32, i32
  }
  func.func @transform_1(%arg0: i32) -> (i32, i32) {
    %c0_i32 = arith.constant 0 : i32
    %c0_i32_0 = arith.constant 0 : i32
    %c0_i32_1 = arith.constant 0 : i32
    return %c0_i32, %c0_i32_0 : i32, i32
  }
  func.func @transform_2(%arg0: i32) -> (i32, i32) {
    %c0_i32 = arith.constant 0 : i32
    %c0_i32_0 = arith.constant 0 : i32
    return %arg0, %c0_i32 : i32, i32
  }
}

</mosaic_0001>

<sc_bundles>
// kernel: kernel.5.cloned.1.call-start
scs
__scs_entry_jumppad:
0x0: {  	(pc) =	sbr.rel $0x88, $3  }
0x1: {  	(tag) =	ssettag $0x0;
	lr =	simm.s32 $0x1  }
0x2: {  	[smem:$0x3F9C] =	sst lr;
	_ =	strace $0xD0000000  }
0x3: {  	_ = 	snop  }
0x4: {  	_ = 	snop  }
0x5: {  	_ = 	snop  }
0x6: {  	_ = 	snop  }
0x7: {  	_ = 	snop  }
__scs_overlays_trampoline_lowered:
0x8: {  	[smem:$0x3FAB] =	sst s0  }
0x9: {  	[smem:$0x3FAC] =	sst s1  }
0xa: {  	[smem:$0x3FAD] =	sst s2  }
0xb: {  	[smem:$0x3FAE] =	sst s3  }
0xc: {  	[smem:$0x3FAF] =	sst s4  }
0xd: {  	[smem:$0x3FB0] =	sst s5  }
0xe: {  	[smem:$0x3FB1] =	sst s6  }
0xf: {  	[smem:$0x3FB2] =	sst s7  }
0x10: {  	[smem:$0x3FB3] =	sst s8  }
0x11: {  	[smem:$0x3FB4] =	sst s9;
	s0 =	simm.s32 @!p0 $0x0  }
0x12: {  	s1 =	sld [smem:$0x3F9A];
	s0 =	simm.s32 @p0 $0x1  }
0x13: {  	[smem:$0x3FB5] =	sst s0;
	s0 =	simm.s32 @!p1 $0x0  }
0x14: {  	s2 =	sld [smem:$0x3F99];
	s0 =	simm.s32 @p1 $0x1  }
0x15: {  	[smem:$0x3FB6] =	sst s0;
	s0 =	simm.s32 @!p2 $0x0  }
0x16: {  	s3 =	sld [smem:$0x3FDB];
	s0 =	simm.s32 @p2 $0x1  }
0x17: {  	s4 =	simm.s32 $0x1BF5;
	[smem:$0x3FB8] =	sst s0  }
0x18: {  	s0 =	sld [smem:$0x3F9B];
	_ =	swait.ge [sflag:s4], $0x0  }
0x19: {  	s7 =	sld [smem:$0x3F9C]  }
0x1a: {  	s8 =	sadd.s32 $0xFFFFE003, lr  }
0x1b: {  	s9 =	sadd.s32 $0xFFFFFEF7, lr;
	s5 =	simm.s32 $0xFFFFFFFF;
	p2 =	slt.u32 s8, $0xFFFFF086  }
0x1c: {  	p1 =	slt.u32 s9, $0xF7A;
	s5 =	simm.s32 @!p2 $0x0  }
0x1d: {  	s5 =	simm.s32 @p1 $0x1;
	p0 =	seq.s32 s7, s2  }
0x1e: {  	s7 =	smul.u32 @!p0 $0xF7A, s2;
	p2 =	seq.s32 @!p0 s5, $0x0  }
0x1f: {  	s9 =	smul.u32 $0xF7A, s1;
	s8 =	simm.s32 @!p0 $0x1BF5;
	p2 =	por !p2, p0  }
0x20: {  	[sflag:s8] =	ssyncset.s32 @!p0 $0xFFFFF086;
	s6 =	sadd.s32 @!p0 s3, s7;
	s7 =	simm.s32 @!p0 $0x108  }
0x21: {  	s3 =	sadd.s32 s3, s9;
	s6 =	sadd.s32 @!p0 $0x88, s6;
	s7 =	simm.s32 @p2 $0x1082  }
0x22: {  	[simem:s7], [sflag:s8] =	dma.local @!p0 [hbm:s6], $0xF7A  }
0x23: {  	s9 =	sor.u32 $0xD0000000, s2;
	s6 =	simm.s32 $0x108;
	_ =	swait.ge @!p0 [sflag:s8], $0x0  }
0x24: {  	s3 =	sadd.s32 $0x88, s3;
	s6 =	simm.s32 @!p1 $0x1082;
	[sflag:s4] =	ssyncset.s32 $0xFFFFF086  }
0x25: {  	[simem:s6], [sflag:s4] =	dma.local [hbm:s3], $0xF7A  }
0x26: {  	[smem:$0x3F9C] =	sst s1;
	(tag) =	ssettag s2;
	_ =	strace s9  }
0x27: {  	s1 =	sld [smem:$0x3FAC]  }
0x28: {  	s2 =	sld [smem:$0x3FAD]  }
0x29: {  	s4 =	sld [smem:$0x3FAF]  }
0x2a: {  	p0 =	seq.s32 s5, $0x0;
	s5 =	sld [smem:$0x3FB0]  }
0x2b: {  	s6 =	sld [smem:$0x3FB1]  }
0x2c: {  	s7 =	sld [smem:$0x3FB2]  }
0x2d: {  	s3 =	simm.s32 $0x108;
	s8 =	sld [smem:$0x3FB3]  }
0x2e: {  	s3 =	simm.s32 @!p0 $0x1082;
	s9 =	sld [smem:$0x3FB4]  }
0x2f: {  	lr =	sadd.s32 s0, s3;
	s0 =	sld [smem:$0x3FAB]  }
0x30: {  	s3 =	sld [smem:$0x3FAE]  }
0x31: {  	[smem:$0x3FB7] =	sst s10  }
0x32: {  	s10 =	sld [smem:$0x3FB5];
	_ =	sdelay $0x3  }
0x33: {  	p0 =	seq.s32 s10, $0x1;
	s10 =	sld [smem:$0x3FB7];
	_ =	sdelay $0x3  }
0x34: {  	[smem:$0x3FB7] =	sst s10  }
0x35: {  	s10 =	sld [smem:$0x3FB6];
	_ =	sdelay $0x3  }
0x36: {  	p1 =	seq.s32 s10, $0x1;
	s10 =	sld [smem:$0x3FB7];
	_ =	sdelay $0x3  }
0x37: {  	[smem:$0x3FB7] =	sst s10  }
0x38: {  	s10 =	sld [smem:$0x3FB8]  }
0x39: {  	_ = 	snop;
	(pc) =	sbr.ind lr, $3  }
0x3a: {  	_ = 	snop  }
0x3b: {  	_ = 	snop  }
0x3c: {  	p2 =	seq.s32 s10, $0x1;
	s10 =	sld [smem:$0x3FB7]  }
0x3d: {  	_ =	shalt  }
0x3e: {  	_ =	shalt  }
0x3f: {  	_ =	shalt  }
0x40: {  	_ =	shalt  }
0x41: {  	_ =	shalt  }
0x42: {  	_ =	shalt  }
0x43: {  	_ =	shalt  }
0x44: {  	_ =	shalt  }
0x45: {  	_ =	shalt  }
0x46: {  	_ =	shalt  }
0x47: {  	_ =	shalt  }
0x48: {  	_ =	shalt  }
0x49: {  	_ =	shalt  }
0x4a: {  	_ =	shalt  }
0x4b: {  	_ =	shalt  }
0x4c: {  	_ =	shalt  }
0x4d: {  	_ =	shalt  }
0x4e: {  	_ =	shalt  }
0x4f: {  	_ =	shalt  }
0x50: {  	_ =	shalt  }
0x51: {  	_ =	shalt  }
0x52: {  	_ =	shalt  }
0x53: {  	_ =	shalt  }
0x54: {  	_ =	shalt  }
0x55: {  	_ =	shalt  }
0x56: {  	_ =	shalt  }
0x57: {  	_ =	shalt  }
0x58: {  	_ =	shalt  }
0x59: {  	_ =	shalt  }
0x5a: {  	_ =	shalt  }
0x5b: {  	_ =	shalt  }
0x5c: {  	_ =	shalt  }
0x5d: {  	_ =	shalt  }
0x5e: {  	_ =	shalt  }
0x5f: {  	_ =	shalt  }
0x60: {  	_ =	shalt  }
0x61: {  	_ =	shalt  }
0x62: {  	_ =	shalt  }
0x63: {  	_ =	shalt  }
0x64: {  	_ =	shalt  }
0x65: {  	_ =	shalt  }
0x66: {  	_ =	shalt  }
0x67: {  	_ =	shalt  }
0x68: {  	_ =	shalt  }
0x69: {  	_ =	shalt  }
0x6a: {  	_ =	shalt  }
0x6b: {  	_ =	shalt  }
0x6c: {  	_ =	shalt  }
0x6d: {  	_ =	shalt  }
0x6e: {  	_ =	shalt  }
0x6f: {  	_ =	shalt  }
0x70: {  	_ =	shalt  }
0x71: {  	_ =	shalt  }
0x72: {  	_ =	shalt  }
0x73: {  	_ =	shalt  }
0x74: {  	_ =	shalt  }
0x75: {  	_ =	shalt  }
0x76: {  	_ =	shalt  }
0x77: {  	_ =	shalt  }
0x78: {  	_ =	shalt  }
0x79: {  	_ =	shalt  }
0x7a: {  	_ =	shalt  }
0x7b: {  	_ =	shalt  }
0x7c: {  	_ =	shalt  }
0x7d: {  	_ =	shalt  }
0x7e: {  	_ =	shalt  }
0x7f: {  	_ =	shalt  }
0x80: {  	_ =	shalt  }
0x81: {  	_ =	shalt  }
0x82: {  	_ =	shalt  }
0x83: {  	_ =	shalt  }
0x84: {  	_ =	shalt  }
0x85: {  	_ =	shalt  }
0x86: {  	_ =	shalt  }
0x87: {  	_ =	shalt  }
.Lfunc_end0:
.L_simem_size_0:
called_computation_lowered:
.L_overlay_start_0:
0x88: {  	s2 =	sld [smem:$0x3FD9]  }
0x89: {  	s3 =	sld [smem:$0x3FFE];
	_ =	sdelay $0x1  }
0x8a: {  	s1 =	srdreg.scid  }
0x8b: {  	s0 =	sand.u32 $0x1, s1  }
0x8c: {  	s17 =	sshll.u32 s0, $0xA;
	s2 =	sadd.s32 s3, s2  }
0x8d: {  	s2 =	sadd.s32 s2, s17  }
0x8e: {  	[smem:$0x3FC3] =	sst s2  }
0x8f: {  	_ = 	snop  }
0x90: {  	s2 =	sld [smem:$0x3FD0];
	(tm) =	ssettm $0x1  }
0x91: {  	s18 =	sld [smem:$0x3FFB];
	_ =	sdelay $0x3  }
0x92: {  	_ =	strace s18  }
0x93: {  	s3 =	sld [smem:$0x3FFC];
	_ =	sdelay $0x3  }
0x94: {  	_ =	strace s3  }
0x95: {  	s3 =	sld [smem:$0x3FFD];
	_ =	sdelay $0x3  }
0x96: {  	_ =	strace s3  }
0x97: {  	_ =	strace $0x8FFFFFFF  }
0x98: {  	s19 =	sld [smem:$0x3FDB];
	_ =	sdelay $0x1  }
0x99: {  	s4 =	simm.s32 $_scs_section_size  }
0x9a: {  	s5 =	simm.s32 $_size__tile_overlayer_lowered;
	s6 =	simm.s32 $_tile_overlayer_lowered  }
0x9b: {  	s22 =	simm.s32 $0x1BFF;
	s21 =	sshll.u32 s6, $0x1;
	s3 =	sadd.s32 s4, s19  }
0x9c: {  	s7 =	simm.s32 $0x0;
	s20 =	sshll.u32 s5, $0x1;
	s5 =	sadd.s32 s21, s3  }
0x9d: {  	[timem:s7], [sflag:s22] =	dma.local [hbm:s5], s20  }
0x9e: {  	_ =	swait.ge [sflag:s22], s20  }
0x9f: {  	s4 =	ssub.s32 $0x0, s20;
	[sflag:s22] =	ssyncset.done $0x0  }
0xa0: {  	[sflag:s22] =	ssyncadd.s32 s4;
	_ =	sdelay $0x1  }
0xa1: {  	s23 =	simm.s32 $0x1B8B  }
0xa2: {  	_ =	swait.ge [sflag:s23], $0x1  }
0xa3: {  	[sflag:s23] =	ssyncset.done $0x0  }
0xa4: {  	s25 =	simm.s32 $0x1B8E;
	s24 =	sld [smem:$0x3FFE];
	[sflag:s23] =	ssyncadd.s32 $0xFFFFFFFF  }
0xa5: {  	s26 =	simm.s32 $execute0_lowered;
	[smem:$0x3FD2] =	sst s25  }
0xa6: {  	s5 =	sshll.u32 s26, $0x1;
	_ =	strace $0x80000046;
	[dreg:$0x1] =	wrdreg $0xFFFFFFFF  }
0xa7: {  	s28 =	simm.s32 $_size_execute0_lowered;
	s3 =	sadd.s32 s3, s5;
	[dreg:$0x0] =	wrdreg $0x0  }
0xa8: {  	s5 =	sshll.u32 s28, $0x1;
	[dreg:$0x2] =	wrdreg s3  }
0xa9: {  	[dreg:$0x3] =	wrdreg s5  }
0xaa: {  	[dreg:$0x4] =	wrdreg $0xC0  }
0xab: {  	_ =	task [dreg:s7], $0x5FFFF  }
0xac: {  	[dreg:$0x1] =	wrdreg $0xFFFFFFFF  }
0xad: {  	[dreg:$0x0] =	wrdreg $0x60  }
0xae: {  	[dreg:$0x2] =	wrdreg s2  }
0xaf: {  	[dreg:$0x3] =	wrdreg s24  }
0xb0: {  	[dreg:$0x4] =	wrdreg $0x98000  }
0xb1: {  	[dreg:$0x5] =	wrdreg $0x9  }
0xb2: {  	_ =	task.clear_ibuf [dreg:s7], $0x6FFFF;
	_ =	strace $0x90000046  }
0xb3: {  	s29 =	simm.s32 $0x9;
	_ =	strace $0x80000048  }
0xb4: {  	_ =	swait.ge [sflag:s29], $0x1  }
0xb5: {  	[sflag:s29] =	ssyncadd.s32 $0xFFFFFFFF  }
0xb6: {  	_ =	strace $0x90000048  }
0xb7: {  	_ =	sfence  }
0xb8: {  	s30 =	sld [smem:$0x0];
	_ =	sdelay $0x2  }
0xb9: {  	s31 =	sshll.u32 s1, $0xD;
	s1 =	sshrl.u32 s1, $0x2  }
0xba: {  	s3 =	sand.u32 $0x4000, s31;
	s1 =	sadd.s32 s1, s30  }
0xbb: {  	s0 =	sor.u32 s3, s0;
	s1 =	sshll.u32 s1, $0x11  }
0xbc: {  	s0 =	sor.u32 s1, s0  }
0xbd: {  	s0 =	sadd.s32 $0x8F2B, s0  }
0xbe: {  	[sflag:s0] =	ssyncadd.remote.s32 $0x1  }
0xbf: {  	_ =	sfence.sel $0xFFFF  }
0xc0: {  	[dreg:$0x0] =	wrdreg $0xFFFFFFFF;
	(pc) =	sbr.abs _section_cstart, $3  }
0xc1: {  	[dreg:$0x1] =	wrdreg $0xFFFFFFFF  }
0xc2: {  	_ =	task.clear_ibuf [dreg:s7], $0x2FFFF;
	_ =	strace $0x9FFFFFFF  }
0xc3: {  	(tm) =	ssettm $0x7FFFFFFF  }
tec
execute0_lowered:
.L_overlay_start_1:
0x0: {  	(tag) =	ssettag $0x1  }
0x1: {  	s1 =	rddreg [dreg:$0x0]  }
0x2: {  	s0 =	rddreg [dreg:$0x1]  }
0x3: {  	s2 =	rddreg [dreg:$0x2];
	s3 =	srdreg.scid  }
0x4: {  	s4 =	simm.s32 $0x0;
	s10 =	stileid.u32;
	s21 =	simm.s32 $0x1800  }
0x5: {  	s22 =	simm.s32 $0x3;
	s23 =	simm.s32 $0x2;
	s24 =	simm.s32 $0x80  }
0x6: {  	s25 =	simm.s32 $0x1;
	s26 =	simm.s32 $0x0;
	s3 =	sand.u32 $0x1, s3  }
0x7: {  	[smem:$0x7FF] =	sst s4;
	s8 =	smul.u32 $0x14000, s10;
	s5 =	sadd.s32 $0x15000, s0  }
0x8: {  	s7 =	smul.u32 $0x140000, s3;
	s6 =	sshll.u32 s3, $0x4;
	_ =	strace $0x80000047  }
0x9: {  	s3 =	ssub.s32 $0x2, s3;
	s12 =	sor.u32 s10, s6;
	s10 =	smul.u32 $0x50000, s10  }
0xa: {  	s6 =	sadd.s32 $0xB000, s0;
	s29 =	sshrl.u32 s3, $0x1;
	s28 =	smul.u32 $0x500, s12  }
0xb: {  	s7 =	sadd.s32 s8, s7;
	s3 =	ssub.s32 s3, s29;
	s12 =	smul.u32 $0xA, s12  }
0xc: {  	s9 =	sshrl.u32 s7, $0x3;
	s7 =	sadd.s32 $0x1000, s0;
	s11 =	sshrl.u32 s10, $0x2  }
.Ltmp0:
0xd: {  	s14 =	smax.u32 s3, $0x1;
	s30 =	sadd.s32 s5, s28;
	(pc) =	sbr.rel .LBB2_1-.Ltmp0, $4  }
0xe: {  	s0 =	sadd.s32 s9, s0;
	s31 =	sadd.s32 s6, s28;
	[dreg:$0x4] =	wrdreg s30  }
0xf: {  	s8 =	sadd.s32 s7, s28;
	s11 =	sadd.s32 s11, s2;
	[dreg:$0x5] =	wrdreg s31  }
0x10: {  	[dreg:$0x6] =	wrdreg s8;
	s13 =	sadd.s32 $0x1F000, s0;
	s15 =	sadd.s32 $0x4000, s11  }
0x11: {  	v0 =	vimm.f32 $0.0e+00;
	s16 =	sadd.s32 $0x8000, s11;
	s17 =	sadd.s32 $0xC000, s11;
	s18 =	sadd.s32 $0x10000, s11  }
.LBB2_10:
0x12: {  	s0 =	stileid.u32;
	s26 =	sadd.s32 $0x1, s26  }
0x13: {  	[bflag:$0x0] =	sbarrier.arrive $0xFFFF;
	s0 =	sshll.u32 s0, $0x6;
	p0 =	sne.s32 s26, s14  }
.Ltmp1:
0x14: {  	s3 =	sshrl.u32 s11, $0x3;
	s0 =	sor.u32 $0x1C03, s0;
	(pc) =	sbr.rel @!p0 .LBB2_11-.Ltmp1, $4  }
0x15: {  	[hbm:s13], [sflag:s0] =	dma.local [spmem:s3], $0x2800  }
0x16: {  	_ =	swait.ge [sflag:s22], $0x2800  }
0x17: {  	[sflag:s22] =	ssyncset.done $0x0  }
0x18: {  	[sflag:s22] =	ssyncadd.s32 $0xFFFFD800  }
.LBB2_1:
0x19: {  	s0 =	rddreg [dreg:$0x4]  }
0x1a: {  	s29 =	rddreg [dreg:$0x5]  }
0x1b: {  	[tilespmem:s4], [sflag:$0x2] =	stream.linear.gather [hbm4b:s0+s4], $0x400, $0x38;
	[tilespmem:$0x1D800] =	vst v63  }
0x1c: {  	s3 =	simm.s32 $0x800;
	s30 =	rddreg [dreg:$0x6]  }
0x1d: {  	[tilespmem:s3], [sflag:$0x2] =	stream.linear.gather [hbm4b:s29+s4], $0x400, $0x38;
	[tilespmem:$0x1D800] =	vst v63  }
0x1e: {  	s31 =	simm.s32 $0x1000;
	s0 =	simm.s32 $0x0;
	s3 =	simm.s32 $0x200  }
0x1f: {  	[tilespmem:s31], [sflag:$0x2] =	stream.linear.gather [hbm4b:s30+s4], $0x400, $0x38;
	[tilespmem:$0x1D800] =	vst v63  }
.LBB2_2:
0x20: {  	p0 =	sne.s32 s3, $0xFE00;
	[tilespmem:s0+$0x1870] =	vst v0  }
0x21: {  	[tilespmem:s0+$0x1800] =	vst v0  }
0x22: {  	[tilespmem:s0+$0x1810] =	vst v0  }
.Ltmp2:
0x23: {  	[tilespmem:s0+$0x1820] =	vst v0;
	(pc) =	sbr.rel @p0 .LBB2_2-.Ltmp2, $4  }
0x24: {  	[tilespmem:s0+$0x1830] =	vst v0  }
0x25: {  	[tilespmem:s0+$0x1840] =	vst v0  }
0x26: {  	[tilespmem:s0+$0x1850] =	vst v0  }
0x27: {  	[tilespmem:s0+$0x1860] =	vst v0;
	s0 =	sshra.s32 s3, $0x2;
	s3 =	sadd.s32 $0x200, s3  }
0x28: {  	[tilespmem:s0+$0x1870] =	vst v0  }
0x29: {  	[tilespmem:s0+$0x1800] =	vst v0  }
0x2a: {  	[tilespmem:s0+$0x1810] =	vst v0  }
0x2b: {  	[tilespmem:s0+$0x1820] =	vst v0  }
0x2c: {  	[tilespmem:s0+$0x1830] =	vst v0  }
0x2d: {  	[tilespmem:s0+$0x1840] =	vst v0  }
0x2e: {  	[tilespmem:s0+$0x1850] =	vst v0  }
0x2f: {  	[tilespmem:s0+$0x1860] =	vst v0  }
0x30: {  	[spmem:s11] =	stream.linear.scatter [tilespmem:s21], [sflag:$0x3], $0x4000, $0x38;
	[tilespmem:$0x1D800] =	vst v63  }
0x31: {  	_ =	swait.ge [sflag:s22], $0x4000  }
0x32: {  	[sflag:s22] =	ssyncset.done $0x0  }
0x33: {  	[sflag:s22] =	ssyncadd.s32 $0xFFFFC000  }
0x34: {  	[spmem:s15] =	stream.linear.scatter [tilespmem:s21], [sflag:$0x3], $0x4000, $0x38;
	[tilespmem:$0x1D800] =	vst v63  }
0x35: {  	_ =	swait.ge [sflag:s22], $0x4000  }
0x36: {  	[sflag:s22] =	ssyncset.done $0x0  }
0x37: {  	[sflag:s22] =	ssyncadd.s32 $0xFFFFC000  }
0x38: {  	[spmem:s16] =	stream.linear.scatter [tilespmem:s21], [sflag:$0x3], $0x4000, $0x38;
	[tilespmem:$0x1D800] =	vst v63  }
0x39: {  	_ =	swait.ge [sflag:s22], $0x4000  }
0x3a: {  	[sflag:s22] =	ssyncset.done $0x0  }
0x3b: {  	[sflag:s22] =	ssyncadd.s32 $0xFFFFC000  }
0x3c: {  	[spmem:s17] =	stream.linear.scatter [tilespmem:s21], [sflag:$0x3], $0x4000, $0x38;
	[tilespmem:$0x1D800] =	vst v63  }
0x3d: {  	_ =	swait.ge [sflag:s22], $0x4000  }
0x3e: {  	[sflag:s22] =	ssyncset.done $0x0  }
0x3f: {  	[sflag:s22] =	ssyncadd.s32 $0xFFFFC000  }
0x40: {  	[spmem:s18] =	stream.linear.scatter [tilespmem:s21], [sflag:$0x3], $0x4000, $0x38;
	[tilespmem:$0x1D800] =	vst v63  }
0x41: {  	_ =	swait.ge [sflag:s22], $0x4000  }
0x42: {  	[sflag:s22] =	ssyncset.done $0x0  }
0x43: {  	[sflag:s22] =	ssyncadd.s32 $0xFFFFC000  }
0x44: {  	_ =	swait.ge [sflag:s23], $0x400  }
0x45: {  	[sflag:s23] =	ssyncset.done $0x0  }
0x46: {  	[sflag:s23] =	ssyncadd.s32 $0xFFFFFC00  }
0x47: {  	_ =	swait.ge [sflag:s23], $0x400  }
0x48: {  	[sflag:s23] =	ssyncset.done $0x0  }
0x49: {  	[sflag:s23] =	ssyncadd.s32 $0xFFFFFC00  }
0x4a: {  	_ =	swait.ge [sflag:s23], $0x400  }
0x4b: {  	[sflag:s23] =	ssyncset.done $0x0  }
0x4c: {  	[sflag:s23] =	ssyncadd.s32 $0xFFFFFC00  }
0x4d: {  	s28 =	simm.s32 $0x0;
	[bflag:$0x0] =	sbarrier.arrive $0xFFFF  }
.LBB2_4:
0x4e: {  	s0 =	smov.u32 s28  }
0x4f: {  	s28 =	sadd.s32 $0x1, s28;
	p0 =	seq.s32 s0, $0x9  }
0x50: {  	s3 =	sadd.s32 @!p0 s12, s28  }
0x51: {  	s0 =	sshll.u32 @!p0 s0, $0xA;
	s3 =	sshll.u32 @!p0 s3, $0x7  }
0x52: {  	s29 =	sand.u32 @!p0 $0x400, s0;
	s0 =	sand.u32 @!p0 $0x1FFFFF80, s3  }
0x53: {  	s19 =	simm.s32 @!p0 $0x0;
	s3 =	sxor.u32 @!p0 $0x400, s29;
	s8 =	sadd.s32 @!p0 s5, s0  }
0x54: {  	[tilespmem:s3], [sflag:$0x2] =	stream.linear.gather @!p0 [hbm4b:s8+s19], $0x400, $0x38;
	[tilespmem:$0x1D800] =	vst v63  }
0x55: {  	s3 =	sxor.u32 @!p0 $0xC00, s29;
	s8 =	sadd.s32 @!p0 s6, s0  }
0x56: {  	[tilespmem:s3], [sflag:$0x2] =	stream.linear.gather @!p0 [hbm4b:s8+s19], $0x400, $0x38;
	[tilespmem:$0x1D800] =	vst v63  }
0x57: {  	s0 =	sadd.s32 @!p0 s7, s0;
	s3 =	sxor.u32 @!p0 $0x1400, s29;
	s29 =	simm.s32 @p0 $0x400  }
0x58: {  	[tilespmem:s3], [sflag:$0x2] =	stream.linear.gather @!p0 [hbm4b:s0+s19], $0x400, $0x38;
	[tilespmem:$0x1D800] =	vst v63  }
0x59: {  	s30 =	sor.u32 $0x1000, s29;
	s31 =	sor.u32 $0x800, s29;
	s0 =	simm.s32 $0x0  }
0x5a: {  	[tilespmem:s21], [sflag:$0x1] =	stream.indirect.gather [hbm4b:s1+s24], $0x80, s29, s24, $0xb8;
	[tilespmem:$0x1D800] =	vst v63  }
.LBB2_5:
0x5b: {  	s3 =	smov.u32 s0;
	_ =	swait.ge [sflag:s25], $0x4000  }
0x5c: {  	s0 =	sadd.s32 $0x1, s0;
	p1 =	seq.s32 s3, $0x7;
	s19 =	sand.u32 $0x1, s3  }
0x5d: {  	[sflag:s25] =	ssyncset.done $0x0;
	s3 =	sshll.u32 s3, $0x9;
	s8 =	sshll.u32 @!p1 s0, $0x7  }
0x5e: {  	[sflag:s25] =	ssyncadd.s32 $0xFFFFC000;
	s9 =	sshll.u32 @!p1 s19, $0xE;
	s8 =	sand.u32 @!p1 $0x3FFFFF80, s8  }
0x5f: {  	s10 =	simm.s32 @!p1 $0x80;
	s20 =	sxor.u32 @!p1 $0x5800, s9;
	s8 =	sadd.s32 @!p1 s8, s29  }
0x60: {  	[tilespmem:s20], [sflag:$0x1] =	stream.indirect.gather @!p1 [hbm4b:s1+s10], $0x80, s8, s10, $0xb8;
	[tilespmem:$0x1D800] =	vst v63  }
0x61: {  	s20 =	sshrl.u32 s3, $0x2  }
0x62: {  	s10 =	sadd.s32 s20, s30  }
0x63: {  	s9 =	simm.s32 @p1 $0x4000;
	v1 =	vmov s10  }
0x64: {  	s9 =	sadd.s32 $0x1800, s9  }
0x65: {  	s3 =	simm.s32 $0x0;
	v2 =	vmov s9  }
.LBB2_6:
0x66: {  	s8 =	sshll.u32 s3, $0x4  }
0x67: {  	s8 =	sand.u32 $0x3FFFFFF0, s8  }
0x68: {  	s10 =	sshll.u32 s3, $0xD;
	v3 =	vld.idx.msk [tilespmem:v1+s8+$0x0 ss:$0x1], $0xffff  }
0x69: {  	s8 =	sshra.s32 s10, $0x2  }
0x6a: {  	v4 =	vld.idx.msk [tilespmem:v2+s8+$0x0 ss:$0x1], $0xffff;
	_ =	sdelay $0x2  }
0x6b: {  	v5 =	vbroadcast v3, $0x0;
	_ =	sdelay $0x1  }
0x6c: {  	v4 =	vmul.f32 v5, v4;
	_ =	sdelay $0x1  }
0x6d: {  	[tilespmem:v2+s8+$0x0 ss:$0x1] =	vst.idx.msk $0xffff, v4  }
0x6e: {  	v4 =	vld.idx.msk [tilespmem:v2+s8+$0x10 ss:$0x1], $0xffff;
	_ =	sdelay $0x4  }
0x6f: {  	v4 =	vmul.f32 v4, v5;
	_ =	sdelay $0x1  }
0x70: {  	[tilespmem:v2+s8+$0x10 ss:$0x1] =	vst.idx.msk $0xffff, v4  }
0x71: {  	v4 =	vld.idx.msk [tilespmem:v2+s8+$0x20 ss:$0x1], $0xffff;
	_ =	sdelay $0x4  }
0x72: {  	v4 =	vmul.f32 v4, v5;
	_ =	sdelay $0x1  }
0x73: {  	[tilespmem:v2+s8+$0x20 ss:$0x1] =	vst.idx.msk $0xffff, v4  }
0x74: {  	v4 =	vld.idx.msk [tilespmem:v2+s8+$0x30 ss:$0x1], $0xffff;
	_ =	sdelay $0x4  }
0x75: {  	v4 =	vmul.f32 v4, v5;
	_ =	sdelay $0x1  }
0x76: {  	[tilespmem:v2+s8+$0x30 ss:$0x1] =	vst.idx.msk $0xffff, v4  }
0x77: {  	v4 =	vld.idx.msk [tilespmem:v2+s8+$0x40 ss:$0x1], $0xffff;
	_ =	sdelay $0x4  }
0x78: {  	v4 =	vmul.f32 v4, v5;
	_ =	sdelay $0x1  }
0x79: {  	[tilespmem:v2+s8+$0x40 ss:$0x1] =	vst.idx.msk $0xffff, v4  }
0x7a: {  	v4 =	vld.idx.msk [tilespmem:v2+s8+$0x50 ss:$0x1], $0xffff;
	_ =	sdelay $0x4  }
0x7b: {  	v4 =	vmul.f32 v4, v5;
	_ =	sdelay $0x1  }
0x7c: {  	[tilespmem:v2+s8+$0x50 ss:$0x1] =	vst.idx.msk $0xffff, v4  }
0x7d: {  	v4 =	vld.idx.msk [tilespmem:v2+s8+$0x60 ss:$0x1], $0xffff;
	_ =	sdelay $0x4  }
0x7e: {  	v4 =	vmul.f32 v4, v5;
	_ =	sdelay $0x1  }
0x7f: {  	[tilespmem:v2+s8+$0x60 ss:$0x1] =	vst.idx.msk $0xffff, v4  }
0x80: {  	v4 =	vld.idx.msk [tilespmem:v2+s8+$0x70 ss:$0x1], $0xffff;
	_ =	sdelay $0x4  }
0x81: {  	v4 =	vmul.f32 v4, v5;
	_ =	sdelay $0x1  }
0x82: {  	[tilespmem:v2+s8+$0x70 ss:$0x1] =	vst.idx.msk $0xffff, v4  }
0x83: {  	v4 =	vld.idx.msk [tilespmem:v2+s8+$0x80 ss:$0x1], $0xffff;
	_ =	sdelay $0x2  }
0x84: {  	v50 =	vbroadcast v3, $0x1;
	_ =	sdelay $0x1  }
0x85: {  	v4 =	vmul.f32 v4, v50;
	_ =	sdelay $0x1  }
0x86: {  	[tilespmem:v2+s8+$0x80 ss:$0x1] =	vst.idx.msk $0xffff, v4  }
0x87: {  	v4 =	vld.idx.msk [tilespmem:v2+s8+$0x90 ss:$0x1], $0xffff;
	_ =	sdelay $0x4  }
0x88: {  	v4 =	vmul.f32 v4, v50;
	_ =	sdelay $0x1  }
0x89: {  	[tilespmem:v2+s8+$0x90 ss:$0x1] =	vst.idx.msk $0xffff, v4  }
0x8a: {  	v4 =	vld.idx.msk [tilespmem:v2+s8+$0xA0 ss:$0x1], $0xffff;
	_ =	sdelay $0x4  }
0x8b: {  	v4 =	vmul.f32 v4, v50;
	_ =	sdelay $0x1  }
0x8c: {  	[tilespmem:v2+s8+$0xA0 ss:$0x1] =	vst.idx.msk $0xffff, v4  }
0x8d: {  	v4 =	vld.idx.msk [tilespmem:v2+s8+$0xB0 ss:$0x1], $0xffff;
	_ =	sdelay $0x4  }
0x8e: {  	v4 =	vmul.f32 v4, v50;
	_ =	sdelay $0x1  }
0x8f: {  	[tilespmem:v2+s8+$0xB0 ss:$0x1] =	vst.idx.msk $0xffff, v4  }
0x90: {  	v4 =	vld.idx.msk [tilespmem:v2+s8+$0xC0 ss:$0x1], $0xffff;
	_ =	sdelay $0x4  }
0x91: {  	v4 =	vmul.f32 v4, v50;
	_ =	sdelay $0x1  }
0x92: {  	[tilespmem:v2+s8+$0xC0 ss:$0x1] =	vst.idx.msk $0xffff, v4  }
0x93: {  	v4 =	vld.idx.msk [tilespmem:v2+s8+$0xD0 ss:$0x1], $0xffff;
	_ =	sdelay $0x4  }
0x94: {  	v4 =	vmul.f32 v4, v50;
	_ =	sdelay $0x1  }
0x95: {  	[tilespmem:v2+s8+$0xD0 ss:$0x1] =	vst.idx.msk $0xffff, v4  }
0x96: {  	v4 =	vld.idx.msk [tilespmem:v2+s8+$0xE0 ss:$0x1], $0xffff;
	_ =	sdelay $0x4  }
0x97: {  	v4 =	vmul.f32 v4, v50;
	_ =	sdelay $0x1  }
0x98: {  	[tilespmem:v2+s8+$0xE0 ss:$0x1] =	vst.idx.msk $0xffff, v4  }
0x99: {  	v4 =	vld.idx.msk [tilespmem:v2+s8+$0xF0 ss:$0x1], $0xffff;
	_ =	sdelay $0x4  }
0x9a: {  	v4 =	vmul.f32 v4, v50;
	_ =	sdelay $0x1  }
0x9b: {  	[tilespmem:v2+s8+$0xF0 ss:$0x1] =	vst.idx.msk $0xffff, v4  }
0x9c: {  	v4 =	vld.idx.msk [tilespmem:v2+s8+$0x100 ss:$0x1], $0xffff;
	_ =	sdelay $0x2  }
0x9d: {  	v51 =	vbroadcast v3, $0x2;
	_ =	sdelay $0x1  }
0x9e: {  	v4 =	vmul.f32 v4, v51;
	_ =	sdelay $0x1  }
0x9f: {  	[tilespmem:v2+s8+$0x100 ss:$0x1] =	vst.idx.msk $0xffff, v4  }
0xa0: {  	v4 =	vld.idx.msk [tilespmem:v2+s8+$0x110 ss:$0x1], $0xffff;
	_ =	sdelay $0x4  }
0xa1: {  	v4 =	vmul.f32 v4, v51;
	_ =	sdelay $0x1  }
0xa2: {  	[tilespmem:v2+s8+$0x110 ss:$0x1] =	vst.idx.msk $0xffff, v4  }
0xa3: {  	v4 =	vld.idx.msk [tilespmem:v2+s8+$0x120 ss:$0x1], $0xffff;
	_ =	sdelay $0x4  }
0xa4: {  	v4 =	vmul.f32 v4, v51;
	_ =	sdelay $0x1  }
0xa5: {  	[tilespmem:v2+s8+$0x120 ss:$0x1] =	vst.idx.msk $0xffff, v4  }
0xa6: {  	v4 =	vld.idx.msk [tilespmem:v2+s8+$0x130 ss:$0x1], $0xffff;
	_ =	sdelay $0x4  }
0xa7: {  	v4 =	vmul.f32 v4, v51;
	_ =	sdelay $0x1  }
0xa8: {  	[tilespmem:v2+s8+$0x130 ss:$0x1] =	vst.idx.msk $0xffff, v4  }
0xa9: {  	v4 =	vld.idx.msk [tilespmem:v2+s8+$0x140 ss:$0x1], $0xffff;
	_ =	sdelay $0x4  }
0xaa: {  	v4 =	vmul.f32 v4, v51;
	_ =	sdelay $0x1  }
0xab: {  	[tilespmem:v2+s8+$0x140 ss:$0x1] =	vst.idx.msk $0xffff, v4  }
0xac: {  	v4 =	vld.idx.msk [tilespmem:v2+s8+$0x150 ss:$0x1], $0xffff;
	_ =	sdelay $0x4  }
0xad: {  	v4 =	vmul.f32 v4, v51;
	_ =	sdelay $0x1  }
0xae: {  	[tilespmem:v2+s8+$0x150 ss:$0x1] =	vst.idx.msk $0xffff, v4  }
0xaf: {  	v4 =	vld.idx.msk [tilespmem:v2+s8+$0x160 ss:$0x1], $0xffff;
	_ =	sdelay $0x4  }
0xb0: {  	v4 =	vmul.f32 v4, v51;
	_ =	sdelay $0x1  }
0xb1: {  	[tilespmem:v2+s8+$0x160 ss:$0x1] =	vst.idx.msk $0xffff, v4  }
0xb2: {  	v4 =	vld.idx.msk [tilespmem:v2+s8+$0x170 ss:$0x1], $0xffff;
	_ =	sdelay $0x4  }
0xb3: {  	v4 =	vmul.f32 v4, v51;
	_ =	sdelay $0x1  }
0xb4: {  	[tilespmem:v2+s8+$0x170 ss:$0x1] =	vst.idx.msk $0xffff, v4  }
0xb5: {  	v4 =	vld.idx.msk [tilespmem:v2+s8+$0x180 ss:$0x1], $0xffff;
	_ =	sdelay $0x2  }
0xb6: {  	v52 =	vbroadcast v3, $0x3;
	_ =	sdelay $0x1  }
0xb7: {  	v4 =	vmul.f32 v4, v52;
	_ =	sdelay $0x1  }
0xb8: {  	[tilespmem:v2+s8+$0x180 ss:$0x1] =	vst.idx.msk $0xffff, v4  }
0xb9: {  	v4 =	vld.idx.msk [tilespmem:v2+s8+$0x190 ss:$0x1], $0xffff;
	_ =	sdelay $0x4  }
0xba: {  	v4 =	vmul.f32 v4, v52;
	_ =	sdelay $0x1  }
0xbb: {  	[tilespmem:v2+s8+$0x190 ss:$0x1] =	vst.idx.msk $0xffff, v4  }
0xbc: {  	v4 =	vld.idx.msk [tilespmem:v2+s8+$0x1A0 ss:$0x1], $0xffff;
	_ =	sdelay $0x4  }
0xbd: {  	v4 =	vmul.f32 v4, v52;
	_ =	sdelay $0x1  }
0xbe: {  	[tilespmem:v2+s8+$0x1A0 ss:$0x1] =	vst.idx.msk $0xffff, v4  }
0xbf: {  	v4 =	vld.idx.msk [tilespmem:v2+s8+$0x1B0 ss:$0x1], $0xffff;
	_ =	sdelay $0x4  }
0xc0: {  	v4 =	vmul.f32 v4, v52;
	_ =	sdelay $0x1  }
0xc1: {  	[tilespmem:v2+s8+$0x1B0 ss:$0x1] =	vst.idx.msk $0xffff, v4  }
0xc2: {  	v4 =	vld.idx.msk [tilespmem:v2+s8+$0x1C0 ss:$0x1], $0xffff;
	_ =	sdelay $0x4  }
0xc3: {  	v4 =	vmul.f32 v4, v52;
	_ =	sdelay $0x1  }
0xc4: {  	[tilespmem:v2+s8+$0x1C0 ss:$0x1] =	vst.idx.msk $0xffff, v4  }
0xc5: {  	v4 =	vld.idx.msk [tilespmem:v2+s8+$0x1D0 ss:$0x1], $0xffff;
	_ =	sdelay $0x4  }
0xc6: {  	v4 =	vmul.f32 v4, v52;
	_ =	sdelay $0x1  }
0xc7: {  	[tilespmem:v2+s8+$0x1D0 ss:$0x1] =	vst.idx.msk $0xffff, v4  }
0xc8: {  	v4 =	vld.idx.msk [tilespmem:v2+s8+$0x1E0 ss:$0x1], $0xffff;
	_ =	sdelay $0x4  }
0xc9: {  	v4 =	vmul.f32 v4, v52;
	_ =	sdelay $0x1  }
0xca: {  	[tilespmem:v2+s8+$0x1E0 ss:$0x1] =	vst.idx.msk $0xffff, v4  }
0xcb: {  	v4 =	vld.idx.msk [tilespmem:v2+s8+$0x1F0 ss:$0x1], $0xffff;
	_ =	sdelay $0x4  }
0xcc: {  	v4 =	vmul.f32 v4, v52;
	_ =	sdelay $0x1  }
0xcd: {  	[tilespmem:v2+s8+$0x1F0 ss:$0x1] =	vst.idx.msk $0xffff, v4  }
0xce: {  	v4 =	vld.idx.msk [tilespmem:v2+s8+$0x200 ss:$0x1], $0xffff;
	_ =	sdelay $0x2  }
0xcf: {  	v53 =	vbroadcast v3, $0x4;
	_ =	sdelay $0x1  }
0xd0: {  	v4 =	vmul.f32 v4, v53;
	_ =	sdelay $0x1  }
0xd1: {  	[tilespmem:v2+s8+$0x200 ss:$0x1] =	vst.idx.msk $0xffff, v4  }
0xd2: {  	v4 =	vld.idx.msk [tilespmem:v2+s8+$0x210 ss:$0x1], $0xffff;
	_ =	sdelay $0x4  }
0xd3: {  	v4 =	vmul.f32 v4, v53;
	_ =	sdelay $0x1  }
0xd4: {  	[tilespmem:v2+s8+$0x210 ss:$0x1] =	vst.idx.msk $0xffff, v4  }
0xd5: {  	v4 =	vld.idx.msk [tilespmem:v2+s8+$0x220 ss:$0x1], $0xffff;
	_ =	sdelay $0x4  }
0xd6: {  	v4 =	vmul.f32 v4, v53;
	_ =	sdelay $0x1  }
0xd7: {  	[tilespmem:v2+s8+$0x220 ss:$0x1] =	vst.idx.msk $0xffff, v4  }
0xd8: {  	v4 =	vld.idx.msk [tilespmem:v2+s8+$0x230 ss:$0x1], $0xffff;
	_ =	sdelay $0x4  }
0xd9: {  	v4 =	vmul.f32 v4, v53;
	_ =	sdelay $0x1  }
0xda: {  	[tilespmem:v2+s8+$0x230 ss:$0x1] =	vst.idx.msk $0xffff, v4  }
0xdb: {  	v4 =	vld.idx.msk [tilespmem:v2+s8+$0x240 ss:$0x1], $0xffff;
	_ =	sdelay $0x4  }
0xdc: {  	v4 =	vmul.f32 v4, v53;
	_ =	sdelay $0x1  }
0xdd: {  	[tilespmem:v2+s8+$0x240 ss:$0x1] =	vst.idx.msk $0xffff, v4  }
0xde: {  	v4 =	vld.idx.msk [tilespmem:v2+s8+$0x250 ss:$0x1], $0xffff;
	_ =	sdelay $0x4  }
0xdf: {  	v4 =	vmul.f32 v4, v53;
	_ =	sdelay $0x1  }
0xe0: {  	[tilespmem:v2+s8+$0x250 ss:$0x1] =	vst.idx.msk $0xffff, v4  }
0xe1: {  	v4 =	vld.idx.msk [tilespmem:v2+s8+$0x260 ss:$0x1], $0xffff;
	_ =	sdelay $0x4  }
0xe2: {  	v4 =	vmul.f32 v4, v53;
	_ =	sdelay $0x1  }
0xe3: {  	[tilespmem:v2+s8+$0x260 ss:$0x1] =	vst.idx.msk $0xffff, v4  }
0xe4: {  	v4 =	vld.idx.msk [tilespmem:v2+s8+$0x270 ss:$0x1], $0xffff;
	_ =	sdelay $0x4  }
0xe5: {  	v4 =	vmul.f32 v4, v53;
	_ =	sdelay $0x1  }
0xe6: {  	[tilespmem:v2+s8+$0x270 ss:$0x1] =	vst.idx.msk $0xffff, v4  }
0xe7: {  	v4 =	vld.idx.msk [tilespmem:v2+s8+$0x280 ss:$0x1], $0xffff;
	_ =	sdelay $0x2  }
0xe8: {  	v54 =	vbroadcast v3, $0x5;
	_ =	sdelay $0x1  }
0xe9: {  	v4 =	vmul.f32 v4, v54;
	_ =	sdelay $0x1  }
0xea: {  	[tilespmem:v2+s8+$0x280 ss:$0x1] =	vst.idx.msk $0xffff, v4  }
0xeb: {  	v4 =	vld.idx.msk [tilespmem:v2+s8+$0x290 ss:$0x1], $0xffff;
	_ =	sdelay $0x4  }
0xec: {  	v4 =	vmul.f32 v4, v54;
	_ =	sdelay $0x1  }
0xed: {  	[tilespmem:v2+s8+$0x290 ss:$0x1] =	vst.idx.msk $0xffff, v4  }
0xee: {  	v4 =	vld.idx.msk [tilespmem:v2+s8+$0x2A0 ss:$0x1], $0xffff;
	_ =	sdelay $0x4  }
0xef: {  	v4 =	vmul.f32 v4, v54;
	_ =	sdelay $0x1  }
0xf0: {  	[tilespmem:v2+s8+$0x2A0 ss:$0x1] =	vst.idx.msk $0xffff, v4  }
0xf1: {  	v4 =	vld.idx.msk [tilespmem:v2+s8+$0x2B0 ss:$0x1], $0xffff;
	_ =	sdelay $0x4  }
0xf2: {  	v4 =	vmul.f32 v4, v54;
	_ =	sdelay $0x1  }
0xf3: {  	[tilespmem:v2+s8+$0x2B0 ss:$0x1] =	vst.idx.msk $0xffff, v4  }
0xf4: {  	v4 =	vld.idx.msk [tilespmem:v2+s8+$0x2C0 ss:$0x1], $0xffff;
	_ =	sdelay $0x4  }
0xf5: {  	v4 =	vmul.f32 v4, v54;
	_ =	sdelay $0x1  }
0xf6: {  	[tilespmem:v2+s8+$0x2C0 ss:$0x1] =	vst.idx.msk $0xffff, v4  }
0xf7: {  	v4 =	vld.idx.msk [tilespmem:v2+s8+$0x2D0 ss:$0x1], $0xffff;
	_ =	sdelay $0x4  }
0xf8: {  	v4 =	vmul.f32 v4, v54;
	_ =	sdelay $0x1  }
0xf9: {  	[tilespmem:v2+s8+$0x2D0 ss:$0x1] =	vst.idx.msk $0xffff, v4  }
0xfa: {  	v4 =	vld.idx.msk [tilespmem:v2+s8+$0x2E0 ss:$0x1], $0xffff;
	_ =	sdelay $0x4  }
0xfb: {  	v4 =	vmul.f32 v4, v54;
	_ =	sdelay $0x1  }
0xfc: {  	[tilespmem:v2+s8+$0x2E0 ss:$0x1] =	vst.idx.msk $0xffff, v4  }
0xfd: {  	v4 =	vld.idx.msk [tilespmem:v2+s8+$0x2F0 ss:$0x1], $0xffff;
	_ =	sdelay $0x4  }
0xfe: {  	v4 =	vmul.f32 v4, v54;
	_ =	sdelay $0x1  }
0xff: {  	[tilespmem:v2+s8+$0x2F0 ss:$0x1] =	vst.idx.msk $0xffff, v4  }
0x100: {  	v4 =	vld.idx.msk [tilespmem:v2+s8+$0x300 ss:$0x1], $0xffff;
	_ =	sdelay $0x2  }
0x101: {  	v55 =	vbroadcast v3, $0x6;
	_ =	sdelay $0x1  }
0x102: {  	v4 =	vmul.f32 v4, v55;
	_ =	sdelay $0x1  }
0x103: {  	[tilespmem:v2+s8+$0x300 ss:$0x1] =	vst.idx.msk $0xffff, v4  }
0x104: {  	v4 =	vld.idx.msk [tilespmem:v2+s8+$0x310 ss:$0x1], $0xffff;
	_ =	sdelay $0x4  }
0x105: {  	v4 =	vmul.f32 v4, v55;
	_ =	sdelay $0x1  }
0x106: {  	[tilespmem:v2+s8+$0x310 ss:$0x1] =	vst.idx.msk $0xffff, v4  }
0x107: {  	v4 =	vld.idx.msk [tilespmem:v2+s8+$0x320 ss:$0x1], $0xffff;
	_ =	sdelay $0x4  }
0x108: {  	v4 =	vmul.f32 v4, v55;
	_ =	sdelay $0x1  }
0x109: {  	[tilespmem:v2+s8+$0x320 ss:$0x1] =	vst.idx.msk $0xffff, v4  }
0x10a: {  	v4 =	vld.idx.msk [tilespmem:v2+s8+$0x330 ss:$0x1], $0xffff;
	_ =	sdelay $0x4  }
0x10b: {  	v4 =	vmul.f32 v4, v55;
	_ =	sdelay $0x1  }
0x10c: {  	[tilespmem:v2+s8+$0x330 ss:$0x1] =	vst.idx.msk $0xffff, v4  }
0x10d: {  	v4 =	vld.idx.msk [tilespmem:v2+s8+$0x340 ss:$0x1], $0xffff;
	_ =	sdelay $0x4  }
0x10e: {  	v4 =	vmul.f32 v4, v55;
	_ =	sdelay $0x1  }
0x10f: {  	[tilespmem:v2+s8+$0x340 ss:$0x1] =	vst.idx.msk $0xffff, v4  }
0x110: {  	v4 =	vld.idx.msk [tilespmem:v2+s8+$0x350 ss:$0x1], $0xffff;
	_ =	sdelay $0x4  }
0x111: {  	v4 =	vmul.f32 v4, v55;
	_ =	sdelay $0x1  }
0x112: {  	[tilespmem:v2+s8+$0x350 ss:$0x1] =	vst.idx.msk $0xffff, v4  }
0x113: {  	v4 =	vld.idx.msk [tilespmem:v2+s8+$0x360 ss:$0x1], $0xffff;
	_ =	sdelay $0x4  }
0x114: {  	v4 =	vmul.f32 v4, v55;
	_ =	sdelay $0x1  }
0x115: {  	[tilespmem:v2+s8+$0x360 ss:$0x1] =	vst.idx.msk $0xffff, v4  }
0x116: {  	v4 =	vld.idx.msk [tilespmem:v2+s8+$0x370 ss:$0x1], $0xffff;
	_ =	sdelay $0x4  }
0x117: {  	v4 =	vmul.f32 v4, v55;
	_ =	sdelay $0x1  }
0x118: {  	[tilespmem:v2+s8+$0x370 ss:$0x1] =	vst.idx.msk $0xffff, v4  }
0x119: {  	v4 =	vld.idx.msk [tilespmem:v2+s8+$0x380 ss:$0x1], $0xffff;
	_ =	sdelay $0x2  }
0x11a: {  	v56 =	vbroadcast v3, $0x7;
	_ =	sdelay $0x1  }
0x11b: {  	v4 =	vmul.f32 v4, v56;
	_ =	sdelay $0x1  }
0x11c: {  	[tilespmem:v2+s8+$0x380 ss:$0x1] =	vst.idx.msk $0xffff, v4  }
0x11d: {  	v4 =	vld.idx.msk [tilespmem:v2+s8+$0x390 ss:$0x1], $0xffff;
	_ =	sdelay $0x4  }
0x11e: {  	v4 =	vmul.f32 v4, v56;
	_ =	sdelay $0x1  }
0x11f: {  	[tilespmem:v2+s8+$0x390 ss:$0x1] =	vst.idx.msk $0xffff, v4  }
0x120: {  	v4 =	vld.idx.msk [tilespmem:v2+s8+$0x3A0 ss:$0x1], $0xffff;
	_ =	sdelay $0x4  }
0x121: {  	v4 =	vmul.f32 v4, v56;
	_ =	sdelay $0x1  }
0x122: {  	[tilespmem:v2+s8+$0x3A0 ss:$0x1] =	vst.idx.msk $0xffff, v4  }
0x123: {  	v4 =	vld.idx.msk [tilespmem:v2+s8+$0x3B0 ss:$0x1], $0xffff;
	_ =	sdelay $0x4  }
0x124: {  	v4 =	vmul.f32 v4, v56;
	_ =	sdelay $0x1  }
0x125: {  	[tilespmem:v2+s8+$0x3B0 ss:$0x1] =	vst.idx.msk $0xffff, v4  }
0x126: {  	v4 =	vld.idx.msk [tilespmem:v2+s8+$0x3C0 ss:$0x1], $0xffff;
	_ =	sdelay $0x4  }
0x127: {  	v4 =	vmul.f32 v4, v56;
	_ =	sdelay $0x1  }
0x128: {  	[tilespmem:v2+s8+$0x3C0 ss:$0x1] =	vst.idx.msk $0xffff, v4  }
0x129: {  	v4 =	vld.idx.msk [tilespmem:v2+s8+$0x3D0 ss:$0x1], $0xffff;
	_ =	sdelay $0x4  }
0x12a: {  	v4 =	vmul.f32 v4, v56;
	_ =	sdelay $0x1  }
0x12b: {  	[tilespmem:v2+s8+$0x3D0 ss:$0x1] =	vst.idx.msk $0xffff, v4  }
0x12c: {  	v4 =	vld.idx.msk [tilespmem:v2+s8+$0x3E0 ss:$0x1], $0xffff;
	_ =	sdelay $0x4  }
0x12d: {  	v4 =	vmul.f32 v4, v56;
	_ =	sdelay $0x1  }
0x12e: {  	[tilespmem:v2+s8+$0x3E0 ss:$0x1] =	vst.idx.msk $0xffff, v4  }
0x12f: {  	v4 =	vld.idx.msk [tilespmem:v2+s8+$0x3F0 ss:$0x1], $0xffff;
	_ =	sdelay $0x4  }
0x130: {  	v4 =	vmul.f32 v4, v56;
	_ =	sdelay $0x1  }
0x131: {  	[tilespmem:v2+s8+$0x3F0 ss:$0x1] =	vst.idx.msk $0xffff, v4  }
0x132: {  	v4 =	vld.idx.msk [tilespmem:v2+s8+$0x400 ss:$0x1], $0xffff;
	_ =	sdelay $0x2  }
0x133: {  	v57 =	vbroadcast v3, $0x8;
	_ =	sdelay $0x1  }
0x134: {  	v4 =	vmul.f32 v4, v57;
	_ =	sdelay $0x1  }
0x135: {  	[tilespmem:v2+s8+$0x400 ss:$0x1] =	vst.idx.msk $0xffff, v4  }
0x136: {  	v4 =	vld.idx.msk [tilespmem:v2+s8+$0x410 ss:$0x1], $0xffff;
	_ =	sdelay $0x4  }
0x137: {  	v4 =	vmul.f32 v4, v57;
	_ =	sdelay $0x1  }
0x138: {  	[tilespmem:v2+s8+$0x410 ss:$0x1] =	vst.idx.msk $0xffff, v4  }
0x139: {  	v4 =	vld.idx.msk [tilespmem:v2+s8+$0x420 ss:$0x1], $0xffff;
	_ =	sdelay $0x4  }
0x13a: {  	v4 =	vmul.f32 v4, v57;
	_ =	sdelay $0x1  }
0x13b: {  	[tilespmem:v2+s8+$0x420 ss:$0x1] =	vst.idx.msk $0xffff, v4  }
0x13c: {  	v4 =	vld.idx.msk [tilespmem:v2+s8+$0x430 ss:$0x1], $0xffff;
	_ =	sdelay $0x4  }
0x13d: {  	v4 =	vmul.f32 v4, v57;
	_ =	sdelay $0x1  }
0x13e: {  	[tilespmem:v2+s8+$0x430 ss:$0x1] =	vst.idx.msk $0xffff, v4  }
0x13f: {  	v4 =	vld.idx.msk [tilespmem:v2+s8+$0x440 ss:$0x1], $0xffff;
	_ =	sdelay $0x4  }
0x140: {  	v4 =	vmul.f32 v4, v57;
	_ =	sdelay $0x1  }
0x141: {  	[tilespmem:v2+s8+$0x440 ss:$0x1] =	vst.idx.msk $0xffff, v4  }
0x142: {  	v4 =	vld.idx.msk [tilespmem:v2+s8+$0x450 ss:$0x1], $0xffff;
	_ =	sdelay $0x4  }
0x143: {  	v4 =	vmul.f32 v4, v57;
	_ =	sdelay $0x1  }
0x144: {  	[tilespmem:v2+s8+$0x450 ss:$0x1] =	vst.idx.msk $0xffff, v4  }
0x145: {  	v4 =	vld.idx.msk [tilespmem:v2+s8+$0x460 ss:$0x1], $0xffff;
	_ =	sdelay $0x4  }
0x146: {  	v4 =	vmul.f32 v4, v57;
	_ =	sdelay $0x1  }
0x147: {  	[tilespmem:v2+s8+$0x460 ss:$0x1] =	vst.idx.msk $0xffff, v4  }
0x148: {  	v4 =	vld.idx.msk [tilespmem:v2+s8+$0x470 ss:$0x1], $0xffff;
	_ =	sdelay $0x4  }
0x149: {  	v4 =	vmul.f32 v4, v57;
	_ =	sdelay $0x1  }
0x14a: {  	[tilespmem:v2+s8+$0x470 ss:$0x1] =	vst.idx.msk $0xffff, v4  }
0x14b: {  	v4 =	vld.idx.msk [tilespmem:v2+s8+$0x480 ss:$0x1], $0xffff;
	_ =	sdelay $0x2  }
0x14c: {  	v58 =	vbroadcast v3, $0x9;
	_ =	sdelay $0x1  }
0x14d: {  	v4 =	vmul.f32 v4, v58;
	_ =	sdelay $0x1  }
0x14e: {  	[tilespmem:v2+s8+$0x480 ss:$0x1] =	vst.idx.msk $0xffff, v4  }
0x14f: {  	v4 =	vld.idx.msk [tilespmem:v2+s8+$0x490 ss:$0x1], $0xffff;
	_ =	sdelay $0x4  }
0x150: {  	v4 =	vmul.f32 v4, v58;
	_ =	sdelay $0x1  }
0x151: {  	[tilespmem:v2+s8+$0x490 ss:$0x1] =	vst.idx.msk $0xffff, v4  }
0x152: {  	v4 =	vld.idx.msk [tilespmem:v2+s8+$0x4A0 ss:$0x1], $0xffff;
	_ =	sdelay $0x4  }
0x153: {  	v4 =	vmul.f32 v4, v58;
	_ =	sdelay $0x1  }
0x154: {  	[tilespmem:v2+s8+$0x4A0 ss:$0x1] =	vst.idx.msk $0xffff, v4  }
0x155: {  	v4 =	vld.idx.msk [tilespmem:v2+s8+$0x4B0 ss:$0x1], $0xffff;
	_ =	sdelay $0x4  }
0x156: {  	v4 =	vmul.f32 v4, v58;
	_ =	sdelay $0x1  }
0x157: {  	[tilespmem:v2+s8+$0x4B0 ss:$0x1] =	vst.idx.msk $0xffff, v4  }
0x158: {  	v4 =	vld.idx.msk [tilespmem:v2+s8+$0x4C0 ss:$0x1], $0xffff;
	_ =	sdelay $0x4  }
0x159: {  	v4 =	vmul.f32 v4, v58;
	_ =	sdelay $0x1  }
0x15a: {  	[tilespmem:v2+s8+$0x4C0 ss:$0x1] =	vst.idx.msk $0xffff, v4  }
0x15b: {  	v4 =	vld.idx.msk [tilespmem:v2+s8+$0x4D0 ss:$0x1], $0xffff;
	_ =	sdelay $0x4  }
0x15c: {  	v4 =	vmul.f32 v4, v58;
	_ =	sdelay $0x1  }
0x15d: {  	[tilespmem:v2+s8+$0x4D0 ss:$0x1] =	vst.idx.msk $0xffff, v4  }
0x15e: {  	v4 =	vld.idx.msk [tilespmem:v2+s8+$0x4E0 ss:$0x1], $0xffff;
	_ =	sdelay $0x4  }
0x15f: {  	v4 =	vmul.f32 v4, v58;
	_ =	sdelay $0x1  }
0x160: {  	[tilespmem:v2+s8+$0x4E0 ss:$0x1] =	vst.idx.msk $0xffff, v4  }
0x161: {  	v4 =	vld.idx.msk [tilespmem:v2+s8+$0x4F0 ss:$0x1], $0xffff;
	_ =	sdelay $0x4  }
0x162: {  	v4 =	vmul.f32 v4, v58;
	_ =	sdelay $0x1  }
0x163: {  	[tilespmem:v2+s8+$0x4F0 ss:$0x1] =	vst.idx.msk $0xffff, v4  }
0x164: {  	v4 =	vld.idx.msk [tilespmem:v2+s8+$0x500 ss:$0x1], $0xffff;
	_ =	sdelay $0x2  }
0x165: {  	v59 =	vbroadcast v3, $0xA;
	_ =	sdelay $0x1  }
0x166: {  	v4 =	vmul.f32 v4, v59;
	_ =	sdelay $0x1  }
0x167: {  	[tilespmem:v2+s8+$0x500 ss:$0x1] =	vst.idx.msk $0xffff, v4  }
0x168: {  	v4 =	vld.idx.msk [tilespmem:v2+s8+$0x510 ss:$0x1], $0xffff;
	_ =	sdelay $0x4  }
0x169: {  	v4 =	vmul.f32 v4, v59;
	_ =	sdelay $0x1  }
0x16a: {  	[tilespmem:v2+s8+$0x510 ss:$0x1] =	vst.idx.msk $0xffff, v4  }
0x16b: {  	v4 =	vld.idx.msk [tilespmem:v2+s8+$0x520 ss:$0x1], $0xffff;
	_ =	sdelay $0x4  }
0x16c: {  	v4 =	vmul.f32 v4, v59;
	_ =	sdelay $0x1  }
0x16d: {  	[tilespmem:v2+s8+$0x520 ss:$0x1] =	vst.idx.msk $0xffff, v4  }
0x16e: {  	v4 =	vld.idx.msk [tilespmem:v2+s8+$0x530 ss:$0x1], $0xffff;
	_ =	sdelay $0x4  }
0x16f: {  	v4 =	vmul.f32 v4, v59;
	_ =	sdelay $0x1  }
0x170: {  	[tilespmem:v2+s8+$0x530 ss:$0x1] =	vst.idx.msk $0xffff, v4  }
0x171: {  	v4 =	vld.idx.msk [tilespmem:v2+s8+$0x540 ss:$0x1], $0xffff;
	_ =	sdelay $0x4  }
0x172: {  	v4 =	vmul.f32 v4, v59;
	_ =	sdelay $0x1  }
0x173: {  	[tilespmem:v2+s8+$0x540 ss:$0x1] =	vst.idx.msk $0xffff, v4  }
0x174: {  	v4 =	vld.idx.msk [tilespmem:v2+s8+$0x550 ss:$0x1], $0xffff;
	_ =	sdelay $0x4  }
0x175: {  	v4 =	vmul.f32 v4, v59;
	_ =	sdelay $0x1  }
0x176: {  	[tilespmem:v2+s8+$0x550 ss:$0x1] =	vst.idx.msk $0xffff, v4  }
0x177: {  	v4 =	vld.idx.msk [tilespmem:v2+s8+$0x560 ss:$0x1], $0xffff;
	_ =	sdelay $0x4  }
0x178: {  	v4 =	vmul.f32 v4, v59;
	_ =	sdelay $0x1  }
0x179: {  	[tilespmem:v2+s8+$0x560 ss:$0x1] =	vst.idx.msk $0xffff, v4  }
0x17a: {  	v4 =	vld.idx.msk [tilespmem:v2+s8+$0x570 ss:$0x1], $0xffff;
	_ =	sdelay $0x4  }
0x17b: {  	v4 =	vmul.f32 v4, v59;
	_ =	sdelay $0x1  }
0x17c: {  	[tilespmem:v2+s8+$0x570 ss:$0x1] =	vst.idx.msk $0xffff, v4  }
0x17d: {  	v4 =	vld.idx.msk [tilespmem:v2+s8+$0x580 ss:$0x1], $0xffff;
	_ =	sdelay $0x2  }
0x17e: {  	v60 =	vbroadcast v3, $0xB;
	_ =	sdelay $0x1  }
0x17f: {  	v4 =	vmul.f32 v4, v60;
	_ =	sdelay $0x1  }
0x180: {  	[tilespmem:v2+s8+$0x580 ss:$0x1] =	vst.idx.msk $0xffff, v4  }
0x181: {  	v4 =	vld.idx.msk [tilespmem:v2+s8+$0x590 ss:$0x1], $0xffff;
	_ =	sdelay $0x4  }
0x182: {  	v4 =	vmul.f32 v4, v60;
	_ =	sdelay $0x1  }
0x183: {  	[tilespmem:v2+s8+$0x590 ss:$0x1] =	vst.idx.msk $0xffff, v4  }
0x184: {  	v4 =	vld.idx.msk [tilespmem:v2+s8+$0x5A0 ss:$0x1], $0xffff;
	_ =	sdelay $0x4  }
0x185: {  	v4 =	vmul.f32 v4, v60;
	_ =	sdelay $0x1  }
0x186: {  	[tilespmem:v2+s8+$0x5A0 ss:$0x1] =	vst.idx.msk $0xffff, v4  }
0x187: {  	v4 =	vld.idx.msk [tilespmem:v2+s8+$0x5B0 ss:$0x1], $0xffff;
	_ =	sdelay $0x4  }
0x188: {  	v4 =	vmul.f32 v4, v60;
	_ =	sdelay $0x1  }
0x189: {  	[tilespmem:v2+s8+$0x5B0 ss:$0x1] =	vst.idx.msk $0xffff, v4  }
0x18a: {  	v4 =	vld.idx.msk [tilespmem:v2+s8+$0x5C0 ss:$0x1], $0xffff;
	_ =	sdelay $0x4  }
0x18b: {  	v4 =	vmul.f32 v4, v60;
	_ =	sdelay $0x1  }
0x18c: {  	[tilespmem:v2+s8+$0x5C0 ss:$0x1] =	vst.idx.msk $0xffff, v4  }
0x18d: {  	v4 =	vld.idx.msk [tilespmem:v2+s8+$0x5D0 ss:$0x1], $0xffff;
	_ =	sdelay $0x4  }
0x18e: {  	v4 =	vmul.f32 v4, v60;
	_ =	sdelay $0x1  }
0x18f: {  	[tilespmem:v2+s8+$0x5D0 ss:$0x1] =	vst.idx.msk $0xffff, v4  }
0x190: {  	v4 =	vld.idx.msk [tilespmem:v2+s8+$0x5E0 ss:$0x1], $0xffff;
	_ =	sdelay $0x4  }
0x191: {  	v4 =	vmul.f32 v4, v60;
	_ =	sdelay $0x1  }
0x192: {  	[tilespmem:v2+s8+$0x5E0 ss:$0x1] =	vst.idx.msk $0xffff, v4  }
0x193: {  	v4 =	vld.idx.msk [tilespmem:v2+s8+$0x5F0 ss:$0x1], $0xffff;
	_ =	sdelay $0x4  }
0x194: {  	v4 =	vmul.f32 v4, v60;
	_ =	sdelay $0x1  }
0x195: {  	[tilespmem:v2+s8+$0x5F0 ss:$0x1] =	vst.idx.msk $0xffff, v4  }
0x196: {  	v4 =	vld.idx.msk [tilespmem:v2+s8+$0x600 ss:$0x1], $0xffff;
	_ =	sdelay $0x2  }
0x197: {  	v61 =	vbroadcast v3, $0xC;
	_ =	sdelay $0x1  }
0x198: {  	v4 =	vmul.f32 v4, v61;
	_ =	sdelay $0x1  }
0x199: {  	[tilespmem:v2+s8+$0x600 ss:$0x1] =	vst.idx.msk $0xffff, v4  }
0x19a: {  	v4 =	vld.idx.msk [tilespmem:v2+s8+$0x610 ss:$0x1], $0xffff;
	_ =	sdelay $0x4  }
0x19b: {  	v4 =	vmul.f32 v4, v61;
	_ =	sdelay $0x1  }
0x19c: {  	[tilespmem:v2+s8+$0x610 ss:$0x1] =	vst.idx.msk $0xffff, v4  }
0x19d: {  	v4 =	vld.idx.msk [tilespmem:v2+s8+$0x620 ss:$0x1], $0xffff;
	_ =	sdelay $0x4  }
0x19e: {  	v4 =	vmul.f32 v4, v61;
	_ =	sdelay $0x1  }
0x19f: {  	[tilespmem:v2+s8+$0x620 ss:$0x1] =	vst.idx.msk $0xffff, v4  }
0x1a0: {  	v4 =	vld.idx.msk [tilespmem:v2+s8+$0x630 ss:$0x1], $0xffff;
	_ =	sdelay $0x4  }
0x1a1: {  	v4 =	vmul.f32 v4, v61;
	_ =	sdelay $0x1  }
0x1a2: {  	[tilespmem:v2+s8+$0x630 ss:$0x1] =	vst.idx.msk $0xffff, v4  }
0x1a3: {  	v4 =	vld.idx.msk [tilespmem:v2+s8+$0x640 ss:$0x1], $0xffff;
	_ =	sdelay $0x4  }
0x1a4: {  	v4 =	vmul.f32 v4, v61;
	_ =	sdelay $0x1  }
0x1a5: {  	[tilespmem:v2+s8+$0x640 ss:$0x1] =	vst.idx.msk $0xffff, v4  }
0x1a6: {  	v4 =	vld.idx.msk [tilespmem:v2+s8+$0x650 ss:$0x1], $0xffff;
	_ =	sdelay $0x4  }
0x1a7: {  	v4 =	vmul.f32 v4, v61;
	_ =	sdelay $0x1  }
0x1a8: {  	[tilespmem:v2+s8+$0x650 ss:$0x1] =	vst.idx.msk $0xffff, v4  }
0x1a9: {  	v4 =	vld.idx.msk [tilespmem:v2+s8+$0x660 ss:$0x1], $0xffff;
	_ =	sdelay $0x4  }
0x1aa: {  	v4 =	vmul.f32 v4, v61;
	_ =	sdelay $0x1  }
0x1ab: {  	[tilespmem:v2+s8+$0x660 ss:$0x1] =	vst.idx.msk $0xffff, v4  }
0x1ac: {  	v4 =	vld.idx.msk [tilespmem:v2+s8+$0x670 ss:$0x1], $0xffff;
	_ =	sdelay $0x4  }
0x1ad: {  	v4 =	vmul.f32 v4, v61;
	_ =	sdelay $0x1  }
0x1ae: {  	[tilespmem:v2+s8+$0x670 ss:$0x1] =	vst.idx.msk $0xffff, v4  }
0x1af: {  	v4 =	vld.idx.msk [tilespmem:v2+s8+$0x680 ss:$0x1], $0xffff;
	_ =	sdelay $0x2  }
0x1b0: {  	v62 =	vbroadcast v3, $0xD;
	_ =	sdelay $0x1  }
0x1b1: {  	v4 =	vmul.f32 v4, v62;
	_ =	sdelay $0x1  }
0x1b2: {  	[tilespmem:v2+s8+$0x680 ss:$0x1] =	vst.idx.msk $0xffff, v4  }
0x1b3: {  	v4 =	vld.idx.msk [tilespmem:v2+s8+$0x690 ss:$0x1], $0xffff;
	_ =	sdelay $0x4  }
0x1b4: {  	v4 =	vmul.f32 v4, v62;
	_ =	sdelay $0x1  }
0x1b5: {  	[tilespmem:v2+s8+$0x690 ss:$0x1] =	vst.idx.msk $0xffff, v4  }
0x1b6: {  	v4 =	vld.idx.msk [tilespmem:v2+s8+$0x6A0 ss:$0x1], $0xffff;
	_ =	sdelay $0x4  }
0x1b7: {  	v4 =	vmul.f32 v4, v62;
	_ =	sdelay $0x1  }
0x1b8: {  	[tilespmem:v2+s8+$0x6A0 ss:$0x1] =	vst.idx.msk $0xffff, v4  }
0x1b9: {  	v4 =	vld.idx.msk [tilespmem:v2+s8+$0x6B0 ss:$0x1], $0xffff;
	_ =	sdelay $0x4  }
0x1ba: {  	v4 =	vmul.f32 v4, v62;
	_ =	sdelay $0x1  }
0x1bb: {  	[tilespmem:v2+s8+$0x6B0 ss:$0x1] =	vst.idx.msk $0xffff, v4  }
0x1bc: {  	v4 =	vld.idx.msk [tilespmem:v2+s8+$0x6C0 ss:$0x1], $0xffff;
	_ =	sdelay $0x4  }
0x1bd: {  	v4 =	vmul.f32 v4, v62;
	_ =	sdelay $0x1  }
0x1be: {  	[tilespmem:v2+s8+$0x6C0 ss:$0x1] =	vst.idx.msk $0xffff, v4  }
0x1bf: {  	v4 =	vld.idx.msk [tilespmem:v2+s8+$0x6D0 ss:$0x1], $0xffff;
	_ =	sdelay $0x4  }
0x1c0: {  	v4 =	vmul.f32 v4, v62;
	_ =	sdelay $0x1  }
0x1c1: {  	[tilespmem:v2+s8+$0x6D0 ss:$0x1] =	vst.idx.msk $0xffff, v4  }
0x1c2: {  	v4 =	vld.idx.msk [tilespmem:v2+s8+$0x6E0 ss:$0x1], $0xffff;
	_ =	sdelay $0x4  }
0x1c3: {  	v4 =	vmul.f32 v4, v62;
	_ =	sdelay $0x1  }
0x1c4: {  	[tilespmem:v2+s8+$0x6E0 ss:$0x1] =	vst.idx.msk $0xffff, v4  }
0x1c5: {  	v4 =	vld.idx.msk [tilespmem:v2+s8+$0x6F0 ss:$0x1], $0xffff;
	_ =	sdelay $0x4  }
0x1c6: {  	v4 =	vmul.f32 v4, v62;
	_ =	sdelay $0x1  }
0x1c7: {  	[tilespmem:v2+s8+$0x6F0 ss:$0x1] =	vst.idx.msk $0xffff, v4  }
0x1c8: {  	v4 =	vld.idx.msk [tilespmem:v2+s8+$0x700 ss:$0x1], $0xffff;
	_ =	sdelay $0x2  }
0x1c9: {  	v63 =	vbroadcast v3, $0xE;
	_ =	sdelay $0x1  }
0x1ca: {  	v4 =	vmul.f32 v4, v63;
	_ =	sdelay $0x1  }
0x1cb: {  	[tilespmem:v2+s8+$0x700 ss:$0x1] =	vst.idx.msk $0xffff, v4  }
0x1cc: {  	v4 =	vld.idx.msk [tilespmem:v2+s8+$0x710 ss:$0x1], $0xffff;
	_ =	sdelay $0x4  }
0x1cd: {  	v4 =	vmul.f32 v4, v63;
	_ =	sdelay $0x1  }
0x1ce: {  	[tilespmem:v2+s8+$0x710 ss:$0x1] =	vst.idx.msk $0xffff, v4  }
0x1cf: {  	v4 =	vld.idx.msk [tilespmem:v2+s8+$0x720 ss:$0x1], $0xffff;
	_ =	sdelay $0x4  }
0x1d0: {  	v4 =	vmul.f32 v4, v63;
	_ =	sdelay $0x1  }
0x1d1: {  	[tilespmem:v2+s8+$0x720 ss:$0x1] =	vst.idx.msk $0xffff, v4  }
0x1d2: {  	v4 =	vld.idx.msk [tilespmem:v2+s8+$0x730 ss:$0x1], $0xffff;
	_ =	sdelay $0x4  }
0x1d3: {  	v4 =	vmul.f32 v4, v63;
	_ =	sdelay $0x1  }
0x1d4: {  	[tilespmem:v2+s8+$0x730 ss:$0x1] =	vst.idx.msk $0xffff, v4  }
0x1d5: {  	v4 =	vld.idx.msk [tilespmem:v2+s8+$0x740 ss:$0x1], $0xffff;
	_ =	sdelay $0x4  }
0x1d6: {  	v4 =	vmul.f32 v4, v63;
	_ =	sdelay $0x1  }
0x1d7: {  	[tilespmem:v2+s8+$0x740 ss:$0x1] =	vst.idx.msk $0xffff, v4  }
0x1d8: {  	v4 =	vld.idx.msk [tilespmem:v2+s8+$0x750 ss:$0x1], $0xffff;
	_ =	sdelay $0x4  }
0x1d9: {  	v4 =	vmul.f32 v4, v63;
	_ =	sdelay $0x1  }
0x1da: {  	[tilespmem:v2+s8+$0x750 ss:$0x1] =	vst.idx.msk $0xffff, v4  }
0x1db: {  	v4 =	vld.idx.msk [tilespmem:v2+s8+$0x760 ss:$0x1], $0xffff;
	_ =	sdelay $0x4  }
0x1dc: {  	v4 =	vmul.f32 v4, v63;
	_ =	sdelay $0x1  }
0x1dd: {  	[tilespmem:v2+s8+$0x760 ss:$0x1] =	vst.idx.msk $0xffff, v4  }
0x1de: {  	v4 =	vld.idx.msk [tilespmem:v2+s8+$0x770 ss:$0x1], $0xffff;
	_ =	sdelay $0x4  }
0x1df: {  	v4 =	vmul.f32 v4, v63;
	_ =	sdelay $0x1  }
0x1e0: {  	[tilespmem:v2+s8+$0x770 ss:$0x1] =	vst.idx.msk $0xffff, v4  }
0x1e1: {  	v4 =	vld.idx.msk [tilespmem:v2+s8+$0x780 ss:$0x1], $0xffff;
	_ =	sdelay $0x2  }
0x1e2: {  	v3 =	vbroadcast v3, $0xF;
	_ =	sdelay $0x1  }
0x1e3: {  	v4 =	vmul.f32 v4, v3;
	_ =	sdelay $0x1  }
0x1e4: {  	[tilespmem:v2+s8+$0x780 ss:$0x1] =	vst.idx.msk $0xffff, v4  }
0x1e5: {  	v4 =	vld.idx.msk [tilespmem:v2+s8+$0x790 ss:$0x1], $0xffff;
	_ =	sdelay $0x4  }
0x1e6: {  	v4 =	vmul.f32 v4, v3;
	_ =	sdelay $0x1  }
0x1e7: {  	[tilespmem:v2+s8+$0x790 ss:$0x1] =	vst.idx.msk $0xffff, v4  }
0x1e8: {  	v4 =	vld.idx.msk [tilespmem:v2+s8+$0x7A0 ss:$0x1], $0xffff;
	_ =	sdelay $0x4  }
0x1e9: {  	v4 =	vmul.f32 v4, v3;
	_ =	sdelay $0x1  }
0x1ea: {  	[tilespmem:v2+s8+$0x7A0 ss:$0x1] =	vst.idx.msk $0xffff, v4  }
0x1eb: {  	v4 =	vld.idx.msk [tilespmem:v2+s8+$0x7B0 ss:$0x1], $0xffff;
	_ =	sdelay $0x4  }
0x1ec: {  	v4 =	vmul.f32 v4, v3;
	_ =	sdelay $0x1  }
0x1ed: {  	[tilespmem:v2+s8+$0x7B0 ss:$0x1] =	vst.idx.msk $0xffff, v4  }
0x1ee: {  	v4 =	vld.idx.msk [tilespmem:v2+s8+$0x7C0 ss:$0x1], $0xffff;
	_ =	sdelay $0x4  }
0x1ef: {  	v4 =	vmul.f32 v4, v3;
	_ =	sdelay $0x1  }
0x1f0: {  	[tilespmem:v2+s8+$0x7C0 ss:$0x1] =	vst.idx.msk $0xffff, v4  }
0x1f1: {  	v4 =	vld.idx.msk [tilespmem:v2+s8+$0x7D0 ss:$0x1], $0xffff;
	_ =	sdelay $0x4  }
0x1f2: {  	v4 =	vmul.f32 v4, v3;
	_ =	sdelay $0x1  }
0x1f3: {  	[tilespmem:v2+s8+$0x7D0 ss:$0x1] =	vst.idx.msk $0xffff, v4  }
0x1f4: {  	v4 =	vld.idx.msk [tilespmem:v2+s8+$0x7E0 ss:$0x1], $0xffff;
	_ =	sdelay $0x4  }
0x1f5: {  	v4 =	vmul.f32 v4, v3;
	_ =	sdelay $0x1  }
0x1f6: {  	[tilespmem:v2+s8+$0x7E0 ss:$0x1] =	vst.idx.msk $0xffff, v4  }
0x1f7: {  	v4 =	vld.idx.msk [tilespmem:v2+s8+$0x7F0 ss:$0x1], $0xffff;
	_ =	sdelay $0x1  }
0x1f8: {  	p1 =	sne.s32 s3, $0x7  }
.Ltmp3:
0x1f9: {  	_ = 	snop;
	(pc) =	sbr.rel @p1 .LBB2_6-.Ltmp3, $3  }
0x1fa: {  	_ = 	snop  }
0x1fb: {  	v3 =	vmul.f32 v4, v3;
	_ =	sdelay $0x1  }
0x1fc: {  	s3 =	sadd.s32 $0x1, s3;
	[tilespmem:v2+s8+$0x7F0 ss:$0x1] =	vst.idx.msk $0xffff, v3  }
0x1fd: {  	s3 =	sshll.u32 s19, $0xE;
	p1 =	sne.s32 s0, $0x8  }
.Ltmp4:
0x1fe: {  	s8 =	sadd.s32 s20, s31;
	s3 =	sor.u32 $0x1800, s3;
	(pc) =	sbr.rel @p1 .LBB2_5-.Ltmp4, $4  }
0x1ff: {  	[spmem:s2] =	stream.indirect.scatter.add.f32 [tilespmem:s3], [sflag:$0x3], $0x80, s8, s24, $0xb8;
	[tilespmem:$0x1D800] =	vst v63  }
0x200: {  	_ =	swait.ge [sflag:s22], $0x4000  }
0x201: {  	[sflag:s22] =	ssyncset.done $0x0  }
0x202: {  	[sflag:s22] =	ssyncadd.s32 $0xFFFFC000  }
.Ltmp5:
0x203: {  	(pc) =	sbr.rel @p0 .LBB2_10-.Ltmp5, $1  }
0x204: {  	_ =	sdelay $0x3  }
0x205: {  	_ =	swait.ge [sflag:s23], $0x400  }
0x206: {  	[sflag:s23] =	ssyncset.done $0x0  }
0x207: {  	[sflag:s23] =	ssyncadd.s32 $0xFFFFFC00  }
0x208: {  	_ =	swait.ge [sflag:s23], $0x400  }
.Ltmp6:
0x209: {  	[sflag:s23] =	ssyncset.done $0x0;
	(pc) =	sbr.rel .LBB2_4-.Ltmp6, $4  }
0x20a: {  	[sflag:s23] =	ssyncadd.s32 $0xFFFFFC00  }
0x20b: {  	_ =	swait.ge [sflag:s23], $0x400  }
0x20c: {  	[sflag:s23] =	ssyncset.done $0x0  }
0x20d: {  	[sflag:s23] =	ssyncadd.s32 $0xFFFFFC00  }
.LBB2_11:
0x20e: {  	_ =	sfence.sel $0x180000  }
0x20f: {  	[bflag:$0x0] =	sbarrier.arrive $0xFFFF  }
0x210: {  	_ =	strace $0x90000047  }
0x211: {  	s0 =	stileid.u32;
	[bflag:$0x2] =	sbarrier.arrive $0xFFFF  }
0x212: {  	p0 =	sne.s32 s0, $0x0;
	s0 =	rddreg [dreg:$0x3]  }
0x213: {  	s0 =	sadd.s32 @!p0 $0x100000, s0  }
0x214: {  	[sflag:s0] =	ssyncadd.tile.s32 @!p0 $0x1;
	_ =	shalt  }
.Lfunc_end2:
_tile_overlayer_lowered:
.L_overlay_start_2:
0x215: {  	(tag) =	ssettag $0x2  }
0x216: {  	s0 =	rddreg [dreg:$0x0];
	s2 =	stileid.u32  }
0x217: {  	s1 =	rddreg [dreg:$0x1];
	p0 =	sne.s32 s2, $0x0  }
0x218: {  	s3 =	rddreg [dreg:$0x2];
	[bflag:$0x3] =	sbarrier.arrive $0xFFFF;
	s2 =	simm.s32 @!p0 $0x1C03  }
0x219: {  	[timem:s3], [sflag:s2] =	dma.local @!p0 [hbm:s0], s1  }
0x21a: {  	s0 =	simm.s32 @!p0 $0x3  }
0x21b: {  	_ =	swait.ge @!p0 [sflag:s0], s1  }
0x21c: {  	s1 =	ssub.s32 @!p0 $0x0, s1;
	[sflag:s0] =	ssyncset.done @!p0 $0x0  }
0x21d: {  	[sflag:s0] =	ssyncadd.s32 @!p0 s1  }
0x21e: {  	[bflag:$0x3] =	sbarrier.arrive $0xFFFF  }
0x21f: {  	_ =	shalt  }

</sc_bundles>
